<compile_context>
chip_gen: v7x
topology: tpu7x:2x2x1
jax: 0.10.2.dev20260603
libtpu: 0.0.44.dev20260713+nightly
codegen_flags: <defaults>
</compile_context>

<pallas_src>
import functools

import jax
import jax.numpy as jnp
from jax import lax
from jax.experimental import pallas as pl
from jax.experimental.pallas import tpu as pltpu
from jax.experimental.pallas import tpu_sc as plsc

V, D = 30522, 768
B, L = 4096, 200
NOUT = 10
DP = 16


_BM = 4096


VP = 30528
_PACK = 128 // DP


def _tw_body(t_ref, wt_ref, o_ref):
    p10 = lax.dot_general(t_ref[...], wt_ref[...] * INV_L,
                          (((1,), (1,)), ((), ())),
                          preferred_element_type=jnp.float32)
    p = jnp.concatenate(
        [p10, jnp.zeros((_BM, DP - NOUT), jnp.float32)], axis=1)
    p3 = p.reshape(_BM // _PACK, _PACK, DP)
    o_ref[...] = jnp.concatenate([p3[:, r, :] for r in range(_PACK)], axis=1)


def _table_times_w(table, wt):
    return pl.pallas_call(
        _tw_body,
        grid=(pl.cdiv(V, _BM),),
        in_specs=[
            pl.BlockSpec((_BM, D), lambda i: (i, 0)),
            pl.BlockSpec((NOUT, D), lambda i: (0, 0)),
        ],
        out_specs=pl.BlockSpec((_BM // _PACK, 128), lambda i: (i, 0)),
        out_shape=jax.ShapeDtypeStruct((VP // _PACK, 128), jnp.float32),
    )(table, wt)



NC, NS = 2, 16
NW = NC * NS
BPW = B // NW
CT = 25
CI = CT * BPW
NCHUNK = L // CT
INV_L = 1.0 / L


@functools.lru_cache(maxsize=1)
def _make_sc_pool():
    mesh = plsc.VectorSubcoreMesh(core_axis_name="c", subcore_axis_name="s")

    @functools.partial(
        pl.kernel,
        mesh=mesh,
        out_type=jax.ShapeDtypeStruct((B, DP), jnp.float32),
        compiler_params=pltpu.CompilerParams(use_tc_tiling_on_sc=False),
        scratch_types=[
            pltpu.VMEM((L, BPW), jnp.int32),
            pltpu.VMEM((CI, DP), jnp.float32),
            pltpu.VMEM((CI, DP), jnp.float32),
            pltpu.VMEM((BPW, DP), jnp.float32),
            pltpu.VMEM((DP,), jnp.float32),
            pltpu.SemaphoreType.DMA,
            pltpu.SemaphoreType.DMA,
        ],
    )
    def k(xt_hbm, tw_hbm, b_hbm, out_hbm, idx_v, buf0, buf1, out_v, b_v,
          sem0, sem1):
        wid = lax.axis_index("s") * NC + lax.axis_index("c")
        base = wid * BPW
        pltpu.sync_copy(xt_hbm.at[:, pl.ds(base, BPW)], idx_v)
        pltpu.sync_copy(b_hbm, b_v.at[pl.ds(0, NOUT)])

        def chunk_copies(c, buf, sem):
            cps = []
            for t in range(CT):
                src = tw_hbm.at[idx_v.at[c * CT + t]]
                dst = buf.at[pl.ds(t * BPW, BPW)]
                cps.append(pltpu.make_async_copy(src, dst, sem))
            return cps

        def start_chunk(c, buf, sem):
            for cp in chunk_copies(c, buf, sem):
                cp.start()

        def wait_chunk(c, buf, sem):
            for cp in chunk_copies(c, buf, sem):
                cp.wait()

        def accum_chunk(buf):
            def rbody(i, carry):
                for q in range(2):
                    r = 2 * i + q
                    accs = [buf[t * BPW + r] for t in range(5)]
                    for t in range(5, CT):
                        accs[t % 5] = accs[t % 5] + buf[t * BPW + r]
                    s = (accs[0] + accs[1]) + (accs[2] + accs[3]) + accs[4]
                    out_v[r] = out_v[r] + s
                return carry

            lax.fori_loop(0, BPW // 2, rbody, 0)

        def init_out(r, carry):
            out_v[r] = b_v[...]
            return carry

        lax.fori_loop(0, BPW, init_out, 0)

        start_chunk(0, buf0, sem0)

        def body(cc, carry):
            ca = 2 * cc
            start_chunk(ca + 1, buf1, sem1)
            wait_chunk(ca, buf0, sem0)
            accum_chunk(buf0)

            @pl.when(cc < NCHUNK // 2 - 1)
            def _():
                start_chunk(ca + 2, buf0, sem0)

            wait_chunk(ca + 1, buf1, sem1)
            accum_chunk(buf1)
            return carry

        lax.fori_loop(0, NCHUNK // 2, body, 0)
        pltpu.sync_copy(out_v, out_hbm.at[pl.ds(base, BPW)])

    return k


def kernel(x, table, W, b):
    tw = _table_times_w(table, W.T).reshape(VP, DP)
    out_pad = _make_sc_pool()(x.T, tw, b)
    return out_pad[:, :NOUT]

# --- scband reference (transcript-rebuilt; emitter-appended) ---
"""Pipeline reference for scband-my-model-61933428414186 (READ-ONLY COPY).

The authoritative reference and input builder live on the scoring server;
editing this copy changes nothing except your own understanding.
"""

import jax, jax.numpy as jnp
import numpy as np


def setup_inputs(seed: int = 0) -> dict:
    key = jax.random.key(seed)
    k1, k2, k3, k4 = jax.random.split(key, 4)
    x = jax.random.randint(k1, (4096, 200), 0, 30522, dtype=jnp.int64 if jax.config.jax_enable_x64 else jnp.int32).astype(jnp.int32)
    table = jax.random.normal(k2, (30522, 768), dtype=jnp.float32) * 0.02
    W = jax.random.normal(k3, (768, 10), dtype=jnp.float32) * 0.02
    b = jax.random.normal(k4, (10,), dtype=jnp.float32) * 0.02
    return {"x": x, "table": table, "W": W, "b": b}


def reference(x, table, W, b):
    # embedding lookup: gather rows of table
    emb = jnp.take(table, x, axis=0)           # [B, L, 768]
    pooled = emb.mean(axis=1)                   # [B, 768]
    out = pooled @ W + b                        # [B, 10]
    return out

if __name__ == "__main__":
    import jax
    _d = setup_inputs()
    print(jax.jit(kernel)(*tuple(_d.values())))

</pallas_src>

<mosaic_0001>
#map = affine_map<(d0, d1) -> (0, 0)>
#map1 = affine_map<(d0, d1) -> (0)>
module attributes {stable_mosaic.version = 14 : i64} {
  func.func @k(%arg0: i32, %arg1: i32, %arg2: memref<200x4096xi32, #tpu.memory_space<hbm>>, %arg3: memref<30528x16xf32, #tpu.memory_space<hbm>>, %arg4: memref<10xf32, #tpu.memory_space<hbm>>, %arg5: memref<4096x16xf32, #tpu.memory_space<hbm>>, %arg6: memref<200x128xi32, #tpu.memory_space<vmem>>, %arg7: memref<3200x16xf32, #tpu.memory_space<vmem>>, %arg8: memref<3200x16xf32, #tpu.memory_space<vmem>>, %arg9: memref<128x16xf32, #tpu.memory_space<vmem>>, %arg10: memref<16xf32, #tpu.memory_space<vmem>>, %arg11: memref<!tpu.dma_semaphore, #tpu.memory_space<semaphore_mem>>, %arg12: memref<!tpu.dma_semaphore, #tpu.memory_space<semaphore_mem>>) attributes {dimension_semantics = [#tpu.dimension_semantics<core_parallel>, #tpu.dimension_semantics<subcore_parallel>], iteration_bounds = array<i64: 2, 16>, scalar_prefetch = 0 : i64, scratch_operands = 7 : i64, tpu.core_type = #tpu.core_type<sc_vector_subcore>, window_params = [{transform_indices = #map}, {transform_indices = #map}, {transform_indices = #map1}, {transform_indices = #map}]} {
    %mul3A = arith.constant 2 : i32
    %mul3A_0 = arith.muli %arg1, %mul3A : i32
    %add3A = arith.addi %mul3A_0, %arg0 : i32
    %mul3A_1 = arith.constant 128 : i32
    %mul3A_2 = arith.muli %add3A, %mul3A_1 : i32
    "tpu.region"() ({
      %run_scoped3A = tpu.sem_alloc : memref<!tpu.dma_semaphore, #tpu.memory_space<semaphore_mem>>
      %dma_start3A_263 = arith.constant 0 : i32
      %dma_start3A_264 = tpu.memref_slice %arg2[%dma_start3A_263, %mul3A_2] : memref<200x4096xi32, #tpu.memory_space<hbm>> -> memref<200x128xi32, #tpu.memory_space<hbm>>
      %dma_start3A_265 = arith.constant 0 : i32
      %dma_start3A_266 = tpu.memref_slice %arg2[%dma_start3A_265, %mul3A_2] : memref<200x4096xi32, #tpu.memory_space<hbm>> -> memref<200x128xi32, #tpu.memory_space<hbm>>
      tpu.enqueue_dma source(%dma_start3A_266 : memref<200x128xi32, #tpu.memory_space<hbm>>) target(%arg6 : memref<200x128xi32, #tpu.memory_space<vmem>>) target_semaphore(%run_scoped3A : memref<!tpu.dma_semaphore, #tpu.memory_space<semaphore_mem>>)
      %dma_wait3A = arith.constant 0 : i32
      %dma_wait3A_267 = tpu.memref_slice %arg2[%dma_wait3A, %mul3A_2] : memref<200x4096xi32, #tpu.memory_space<hbm>> -> memref<200x128xi32, #tpu.memory_space<hbm>>
      %dma_wait3A_268 = arith.constant 0 : i32
      %dma_wait3A_269 = tpu.memref_slice %arg2[%dma_wait3A_268, %mul3A_2] : memref<200x4096xi32, #tpu.memory_space<hbm>> -> memref<200x128xi32, #tpu.memory_space<hbm>>
      tpu.wait_dma2 semaphore(%run_scoped3A : memref<!tpu.dma_semaphore, #tpu.memory_space<semaphore_mem>>) src(%dma_wait3A_269 : memref<200x128xi32, #tpu.memory_space<hbm>>) dst(%arg6 : memref<200x128xi32, #tpu.memory_space<vmem>>)
      tpu.yield
    }) : () -> ()
    "tpu.region"() ({
      %run_scoped3A = tpu.sem_alloc : memref<!tpu.dma_semaphore, #tpu.memory_space<semaphore_mem>>
      %dma_start3A_263 = arith.constant 0 : i32
      %dma_start3A_264 = tpu.memref_slice %arg10[%dma_start3A_263] : memref<16xf32, #tpu.memory_space<vmem>> -> memref<10xf32, #tpu.memory_space<vmem>>
      %dma_start3A_265 = arith.constant 0 : i32
      %dma_start3A_266 = tpu.memref_slice %arg10[%dma_start3A_265] : memref<16xf32, #tpu.memory_space<vmem>> -> memref<10xf32, #tpu.memory_space<vmem>>
      tpu.enqueue_dma source(%arg4 : memref<10xf32, #tpu.memory_space<hbm>>) target(%dma_start3A_266 : memref<10xf32, #tpu.memory_space<vmem>>) target_semaphore(%run_scoped3A : memref<!tpu.dma_semaphore, #tpu.memory_space<semaphore_mem>>)
      %dma_wait3A = arith.constant 0 : i32
      %dma_wait3A_267 = tpu.memref_slice %arg10[%dma_wait3A] : memref<16xf32, #tpu.memory_space<vmem>> -> memref<10xf32, #tpu.memory_space<vmem>>
      %dma_wait3A_268 = arith.constant 0 : i32
      %dma_wait3A_269 = tpu.memref_slice %arg10[%dma_wait3A_268] : memref<16xf32, #tpu.memory_space<vmem>> -> memref<10xf32, #tpu.memory_space<vmem>>
      tpu.wait_dma2 semaphore(%run_scoped3A : memref<!tpu.dma_semaphore, #tpu.memory_space<semaphore_mem>>) src(%arg4 : memref<10xf32, #tpu.memory_space<hbm>>) dst(%dma_wait3A_269 : memref<10xf32, #tpu.memory_space<vmem>>)
      tpu.yield
    }) : () -> ()
    %scan3A = arith.constant 0 : i32
    %scan3A_3 = arith.constant 0 : i32
    %scan3A_4 = arith.constant 128 : i32
    %scan3A_5 = arith.addi %scan3A_3, %scan3A_4 : i32
    %scan3A_6 = arith.constant 1 : i32
    scf.for %scan3A_263 = %scan3A_3 to %scan3A_5 step %scan3A_6  : i32 {
      %get3A = arith.constant 0 : index
      %get3A_264 = tpu.vector_load %arg10[%get3A] {strides = array<i32>} : memref<16xf32, #tpu.memory_space<vmem>>, vector<16xf32>,
      %get3A_265 = vector.shape_cast %get3A_264 : vector<16xf32> to vector<16xf32>
      %swap3A = arith.index_cast %scan3A_263 : i32 to index
      %swap3A_266 = arith.constant 0 : index
      %swap3A_267 = tpu.vector_load %arg9[%swap3A, %swap3A_266] {strides = array<i32>} : memref<128x16xf32, #tpu.memory_space<vmem>>, vector<1x16xf32>,
      %swap3A_268 = vector.shape_cast %swap3A_267 : vector<1x16xf32> to vector<16xf32>
      %swap3A_269 = vector.shape_cast %get3A_265 : vector<16xf32> to vector<1x16xf32>
      tpu.vector_store %arg9[%swap3A, %swap3A_266], %swap3A_269 {strides = array<i32>} : memref<128x16xf32, #tpu.memory_space<vmem>>, vector<1x16xf32>,
    }
    %scan3A_7 = arith.constant 128 : i32
    %dma_start3A = arith.constant 0 : i32
    %dma_start3A_8 = arith.constant 0 : i32
    %dma_start3A_9 = arith.constant 0 : i32
    %dma_start3A_10 = tpu.memref_slice %arg7[%dma_start3A_8, %dma_start3A_9] : memref<3200x16xf32, #tpu.memory_space<vmem>> -> memref<128x16xf32, #tpu.memory_space<vmem>>
    %dma_start3A_11 = arith.constant 0 : i32
    %dma_start3A_12 = tpu.memref_slice %arg6[%dma_start3A, %dma_start3A_11] : memref<200x128xi32, #tpu.memory_space<vmem>> -> memref<1x128xi32, #tpu.memory_space<vmem>>
    %dma_start3A_13 = tpu.memref_squeeze %dma_start3A_12 : memref<1x128xi32, #tpu.memory_space<vmem>> -> memref<128xi32, #tpu.memory_space<vmem>>
    %dma_start3A_14 = arith.constant 0 : i32
    %dma_start3A_15 = arith.constant 0 : i32
    %dma_start3A_16 = tpu.memref_slice %arg3[%dma_start3A_14, %dma_start3A_15] : memref<30528x16xf32, #tpu.memory_space<hbm>> -> memref<30528x16xf32, #tpu.memory_space<hbm>>
    tpu.enqueue_indirect_dma source(%dma_start3A_16 : memref<30528x16xf32, #tpu.memory_space<hbm>>) target(%dma_start3A_10 : memref<128x16xf32, #tpu.memory_space<vmem>>) offsets(%dma_start3A_13 : memref<128xi32, #tpu.memory_space<vmem>>) semaphore(%arg11 : memref<!tpu.dma_semaphore, #tpu.memory_space<semaphore_mem>>)
    %dma_start3A_17 = arith.constant 1 : i32
    %dma_start3A_18 = arith.constant 128 : i32
    %dma_start3A_19 = arith.constant 0 : i32
    %dma_start3A_20 = tpu.memref_slice %arg7[%dma_start3A_18, %dma_start3A_19] : memref<3200x16xf32, #tpu.memory_space<vmem>> -> memref<128x16xf32, #tpu.memory_space<vmem>>
    %dma_start3A_21 = arith.constant 0 : i32
    %dma_start3A_22 = tpu.memref_slice %arg6[%dma_start3A_17, %dma_start3A_21] : memref<200x128xi32, #tpu.memory_space<vmem>> -> memref<1x128xi32, #tpu.memory_space<vmem>>
    %dma_start3A_23 = tpu.memref_squeeze %dma_start3A_22 : memref<1x128xi32, #tpu.memory_space<vmem>> -> memref<128xi32, #tpu.memory_space<vmem>>
    %dma_start3A_24 = arith.constant 0 : i32
    %dma_start3A_25 = arith.constant 0 : i32
    %dma_start3A_26 = tpu.memref_slice %arg3[%dma_start3A_24, %dma_start3A_25] : memref<30528x16xf32, #tpu.memory_space<hbm>> -> memref<30528x16xf32, #tpu.memory_space<hbm>>
    tpu.enqueue_indirect_dma source(%dma_start3A_26 : memref<30528x16xf32, #tpu.memory_space<hbm>>) target(%dma_start3A_20 : memref<128x16xf32, #tpu.memory_space<vmem>>) offsets(%dma_start3A_23 : memref<128xi32, #tpu.memory_space<vmem>>) semaphore(%arg11 : memref<!tpu.dma_semaphore, #tpu.memory_space<semaphore_mem>>)
    %dma_start3A_27 = arith.constant 2 : i32
    %dma_start3A_28 = arith.constant 256 : i32
    %dma_start3A_29 = arith.constant 0 : i32
    %dma_start3A_30 = tpu.memref_slice %arg7[%dma_start3A_28, %dma_start3A_29] : memref<3200x16xf32, #tpu.memory_space<vmem>> -> memref<128x16xf32, #tpu.memory_space<vmem>>
    %dma_start3A_31 = arith.constant 0 : i32
    %dma_start3A_32 = tpu.memref_slice %arg6[%dma_start3A_27, %dma_start3A_31] : memref<200x128xi32, #tpu.memory_space<vmem>> -> memref<1x128xi32, #tpu.memory_space<vmem>>
    %dma_start3A_33 = tpu.memref_squeeze %dma_start3A_32 : memref<1x128xi32, #tpu.memory_space<vmem>> -> memref<128xi32, #tpu.memory_space<vmem>>
    %dma_start3A_34 = arith.constant 0 : i32
    %dma_start3A_35 = arith.constant 0 : i32
    %dma_start3A_36 = tpu.memref_slice %arg3[%dma_start3A_34, %dma_start3A_35] : memref<30528x16xf32, #tpu.memory_space<hbm>> -> memref<30528x16xf32, #tpu.memory_space<hbm>>
    tpu.enqueue_indirect_dma source(%dma_start3A_36 : memref<30528x16xf32, #tpu.memory_space<hbm>>) target(%dma_start3A_30 : memref<128x16xf32, #tpu.memory_space<vmem>>) offsets(%dma_start3A_33 : memref<128xi32, #tpu.memory_space<vmem>>) semaphore(%arg11 : memref<!tpu.dma_semaphore, #tpu.memory_space<semaphore_mem>>)
    %dma_start3A_37 = arith.constant 3 : i32
    %dma_start3A_38 = arith.constant 384 : i32
    %dma_start3A_39 = arith.constant 0 : i32
    %dma_start3A_40 = tpu.memref_slice %arg7[%dma_start3A_38, %dma_start3A_39] : memref<3200x16xf32, #tpu.memory_space<vmem>> -> memref<128x16xf32, #tpu.memory_space<vmem>>
    %dma_start3A_41 = arith.constant 0 : i32
    %dma_start3A_42 = tpu.memref_slice %arg6[%dma_start3A_37, %dma_start3A_41] : memref<200x128xi32, #tpu.memory_space<vmem>> -> memref<1x128xi32, #tpu.memory_space<vmem>>
    %dma_start3A_43 = tpu.memref_squeeze %dma_start3A_42 : memref<1x128xi32, #tpu.memory_space<vmem>> -> memref<128xi32, #tpu.memory_space<vmem>>
    %dma_start3A_44 = arith.constant 0 : i32
    %dma_start3A_45 = arith.constant 0 : i32
    %dma_start3A_46 = tpu.memref_slice %arg3[%dma_start3A_44, %dma_start3A_45] : memref<30528x16xf32, #tpu.memory_space<hbm>> -> memref<30528x16xf32, #tpu.memory_space<hbm>>
    tpu.enqueue_indirect_dma source(%dma_start3A_46 : memref<30528x16xf32, #tpu.memory_space<hbm>>) target(%dma_start3A_40 : memref<128x16xf32, #tpu.memory_space<vmem>>) offsets(%dma_start3A_43 : memref<128xi32, #tpu.memory_space<vmem>>) semaphore(%arg11 : memref<!tpu.dma_semaphore, #tpu.memory_space<semaphore_mem>>)
    %dma_start3A_47 = arith.constant 4 : i32
    %dma_start3A_48 = arith.constant 512 : i32
    %dma_start3A_49 = arith.constant 0 : i32
    %dma_start3A_50 = tpu.memref_slice %arg7[%dma_start3A_48, %dma_start3A_49] : memref<3200x16xf32, #tpu.memory_space<vmem>> -> memref<128x16xf32, #tpu.memory_space<vmem>>
    %dma_start3A_51 = arith.constant 0 : i32
    %dma_start3A_52 = tpu.memref_slice %arg6[%dma_start3A_47, %dma_start3A_51] : memref<200x128xi32, #tpu.memory_space<vmem>> -> memref<1x128xi32, #tpu.memory_space<vmem>>
    %dma_start3A_53 = tpu.memref_squeeze %dma_start3A_52 : memref<1x128xi32, #tpu.memory_space<vmem>> -> memref<128xi32, #tpu.memory_space<vmem>>
    %dma_start3A_54 = arith.constant 0 : i32
    %dma_start3A_55 = arith.constant 0 : i32
    %dma_start3A_56 = tpu.memref_slice %arg3[%dma_start3A_54, %dma_start3A_55] : memref<30528x16xf32, #tpu.memory_space<hbm>> -> memref<30528x16xf32, #tpu.memory_space<hbm>>
    tpu.enqueue_indirect_dma source(%dma_start3A_56 : memref<30528x16xf32, #tpu.memory_space<hbm>>) target(%dma_start3A_50 : memref<128x16xf32, #tpu.memory_space<vmem>>) offsets(%dma_start3A_53 : memref<128xi32, #tpu.memory_space<vmem>>) semaphore(%arg11 : memref<!tpu.dma_semaphore, #tpu.memory_space<semaphore_mem>>)
    %dma_start3A_57 = arith.constant 5 : i32
    %dma_start3A_58 = arith.constant 640 : i32
    %dma_start3A_59 = arith.constant 0 : i32
    %dma_start3A_60 = tpu.memref_slice %arg7[%dma_start3A_58, %dma_start3A_59] : memref<3200x16xf32, #tpu.memory_space<vmem>> -> memref<128x16xf32, #tpu.memory_space<vmem>>
    %dma_start3A_61 = arith.constant 0 : i32
    %dma_start3A_62 = tpu.memref_slice %arg6[%dma_start3A_57, %dma_start3A_61] : memref<200x128xi32, #tpu.memory_space<vmem>> -> memref<1x128xi32, #tpu.memory_space<vmem>>
    %dma_start3A_63 = tpu.memref_squeeze %dma_start3A_62 : memref<1x128xi32, #tpu.memory_space<vmem>> -> memref<128xi32, #tpu.memory_space<vmem>>
    %dma_start3A_64 = arith.constant 0 : i32
    %dma_start3A_65 = arith.constant 0 : i32
    %dma_start3A_66 = tpu.memref_slice %arg3[%dma_start3A_64, %dma_start3A_65] : memref<30528x16xf32, #tpu.memory_space<hbm>> -> memref<30528x16xf32, #tpu.memory_space<hbm>>
    tpu.enqueue_indirect_dma source(%dma_start3A_66 : memref<30528x16xf32, #tpu.memory_space<hbm>>) target(%dma_start3A_60 : memref<128x16xf32, #tpu.memory_space<vmem>>) offsets(%dma_start3A_63 : memref<128xi32, #tpu.memory_space<vmem>>) semaphore(%arg11 : memref<!tpu.dma_semaphore, #tpu.memory_space<semaphore_mem>>)
    %dma_start3A_67 = arith.constant 6 : i32
    %dma_start3A_68 = arith.constant 768 : i32
    %dma_start3A_69 = arith.constant 0 : i32
    %dma_start3A_70 = tpu.memref_slice %arg7[%dma_start3A_68, %dma_start3A_69] : memref<3200x16xf32, #tpu.memory_space<vmem>> -> memref<128x16xf32, #tpu.memory_space<vmem>>
    %dma_start3A_71 = arith.constant 0 : i32
    %dma_start3A_72 = tpu.memref_slice %arg6[%dma_start3A_67, %dma_start3A_71] : memref<200x128xi32, #tpu.memory_space<vmem>> -> memref<1x128xi32, #tpu.memory_space<vmem>>
    %dma_start3A_73 = tpu.memref_squeeze %dma_start3A_72 : memref<1x128xi32, #tpu.memory_space<vmem>> -> memref<128xi32, #tpu.memory_space<vmem>>
    %dma_start3A_74 = arith.constant 0 : i32
    %dma_start3A_75 = arith.constant 0 : i32
    %dma_start3A_76 = tpu.memref_slice %arg3[%dma_start3A_74, %dma_start3A_75] : memref<30528x16xf32, #tpu.memory_space<hbm>> -> memref<30528x16xf32, #tpu.memory_space<hbm>>
    tpu.enqueue_indirect_dma source(%dma_start3A_76 : memref<30528x16xf32, #tpu.memory_space<hbm>>) target(%dma_start3A_70 : memref<128x16xf32, #tpu.memory_space<vmem>>) offsets(%dma_start3A_73 : memref<128xi32, #tpu.memory_space<vmem>>) semaphore(%arg11 : memref<!tpu.dma_semaphore, #tpu.memory_space<semaphore_mem>>)
    %dma_start3A_77 = arith.constant 7 : i32
    %dma_start3A_78 = arith.constant 896 : i32
    %dma_start3A_79 = arith.constant 0 : i32
    %dma_start3A_80 = tpu.memref_slice %arg7[%dma_start3A_78, %dma_start3A_79] : memref<3200x16xf32, #tpu.memory_space<vmem>> -> memref<128x16xf32, #tpu.memory_space<vmem>>
    %dma_start3A_81 = arith.constant 0 : i32
    %dma_start3A_82 = tpu.memref_slice %arg6[%dma_start3A_77, %dma_start3A_81] : memref<200x128xi32, #tpu.memory_space<vmem>> -> memref<1x128xi32, #tpu.memory_space<vmem>>
    %dma_start3A_83 = tpu.memref_squeeze %dma_start3A_82 : memref<1x128xi32, #tpu.memory_space<vmem>> -> memref<128xi32, #tpu.memory_space<vmem>>
    %dma_start3A_84 = arith.constant 0 : i32
    %dma_start3A_85 = arith.constant 0 : i32
    %dma_start3A_86 = tpu.memref_slice %arg3[%dma_start3A_84, %dma_start3A_85] : memref<30528x16xf32, #tpu.memory_space<hbm>> -> memref<30528x16xf32, #tpu.memory_space<hbm>>
    tpu.enqueue_indirect_dma source(%dma_start3A_86 : memref<30528x16xf32, #tpu.memory_space<hbm>>) target(%dma_start3A_80 : memref<128x16xf32, #tpu.memory_space<vmem>>) offsets(%dma_start3A_83 : memref<128xi32, #tpu.memory_space<vmem>>) semaphore(%arg11 : memref<!tpu.dma_semaphore, #tpu.memory_space<semaphore_mem>>)
    %dma_start3A_87 = arith.constant 8 : i32
    %dma_start3A_88 = arith.constant 1024 : i32
    %dma_start3A_89 = arith.constant 0 : i32
    %dma_start3A_90 = tpu.memref_slice %arg7[%dma_start3A_88, %dma_start3A_89] : memref<3200x16xf32, #tpu.memory_space<vmem>> -> memref<128x16xf32, #tpu.memory_space<vmem>>
    %dma_start3A_91 = arith.constant 0 : i32
    %dma_start3A_92 = tpu.memref_slice %arg6[%dma_start3A_87, %dma_start3A_91] : memref<200x128xi32, #tpu.memory_space<vmem>> -> memref<1x128xi32, #tpu.memory_space<vmem>>
    %dma_start3A_93 = tpu.memref_squeeze %dma_start3A_92 : memref<1x128xi32, #tpu.memory_space<vmem>> -> memref<128xi32, #tpu.memory_space<vmem>>
    %dma_start3A_94 = arith.constant 0 : i32
    %dma_start3A_95 = arith.constant 0 : i32
    %dma_start3A_96 = tpu.memref_slice %arg3[%dma_start3A_94, %dma_start3A_95] : memref<30528x16xf32, #tpu.memory_space<hbm>> -> memref<30528x16xf32, #tpu.memory_space<hbm>>
    tpu.enqueue_indirect_dma source(%dma_start3A_96 : memref<30528x16xf32, #tpu.memory_space<hbm>>) target(%dma_start3A_90 : memref<128x16xf32, #tpu.memory_space<vmem>>) offsets(%dma_start3A_93 : memref<128xi32, #tpu.memory_space<vmem>>) semaphore(%arg11 : memref<!tpu.dma_semaphore, #tpu.memory_space<semaphore_mem>>)
    %dma_start3A_97 = arith.constant 9 : i32
    %dma_start3A_98 = arith.constant 1152 : i32
    %dma_start3A_99 = arith.constant 0 : i32
    %dma_start3A_100 = tpu.memref_slice %arg7[%dma_start3A_98, %dma_start3A_99] : memref<3200x16xf32, #tpu.memory_space<vmem>> -> memref<128x16xf32, #tpu.memory_space<vmem>>
    %dma_start3A_101 = arith.constant 0 : i32
    %dma_start3A_102 = tpu.memref_slice %arg6[%dma_start3A_97, %dma_start3A_101] : memref<200x128xi32, #tpu.memory_space<vmem>> -> memref<1x128xi32, #tpu.memory_space<vmem>>
    %dma_start3A_103 = tpu.memref_squeeze %dma_start3A_102 : memref<1x128xi32, #tpu.memory_space<vmem>> -> memref<128xi32, #tpu.memory_space<vmem>>
    %dma_start3A_104 = arith.constant 0 : i32
    %dma_start3A_105 = arith.constant 0 : i32
    %dma_start3A_106 = tpu.memref_slice %arg3[%dma_start3A_104, %dma_start3A_105] : memref<30528x16xf32, #tpu.memory_space<hbm>> -> memref<30528x16xf32, #tpu.memory_space<hbm>>
    tpu.enqueue_indirect_dma source(%dma_start3A_106 : memref<30528x16xf32, #tpu.memory_space<hbm>>) target(%dma_start3A_100 : memref<128x16xf32, #tpu.memory_space<vmem>>) offsets(%dma_start3A_103 : memref<128xi32, #tpu.memory_space<vmem>>) semaphore(%arg11 : memref<!tpu.dma_semaphore, #tpu.memory_space<semaphore_mem>>)
    %dma_start3A_107 = arith.constant 10 : i32
    %dma_start3A_108 = arith.constant 1280 : i32
    %dma_start3A_109 = arith.constant 0 : i32
    %dma_start3A_110 = tpu.memref_slice %arg7[%dma_start3A_108, %dma_start3A_109] : memref<3200x16xf32, #tpu.memory_space<vmem>> -> memref<128x16xf32, #tpu.memory_space<vmem>>
    %dma_start3A_111 = arith.constant 0 : i32
    %dma_start3A_112 = tpu.memref_slice %arg6[%dma_start3A_107, %dma_start3A_111] : memref<200x128xi32, #tpu.memory_space<vmem>> -> memref<1x128xi32, #tpu.memory_space<vmem>>
    %dma_start3A_113 = tpu.memref_squeeze %dma_start3A_112 : memref<1x128xi32, #tpu.memory_space<vmem>> -> memref<128xi32, #tpu.memory_space<vmem>>
    %dma_start3A_114 = arith.constant 0 : i32
    %dma_start3A_115 = arith.constant 0 : i32
    %dma_start3A_116 = tpu.memref_slice %arg3[%dma_start3A_114, %dma_start3A_115] : memref<30528x16xf32, #tpu.memory_space<hbm>> -> memref<30528x16xf32, #tpu.memory_space<hbm>>
    tpu.enqueue_indirect_dma source(%dma_start3A_116 : memref<30528x16xf32, #tpu.memory_space<hbm>>) target(%dma_start3A_110 : memref<128x16xf32, #tpu.memory_space<vmem>>) offsets(%dma_start3A_113 : memref<128xi32, #tpu.memory_space<vmem>>) semaphore(%arg11 : memref<!tpu.dma_semaphore, #tpu.memory_space<semaphore_mem>>)
    %dma_start3A_117 = arith.constant 11 : i32
    %dma_start3A_118 = arith.constant 1408 : i32
    %dma_start3A_119 = arith.constant 0 : i32
    %dma_start3A_120 = tpu.memref_slice %arg7[%dma_start3A_118, %dma_start3A_119] : memref<3200x16xf32, #tpu.memory_space<vmem>> -> memref<128x16xf32, #tpu.memory_space<vmem>>
    %dma_start3A_121 = arith.constant 0 : i32
    %dma_start3A_122 = tpu.memref_slice %arg6[%dma_start3A_117, %dma_start3A_121] : memref<200x128xi32, #tpu.memory_space<vmem>> -> memref<1x128xi32, #tpu.memory_space<vmem>>
    %dma_start3A_123 = tpu.memref_squeeze %dma_start3A_122 : memref<1x128xi32, #tpu.memory_space<vmem>> -> memref<128xi32, #tpu.memory_space<vmem>>
    %dma_start3A_124 = arith.constant 0 : i32
    %dma_start3A_125 = arith.constant 0 : i32
    %dma_start3A_126 = tpu.memref_slice %arg3[%dma_start3A_124, %dma_start3A_125] : memref<30528x16xf32, #tpu.memory_space<hbm>> -> memref<30528x16xf32, #tpu.memory_space<hbm>>
    tpu.enqueue_indirect_dma source(%dma_start3A_126 : memref<30528x16xf32, #tpu.memory_space<hbm>>) target(%dma_start3A_120 : memref<128x16xf32, #tpu.memory_space<vmem>>) offsets(%dma_start3A_123 : memref<128xi32, #tpu.memory_space<vmem>>) semaphore(%arg11 : memref<!tpu.dma_semaphore, #tpu.memory_space<semaphore_mem>>)
    %dma_start3A_127 = arith.constant 12 : i32
    %dma_start3A_128 = arith.constant 1536 : i32
    %dma_start3A_129 = arith.constant 0 : i32
    %dma_start3A_130 = tpu.memref_slice %arg7[%dma_start3A_128, %dma_start3A_129] : memref<3200x16xf32, #tpu.memory_space<vmem>> -> memref<128x16xf32, #tpu.memory_space<vmem>>
    %dma_start3A_131 = arith.constant 0 : i32
    %dma_start3A_132 = tpu.memref_slice %arg6[%dma_start3A_127, %dma_start3A_131] : memref<200x128xi32, #tpu.memory_space<vmem>> -> memref<1x128xi32, #tpu.memory_space<vmem>>
    %dma_start3A_133 = tpu.memref_squeeze %dma_start3A_132 : memref<1x128xi32, #tpu.memory_space<vmem>> -> memref<128xi32, #tpu.memory_space<vmem>>
    %dma_start3A_134 = arith.constant 0 : i32
    %dma_start3A_135 = arith.constant 0 : i32
    %dma_start3A_136 = tpu.memref_slice %arg3[%dma_start3A_134, %dma_start3A_135] : memref<30528x16xf32, #tpu.memory_space<hbm>> -> memref<30528x16xf32, #tpu.memory_space<hbm>>
    tpu.enqueue_indirect_dma source(%dma_start3A_136 : memref<30528x16xf32, #tpu.memory_space<hbm>>) target(%dma_start3A_130 : memref<128x16xf32, #tpu.memory_space<vmem>>) offsets(%dma_start3A_133 : memref<128xi32, #tpu.memory_space<vmem>>) semaphore(%arg11 : memref<!tpu.dma_semaphore, #tpu.memory_space<semaphore_mem>>)
    %dma_start3A_137 = arith.constant 13 : i32
    %dma_start3A_138 = arith.constant 1664 : i32
    %dma_start3A_139 = arith.constant 0 : i32
    %dma_start3A_140 = tpu.memref_slice %arg7[%dma_start3A_138, %dma_start3A_139] : memref<3200x16xf32, #tpu.memory_space<vmem>> -> memref<128x16xf32, #tpu.memory_space<vmem>>
    %dma_start3A_141 = arith.constant 0 : i32
    %dma_start3A_142 = tpu.memref_slice %arg6[%dma_start3A_137, %dma_start3A_141] : memref<200x128xi32, #tpu.memory_space<vmem>> -> memref<1x128xi32, #tpu.memory_space<vmem>>
    %dma_start3A_143 = tpu.memref_squeeze %dma_start3A_142 : memref<1x128xi32, #tpu.memory_space<vmem>> -> memref<128xi32, #tpu.memory_space<vmem>>
    %dma_start3A_144 = arith.constant 0 : i32
    %dma_start3A_145 = arith.constant 0 : i32
    %dma_start3A_146 = tpu.memref_slice %arg3[%dma_start3A_144, %dma_start3A_145] : memref<30528x16xf32, #tpu.memory_space<hbm>> -> memref<30528x16xf32, #tpu.memory_space<hbm>>
    tpu.enqueue_indirect_dma source(%dma_start3A_146 : memref<30528x16xf32, #tpu.memory_space<hbm>>) target(%dma_start3A_140 : memref<128x16xf32, #tpu.memory_space<vmem>>) offsets(%dma_start3A_143 : memref<128xi32, #tpu.memory_space<vmem>>) semaphore(%arg11 : memref<!tpu.dma_semaphore, #tpu.memory_space<semaphore_mem>>)
    %dma_start3A_147 = arith.constant 14 : i32
    %dma_start3A_148 = arith.constant 1792 : i32
    %dma_start3A_149 = arith.constant 0 : i32
    %dma_start3A_150 = tpu.memref_slice %arg7[%dma_start3A_148, %dma_start3A_149] : memref<3200x16xf32, #tpu.memory_space<vmem>> -> memref<128x16xf32, #tpu.memory_space<vmem>>
    %dma_start3A_151 = arith.constant 0 : i32
    %dma_start3A_152 = tpu.memref_slice %arg6[%dma_start3A_147, %dma_start3A_151] : memref<200x128xi32, #tpu.memory_space<vmem>> -> memref<1x128xi32, #tpu.memory_space<vmem>>
    %dma_start3A_153 = tpu.memref_squeeze %dma_start3A_152 : memref<1x128xi32, #tpu.memory_space<vmem>> -> memref<128xi32, #tpu.memory_space<vmem>>
    %dma_start3A_154 = arith.constant 0 : i32
    %dma_start3A_155 = arith.constant 0 : i32
    %dma_start3A_156 = tpu.memref_slice %arg3[%dma_start3A_154, %dma_start3A_155] : memref<30528x16xf32, #tpu.memory_space<hbm>> -> memref<30528x16xf32, #tpu.memory_space<hbm>>
    tpu.enqueue_indirect_dma source(%dma_start3A_156 : memref<30528x16xf32, #tpu.memory_space<hbm>>) target(%dma_start3A_150 : memref<128x16xf32, #tpu.memory_space<vmem>>) offsets(%dma_start3A_153 : memref<128xi32, #tpu.memory_space<vmem>>) semaphore(%arg11 : memref<!tpu.dma_semaphore, #tpu.memory_space<semaphore_mem>>)
    %dma_start3A_157 = arith.constant 15 : i32
    %dma_start3A_158 = arith.constant 1920 : i32
    %dma_start3A_159 = arith.constant 0 : i32
    %dma_start3A_160 = tpu.memref_slice %arg7[%dma_start3A_158, %dma_start3A_159] : memref<3200x16xf32, #tpu.memory_space<vmem>> -> memref<128x16xf32, #tpu.memory_space<vmem>>
    %dma_start3A_161 = arith.constant 0 : i32
    %dma_start3A_162 = tpu.memref_slice %arg6[%dma_start3A_157, %dma_start3A_161] : memref<200x128xi32, #tpu.memory_space<vmem>> -> memref<1x128xi32, #tpu.memory_space<vmem>>
    %dma_start3A_163 = tpu.memref_squeeze %dma_start3A_162 : memref<1x128xi32, #tpu.memory_space<vmem>> -> memref<128xi32, #tpu.memory_space<vmem>>
    %dma_start3A_164 = arith.constant 0 : i32
    %dma_start3A_165 = arith.constant 0 : i32
    %dma_start3A_166 = tpu.memref_slice %arg3[%dma_start3A_164, %dma_start3A_165] : memref<30528x16xf32, #tpu.memory_space<hbm>> -> memref<30528x16xf32, #tpu.memory_space<hbm>>
    tpu.enqueue_indirect_dma source(%dma_start3A_166 : memref<30528x16xf32, #tpu.memory_space<hbm>>) target(%dma_start3A_160 : memref<128x16xf32, #tpu.memory_space<vmem>>) offsets(%dma_start3A_163 : memref<128xi32, #tpu.memory_space<vmem>>) semaphore(%arg11 : memref<!tpu.dma_semaphore, #tpu.memory_space<semaphore_mem>>)
    %dma_start3A_167 = arith.constant 16 : i32
    %dma_start3A_168 = arith.constant 2048 : i32
    %dma_start3A_169 = arith.constant 0 : i32
    %dma_start3A_170 = tpu.memref_slice %arg7[%dma_start3A_168, %dma_start3A_169] : memref<3200x16xf32, #tpu.memory_space<vmem>> -> memref<128x16xf32, #tpu.memory_space<vmem>>
    %dma_start3A_171 = arith.constant 0 : i32
    %dma_start3A_172 = tpu.memref_slice %arg6[%dma_start3A_167, %dma_start3A_171] : memref<200x128xi32, #tpu.memory_space<vmem>> -> memref<1x128xi32, #tpu.memory_space<vmem>>
    %dma_start3A_173 = tpu.memref_squeeze %dma_start3A_172 : memref<1x128xi32, #tpu.memory_space<vmem>> -> memref<128xi32, #tpu.memory_space<vmem>>
    %dma_start3A_174 = arith.constant 0 : i32
    %dma_start3A_175 = arith.constant 0 : i32
    %dma_start3A_176 = tpu.memref_slice %arg3[%dma_start3A_174, %dma_start3A_175] : memref<30528x16xf32, #tpu.memory_space<hbm>> -> memref<30528x16xf32, #tpu.memory_space<hbm>>
    tpu.enqueue_indirect_dma source(%dma_start3A_176 : memref<30528x16xf32, #tpu.memory_space<hbm>>) target(%dma_start3A_170 : memref<128x16xf32, #tpu.memory_space<vmem>>) offsets(%dma_start3A_173 : memref<128xi32, #tpu.memory_space<vmem>>) semaphore(%arg11 : memref<!tpu.dma_semaphore, #tpu.memory_space<semaphore_mem>>)
    %dma_start3A_177 = arith.constant 17 : i32
    %dma_start3A_178 = arith.constant 2176 : i32
    %dma_start3A_179 = arith.constant 0 : i32
    %dma_start3A_180 = tpu.memref_slice %arg7[%dma_start3A_178, %dma_start3A_179] : memref<3200x16xf32, #tpu.memory_space<vmem>> -> memref<128x16xf32, #tpu.memory_space<vmem>>
    %dma_start3A_181 = arith.constant 0 : i32
    %dma_start3A_182 = tpu.memref_slice %arg6[%dma_start3A_177, %dma_start3A_181] : memref<200x128xi32, #tpu.memory_space<vmem>> -> memref<1x128xi32, #tpu.memory_space<vmem>>
    %dma_start3A_183 = tpu.memref_squeeze %dma_start3A_182 : memref<1x128xi32, #tpu.memory_space<vmem>> -> memref<128xi32, #tpu.memory_space<vmem>>
    %dma_start3A_184 = arith.constant 0 : i32
    %dma_start3A_185 = arith.constant 0 : i32
    %dma_start3A_186 = tpu.memref_slice %arg3[%dma_start3A_184, %dma_start3A_185] : memref<30528x16xf32, #tpu.memory_space<hbm>> -> memref<30528x16xf32, #tpu.memory_space<hbm>>
    tpu.enqueue_indirect_dma source(%dma_start3A_186 : memref<30528x16xf32, #tpu.memory_space<hbm>>) target(%dma_start3A_180 : memref<128x16xf32, #tpu.memory_space<vmem>>) offsets(%dma_start3A_183 : memref<128xi32, #tpu.memory_space<vmem>>) semaphore(%arg11 : memref<!tpu.dma_semaphore, #tpu.memory_space<semaphore_mem>>)
    %dma_start3A_187 = arith.constant 18 : i32
    %dma_start3A_188 = arith.constant 2304 : i32
    %dma_start3A_189 = arith.constant 0 : i32
    %dma_start3A_190 = tpu.memref_slice %arg7[%dma_start3A_188, %dma_start3A_189] : memref<3200x16xf32, #tpu.memory_space<vmem>> -> memref<128x16xf32, #tpu.memory_space<vmem>>
    %dma_start3A_191 = arith.constant 0 : i32
    %dma_start3A_192 = tpu.memref_slice %arg6[%dma_start3A_187, %dma_start3A_191] : memref<200x128xi32, #tpu.memory_space<vmem>> -> memref<1x128xi32, #tpu.memory_space<vmem>>
    %dma_start3A_193 = tpu.memref_squeeze %dma_start3A_192 : memref<1x128xi32, #tpu.memory_space<vmem>> -> memref<128xi32, #tpu.memory_space<vmem>>
    %dma_start3A_194 = arith.constant 0 : i32
    %dma_start3A_195 = arith.constant 0 : i32
    %dma_start3A_196 = tpu.memref_slice %arg3[%dma_start3A_194, %dma_start3A_195] : memref<30528x16xf32, #tpu.memory_space<hbm>> -> memref<30528x16xf32, #tpu.memory_space<hbm>>
    tpu.enqueue_indirect_dma source(%dma_start3A_196 : memref<30528x16xf32, #tpu.memory_space<hbm>>) target(%dma_start3A_190 : memref<128x16xf32, #tpu.memory_space<vmem>>) offsets(%dma_start3A_193 : memref<128xi32, #tpu.memory_space<vmem>>) semaphore(%arg11 : memref<!tpu.dma_semaphore, #tpu.memory_space<semaphore_mem>>)
    %dma_start3A_197 = arith.constant 19 : i32
    %dma_start3A_198 = arith.constant 2432 : i32
    %dma_start3A_199 = arith.constant 0 : i32
    %dma_start3A_200 = tpu.memref_slice %arg7[%dma_start3A_198, %dma_start3A_199] : memref<3200x16xf32, #tpu.memory_space<vmem>> -> memref<128x16xf32, #tpu.memory_space<vmem>>
    %dma_start3A_201 = arith.constant 0 : i32
    %dma_start3A_202 = tpu.memref_slice %arg6[%dma_start3A_197, %dma_start3A_201] : memref<200x128xi32, #tpu.memory_space<vmem>> -> memref<1x128xi32, #tpu.memory_space<vmem>>
    %dma_start3A_203 = tpu.memref_squeeze %dma_start3A_202 : memref<1x128xi32, #tpu.memory_space<vmem>> -> memref<128xi32, #tpu.memory_space<vmem>>
    %dma_start3A_204 = arith.constant 0 : i32
    %dma_start3A_205 = arith.constant 0 : i32
    %dma_start3A_206 = tpu.memref_slice %arg3[%dma_start3A_204, %dma_start3A_205] : memref<30528x16xf32, #tpu.memory_space<hbm>> -> memref<30528x16xf32, #tpu.memory_space<hbm>>
    tpu.enqueue_indirect_dma source(%dma_start3A_206 : memref<30528x16xf32, #tpu.memory_space<hbm>>) target(%dma_start3A_200 : memref<128x16xf32, #tpu.memory_space<vmem>>) offsets(%dma_start3A_203 : memref<128xi32, #tpu.memory_space<vmem>>) semaphore(%arg11 : memref<!tpu.dma_semaphore, #tpu.memory_space<semaphore_mem>>)
    %dma_start3A_207 = arith.constant 20 : i32
    %dma_start3A_208 = arith.constant 2560 : i32
    %dma_start3A_209 = arith.constant 0 : i32
    %dma_start3A_210 = tpu.memref_slice %arg7[%dma_start3A_208, %dma_start3A_209] : memref<3200x16xf32, #tpu.memory_space<vmem>> -> memref<128x16xf32, #tpu.memory_space<vmem>>
    %dma_start3A_211 = arith.constant 0 : i32
    %dma_start3A_212 = tpu.memref_slice %arg6[%dma_start3A_207, %dma_start3A_211] : memref<200x128xi32, #tpu.memory_space<vmem>> -> memref<1x128xi32, #tpu.memory_space<vmem>>
    %dma_start3A_213 = tpu.memref_squeeze %dma_start3A_212 : memref<1x128xi32, #tpu.memory_space<vmem>> -> memref<128xi32, #tpu.memory_space<vmem>>
    %dma_start3A_214 = arith.constant 0 : i32
    %dma_start3A_215 = arith.constant 0 : i32
    %dma_start3A_216 = tpu.memref_slice %arg3[%dma_start3A_214, %dma_start3A_215] : memref<30528x16xf32, #tpu.memory_space<hbm>> -> memref<30528x16xf32, #tpu.memory_space<hbm>>
    tpu.enqueue_indirect_dma source(%dma_start3A_216 : memref<30528x16xf32, #tpu.memory_space<hbm>>) target(%dma_start3A_210 : memref<128x16xf32, #tpu.memory_space<vmem>>) offsets(%dma_start3A_213 : memref<128xi32, #tpu.memory_space<vmem>>) semaphore(%arg11 : memref<!tpu.dma_semaphore, #tpu.memory_space<semaphore_mem>>)
    %dma_start3A_217 = arith.constant 21 : i32
    %dma_start3A_218 = arith.constant 2688 : i32
    %dma_start3A_219 = arith.constant 0 : i32
    %dma_start3A_220 = tpu.memref_slice %arg7[%dma_start3A_218, %dma_start3A_219] : memref<3200x16xf32, #tpu.memory_space<vmem>> -> memref<128x16xf32, #tpu.memory_space<vmem>>
    %dma_start3A_221 = arith.constant 0 : i32
    %dma_start3A_222 = tpu.memref_slice %arg6[%dma_start3A_217, %dma_start3A_221] : memref<200x128xi32, #tpu.memory_space<vmem>> -> memref<1x128xi32, #tpu.memory_space<vmem>>
    %dma_start3A_223 = tpu.memref_squeeze %dma_start3A_222 : memref<1x128xi32, #tpu.memory_space<vmem>> -> memref<128xi32, #tpu.memory_space<vmem>>
    %dma_start3A_224 = arith.constant 0 : i32
    %dma_start3A_225 = arith.constant 0 : i32
    %dma_start3A_226 = tpu.memref_slice %arg3[%dma_start3A_224, %dma_start3A_225] : memref<30528x16xf32, #tpu.memory_space<hbm>> -> memref<30528x16xf32, #tpu.memory_space<hbm>>
    tpu.enqueue_indirect_dma source(%dma_start3A_226 : memref<30528x16xf32, #tpu.memory_space<hbm>>) target(%dma_start3A_220 : memref<128x16xf32, #tpu.memory_space<vmem>>) offsets(%dma_start3A_223 : memref<128xi32, #tpu.memory_space<vmem>>) semaphore(%arg11 : memref<!tpu.dma_semaphore, #tpu.memory_space<semaphore_mem>>)
    %dma_start3A_227 = arith.constant 22 : i32
    %dma_start3A_228 = arith.constant 2816 : i32
    %dma_start3A_229 = arith.constant 0 : i32
    %dma_start3A_230 = tpu.memref_slice %arg7[%dma_start3A_228, %dma_start3A_229] : memref<3200x16xf32, #tpu.memory_space<vmem>> -> memref<128x16xf32, #tpu.memory_space<vmem>>
    %dma_start3A_231 = arith.constant 0 : i32
    %dma_start3A_232 = tpu.memref_slice %arg6[%dma_start3A_227, %dma_start3A_231] : memref<200x128xi32, #tpu.memory_space<vmem>> -> memref<1x128xi32, #tpu.memory_space<vmem>>
    %dma_start3A_233 = tpu.memref_squeeze %dma_start3A_232 : memref<1x128xi32, #tpu.memory_space<vmem>> -> memref<128xi32, #tpu.memory_space<vmem>>
    %dma_start3A_234 = arith.constant 0 : i32
    %dma_start3A_235 = arith.constant 0 : i32
    %dma_start3A_236 = tpu.memref_slice %arg3[%dma_start3A_234, %dma_start3A_235] : memref<30528x16xf32, #tpu.memory_space<hbm>> -> memref<30528x16xf32, #tpu.memory_space<hbm>>
    tpu.enqueue_indirect_dma source(%dma_start3A_236 : memref<30528x16xf32, #tpu.memory_space<hbm>>) target(%dma_start3A_230 : memref<128x16xf32, #tpu.memory_space<vmem>>) offsets(%dma_start3A_233 : memref<128xi32, #tpu.memory_space<vmem>>) semaphore(%arg11 : memref<!tpu.dma_semaphore, #tpu.memory_space<semaphore_mem>>)
    %dma_start3A_237 = arith.constant 23 : i32
    %dma_start3A_238 = arith.constant 2944 : i32
    %dma_start3A_239 = arith.constant 0 : i32
    %dma_start3A_240 = tpu.memref_slice %arg7[%dma_start3A_238, %dma_start3A_239] : memref<3200x16xf32, #tpu.memory_space<vmem>> -> memref<128x16xf32, #tpu.memory_space<vmem>>
    %dma_start3A_241 = arith.constant 0 : i32
    %dma_start3A_242 = tpu.memref_slice %arg6[%dma_start3A_237, %dma_start3A_241] : memref<200x128xi32, #tpu.memory_space<vmem>> -> memref<1x128xi32, #tpu.memory_space<vmem>>
    %dma_start3A_243 = tpu.memref_squeeze %dma_start3A_242 : memref<1x128xi32, #tpu.memory_space<vmem>> -> memref<128xi32, #tpu.memory_space<vmem>>
    %dma_start3A_244 = arith.constant 0 : i32
    %dma_start3A_245 = arith.constant 0 : i32
    %dma_start3A_246 = tpu.memref_slice %arg3[%dma_start3A_244, %dma_start3A_245] : memref<30528x16xf32, #tpu.memory_space<hbm>> -> memref<30528x16xf32, #tpu.memory_space<hbm>>
    tpu.enqueue_indirect_dma source(%dma_start3A_246 : memref<30528x16xf32, #tpu.memory_space<hbm>>) target(%dma_start3A_240 : memref<128x16xf32, #tpu.memory_space<vmem>>) offsets(%dma_start3A_243 : memref<128xi32, #tpu.memory_space<vmem>>) semaphore(%arg11 : memref<!tpu.dma_semaphore, #tpu.memory_space<semaphore_mem>>)
    %dma_start3A_247 = arith.constant 24 : i32
    %dma_start3A_248 = arith.constant 3072 : i32
    %dma_start3A_249 = arith.constant 0 : i32
    %dma_start3A_250 = tpu.memref_slice %arg7[%dma_start3A_248, %dma_start3A_249] : memref<3200x16xf32, #tpu.memory_space<vmem>> -> memref<128x16xf32, #tpu.memory_space<vmem>>
    %dma_start3A_251 = arith.constant 0 : i32
    %dma_start3A_252 = tpu.memref_slice %arg6[%dma_start3A_247, %dma_start3A_251] : memref<200x128xi32, #tpu.memory_space<vmem>> -> memref<1x128xi32, #tpu.memory_space<vmem>>
    %dma_start3A_253 = tpu.memref_squeeze %dma_start3A_252 : memref<1x128xi32, #tpu.memory_space<vmem>> -> memref<128xi32, #tpu.memory_space<vmem>>
    %dma_start3A_254 = arith.constant 0 : i32
    %dma_start3A_255 = arith.constant 0 : i32
    %dma_start3A_256 = tpu.memref_slice %arg3[%dma_start3A_254, %dma_start3A_255] : memref<30528x16xf32, #tpu.memory_space<hbm>> -> memref<30528x16xf32, #tpu.memory_space<hbm>>
    tpu.enqueue_indirect_dma source(%dma_start3A_256 : memref<30528x16xf32, #tpu.memory_space<hbm>>) target(%dma_start3A_250 : memref<128x16xf32, #tpu.memory_space<vmem>>) offsets(%dma_start3A_253 : memref<128xi32, #tpu.memory_space<vmem>>) semaphore(%arg11 : memref<!tpu.dma_semaphore, #tpu.memory_space<semaphore_mem>>)
    %scan3A_257 = arith.constant 0 : i32
    %scan3A_258 = arith.constant 0 : i32
    %scan3A_259 = arith.constant 4 : i32
    %scan3A_260 = arith.addi %scan3A_258, %scan3A_259 : i32
    %scan3A_261 = arith.constant 1 : i32
    scf.for %scan3A_263 = %scan3A_258 to %scan3A_260 step %scan3A_261  : i32 {
      %mul3A_264 = arith.constant 2 : i32
      %mul3A_265 = arith.muli %mul3A_264, %scan3A_263 : i32
      %add3A_266 = arith.constant 1 : i32
      %add3A_267 = arith.addi %mul3A_265, %add3A_266 : i32
      %mul3A_268 = arith.constant 25 : i32
      %mul3A_269 = arith.muli %add3A_267, %mul3A_268 : i32
      %add3A_270 = arith.constant 0 : i32
      %add3A_271 = arith.addi %mul3A_269, %add3A_270 : i32
      %mul3A_272 = arith.constant 25 : i32
      %mul3A_273 = arith.muli %add3A_267, %mul3A_272 : i32
      %add3A_274 = arith.constant 1 : i32
      %add3A_275 = arith.addi %mul3A_273, %add3A_274 : i32
      %mul3A_276 = arith.constant 25 : i32
      %mul3A_277 = arith.muli %add3A_267, %mul3A_276 : i32
      %add3A_278 = arith.constant 2 : i32
      %add3A_279 = arith.addi %mul3A_277, %add3A_278 : i32
      %mul3A_280 = arith.constant 25 : i32
      %mul3A_281 = arith.muli %add3A_267, %mul3A_280 : i32
      %add3A_282 = arith.constant 3 : i32
      %add3A_283 = arith.addi %mul3A_281, %add3A_282 : i32
      %mul3A_284 = arith.constant 25 : i32
      %mul3A_285 = arith.muli %add3A_267, %mul3A_284 : i32
      %add3A_286 = arith.constant 4 : i32
      %add3A_287 = arith.addi %mul3A_285, %add3A_286 : i32
      %mul3A_288 = arith.constant 25 : i32
      %mul3A_289 = arith.muli %add3A_267, %mul3A_288 : i32
      %add3A_290 = arith.constant 5 : i32
      %add3A_291 = arith.addi %mul3A_289, %add3A_290 : i32
      %mul3A_292 = arith.constant 25 : i32
      %mul3A_293 = arith.muli %add3A_267, %mul3A_292 : i32
      %add3A_294 = arith.constant 6 : i32
      %add3A_295 = arith.addi %mul3A_293, %add3A_294 : i32
      %mul3A_296 = arith.constant 25 : i32
      %mul3A_297 = arith.muli %add3A_267, %mul3A_296 : i32
      %add3A_298 = arith.constant 7 : i32
      %add3A_299 = arith.addi %mul3A_297, %add3A_298 : i32
      %mul3A_300 = arith.constant 25 : i32
      %mul3A_301 = arith.muli %add3A_267, %mul3A_300 : i32
      %add3A_302 = arith.constant 8 : i32
      %add3A_303 = arith.addi %mul3A_301, %add3A_302 : i32
      %mul3A_304 = arith.constant 25 : i32
      %mul3A_305 = arith.muli %add3A_267, %mul3A_304 : i32
      %add3A_306 = arith.constant 9 : i32
      %add3A_307 = arith.addi %mul3A_305, %add3A_306 : i32
      %mul3A_308 = arith.constant 25 : i32
      %mul3A_309 = arith.muli %add3A_267, %mul3A_308 : i32
      %add3A_310 = arith.constant 10 : i32
      %add3A_311 = arith.addi %mul3A_309, %add3A_310 : i32
      %mul3A_312 = arith.constant 25 : i32
      %mul3A_313 = arith.muli %add3A_267, %mul3A_312 : i32
      %add3A_314 = arith.constant 11 : i32
      %add3A_315 = arith.addi %mul3A_313, %add3A_314 : i32
      %mul3A_316 = arith.constant 25 : i32
      %mul3A_317 = arith.muli %add3A_267, %mul3A_316 : i32
      %add3A_318 = arith.constant 12 : i32
      %add3A_319 = arith.addi %mul3A_317, %add3A_318 : i32
      %mul3A_320 = arith.constant 25 : i32
      %mul3A_321 = arith.muli %add3A_267, %mul3A_320 : i32
      %add3A_322 = arith.constant 13 : i32
      %add3A_323 = arith.addi %mul3A_321, %add3A_322 : i32
      %mul3A_324 = arith.constant 25 : i32
      %mul3A_325 = arith.muli %add3A_267, %mul3A_324 : i32
      %add3A_326 = arith.constant 14 : i32
      %add3A_327 = arith.addi %mul3A_325, %add3A_326 : i32
      %mul3A_328 = arith.constant 25 : i32
      %mul3A_329 = arith.muli %add3A_267, %mul3A_328 : i32
      %add3A_330 = arith.constant 15 : i32
      %add3A_331 = arith.addi %mul3A_329, %add3A_330 : i32
      %mul3A_332 = arith.constant 25 : i32
      %mul3A_333 = arith.muli %add3A_267, %mul3A_332 : i32
      %add3A_334 = arith.constant 16 : i32
      %add3A_335 = arith.addi %mul3A_333, %add3A_334 : i32
      %mul3A_336 = arith.constant 25 : i32
      %mul3A_337 = arith.muli %add3A_267, %mul3A_336 : i32
      %add3A_338 = arith.constant 17 : i32
      %add3A_339 = arith.addi %mul3A_337, %add3A_338 : i32
      %mul3A_340 = arith.constant 25 : i32
      %mul3A_341 = arith.muli %add3A_267, %mul3A_340 : i32
      %add3A_342 = arith.constant 18 : i32
      %add3A_343 = arith.addi %mul3A_341, %add3A_342 : i32
      %mul3A_344 = arith.constant 25 : i32
      %mul3A_345 = arith.muli %add3A_267, %mul3A_344 : i32
      %add3A_346 = arith.constant 19 : i32
      %add3A_347 = arith.addi %mul3A_345, %add3A_346 : i32
      %mul3A_348 = arith.constant 25 : i32
      %mul3A_349 = arith.muli %add3A_267, %mul3A_348 : i32
      %add3A_350 = arith.constant 20 : i32
      %add3A_351 = arith.addi %mul3A_349, %add3A_350 : i32
      %mul3A_352 = arith.constant 25 : i32
      %mul3A_353 = arith.muli %add3A_267, %mul3A_352 : i32
      %add3A_354 = arith.constant 21 : i32
      %add3A_355 = arith.addi %mul3A_353, %add3A_354 : i32
      %mul3A_356 = arith.constant 25 : i32
      %mul3A_357 = arith.muli %add3A_267, %mul3A_356 : i32
      %add3A_358 = arith.constant 22 : i32
      %add3A_359 = arith.addi %mul3A_357, %add3A_358 : i32
      %mul3A_360 = arith.constant 25 : i32
      %mul3A_361 = arith.muli %add3A_267, %mul3A_360 : i32
      %add3A_362 = arith.constant 23 : i32
      %add3A_363 = arith.addi %mul3A_361, %add3A_362 : i32
      %mul3A_364 = arith.constant 25 : i32
      %mul3A_365 = arith.muli %add3A_267, %mul3A_364 : i32
      %add3A_366 = arith.constant 24 : i32
      %add3A_367 = arith.addi %mul3A_365, %add3A_366 : i32
      %dma_start3A_368 = arith.constant 0 : i32
      %dma_start3A_369 = arith.constant 0 : i32
      %dma_start3A_370 = tpu.memref_slice %arg8[%dma_start3A_368, %dma_start3A_369] : memref<3200x16xf32, #tpu.memory_space<vmem>> -> memref<128x16xf32, #tpu.memory_space<vmem>>
      %dma_start3A_371 = arith.constant 0 : i32
      %dma_start3A_372 = tpu.memref_slice %arg6[%add3A_271, %dma_start3A_371] : memref<200x128xi32, #tpu.memory_space<vmem>> -> memref<1x128xi32, #tpu.memory_space<vmem>>
      %dma_start3A_373 = tpu.memref_squeeze %dma_start3A_372 : memref<1x128xi32, #tpu.memory_space<vmem>> -> memref<128xi32, #tpu.memory_space<vmem>>
      %dma_start3A_374 = arith.constant 0 : i32
      %dma_start3A_375 = arith.constant 0 : i32
      %dma_start3A_376 = tpu.memref_slice %arg3[%dma_start3A_374, %dma_start3A_375] : memref<30528x16xf32, #tpu.memory_space<hbm>> -> memref<30528x16xf32, #tpu.memory_space<hbm>>
      tpu.enqueue_indirect_dma source(%dma_start3A_376 : memref<30528x16xf32, #tpu.memory_space<hbm>>) target(%dma_start3A_370 : memref<128x16xf32, #tpu.memory_space<vmem>>) offsets(%dma_start3A_373 : memref<128xi32, #tpu.memory_space<vmem>>) semaphore(%arg12 : memref<!tpu.dma_semaphore, #tpu.memory_space<semaphore_mem>>)
      %dma_start3A_377 = arith.constant 128 : i32
      %dma_start3A_378 = arith.constant 0 : i32
      %dma_start3A_379 = tpu.memref_slice %arg8[%dma_start3A_377, %dma_start3A_378] : memref<3200x16xf32, #tpu.memory_space<vmem>> -> memref<128x16xf32, #tpu.memory_space<vmem>>
      %dma_start3A_380 = arith.constant 0 : i32
      %dma_start3A_381 = tpu.memref_slice %arg6[%add3A_275, %dma_start3A_380] : memref<200x128xi32, #tpu.memory_space<vmem>> -> memref<1x128xi32, #tpu.memory_space<vmem>>
      %dma_start3A_382 = tpu.memref_squeeze %dma_start3A_381 : memref<1x128xi32, #tpu.memory_space<vmem>> -> memref<128xi32, #tpu.memory_space<vmem>>
      %dma_start3A_383 = arith.constant 0 : i32
      %dma_start3A_384 = arith.constant 0 : i32
      %dma_start3A_385 = tpu.memref_slice %arg3[%dma_start3A_383, %dma_start3A_384] : memref<30528x16xf32, #tpu.memory_space<hbm>> -> memref<30528x16xf32, #tpu.memory_space<hbm>>
      tpu.enqueue_indirect_dma source(%dma_start3A_385 : memref<30528x16xf32, #tpu.memory_space<hbm>>) target(%dma_start3A_379 : memref<128x16xf32, #tpu.memory_space<vmem>>) offsets(%dma_start3A_382 : memref<128xi32, #tpu.memory_space<vmem>>) semaphore(%arg12 : memref<!tpu.dma_semaphore, #tpu.memory_space<semaphore_mem>>)
      %dma_start3A_386 = arith.constant 256 : i32
      %dma_start3A_387 = arith.constant 0 : i32
      %dma_start3A_388 = tpu.memref_slice %arg8[%dma_start3A_386, %dma_start3A_387] : memref<3200x16xf32, #tpu.memory_space<vmem>> -> memref<128x16xf32, #tpu.memory_space<vmem>>
      %dma_start3A_389 = arith.constant 0 : i32
      %dma_start3A_390 = tpu.memref_slice %arg6[%add3A_279, %dma_start3A_389] : memref<200x128xi32, #tpu.memory_space<vmem>> -> memref<1x128xi32, #tpu.memory_space<vmem>>
      %dma_start3A_391 = tpu.memref_squeeze %dma_start3A_390 : memref<1x128xi32, #tpu.memory_space<vmem>> -> memref<128xi32, #tpu.memory_space<vmem>>
      %dma_start3A_392 = arith.constant 0 : i32
      %dma_start3A_393 = arith.constant 0 : i32
      %dma_start3A_394 = tpu.memref_slice %arg3[%dma_start3A_392, %dma_start3A_393] : memref<30528x16xf32, #tpu.memory_space<hbm>> -> memref<30528x16xf32, #tpu.memory_space<hbm>>
      tpu.enqueue_indirect_dma source(%dma_start3A_394 : memref<30528x16xf32, #tpu.memory_space<hbm>>) target(%dma_start3A_388 : memref<128x16xf32, #tpu.memory_space<vmem>>) offsets(%dma_start3A_391 : memref<128xi32, #tpu.memory_space<vmem>>) semaphore(%arg12 : memref<!tpu.dma_semaphore, #tpu.memory_space<semaphore_mem>>)
      %dma_start3A_395 = arith.constant 384 : i32
      %dma_start3A_396 = arith.constant 0 : i32
      %dma_start3A_397 = tpu.memref_slice %arg8[%dma_start3A_395, %dma_start3A_396] : memref<3200x16xf32, #tpu.memory_space<vmem>> -> memref<128x16xf32, #tpu.memory_space<vmem>>
      %dma_start3A_398 = arith.constant 0 : i32
      %dma_start3A_399 = tpu.memref_slice %arg6[%add3A_283, %dma_start3A_398] : memref<200x128xi32, #tpu.memory_space<vmem>> -> memref<1x128xi32, #tpu.memory_space<vmem>>
      %dma_start3A_400 = tpu.memref_squeeze %dma_start3A_399 : memref<1x128xi32, #tpu.memory_space<vmem>> -> memref<128xi32, #tpu.memory_space<vmem>>
      %dma_start3A_401 = arith.constant 0 : i32
      %dma_start3A_402 = arith.constant 0 : i32
      %dma_start3A_403 = tpu.memref_slice %arg3[%dma_start3A_401, %dma_start3A_402] : memref<30528x16xf32, #tpu.memory_space<hbm>> -> memref<30528x16xf32, #tpu.memory_space<hbm>>
      tpu.enqueue_indirect_dma source(%dma_start3A_403 : memref<30528x16xf32, #tpu.memory_space<hbm>>) target(%dma_start3A_397 : memref<128x16xf32, #tpu.memory_space<vmem>>) offsets(%dma_start3A_400 : memref<128xi32, #tpu.memory_space<vmem>>) semaphore(%arg12 : memref<!tpu.dma_semaphore, #tpu.memory_space<semaphore_mem>>)
      %dma_start3A_404 = arith.constant 512 : i32
      %dma_start3A_405 = arith.constant 0 : i32
      %dma_start3A_406 = tpu.memref_slice %arg8[%dma_start3A_404, %dma_start3A_405] : memref<3200x16xf32, #tpu.memory_space<vmem>> -> memref<128x16xf32, #tpu.memory_space<vmem>>
      %dma_start3A_407 = arith.constant 0 : i32
      %dma_start3A_408 = tpu.memref_slice %arg6[%add3A_287, %dma_start3A_407] : memref<200x128xi32, #tpu.memory_space<vmem>> -> memref<1x128xi32, #tpu.memory_space<vmem>>
      %dma_start3A_409 = tpu.memref_squeeze %dma_start3A_408 : memref<1x128xi32, #tpu.memory_space<vmem>> -> memref<128xi32, #tpu.memory_space<vmem>>
      %dma_start3A_410 = arith.constant 0 : i32
      %dma_start3A_411 = arith.constant 0 : i32
      %dma_start3A_412 = tpu.memref_slice %arg3[%dma_start3A_410, %dma_start3A_411] : memref<30528x16xf32, #tpu.memory_space<hbm>> -> memref<30528x16xf32, #tpu.memory_space<hbm>>
      tpu.enqueue_indirect_dma source(%dma_start3A_412 : memref<30528x16xf32, #tpu.memory_space<hbm>>) target(%dma_start3A_406 : memref<128x16xf32, #tpu.memory_space<vmem>>) offsets(%dma_start3A_409 : memref<128xi32, #tpu.memory_space<vmem>>) semaphore(%arg12 : memref<!tpu.dma_semaphore, #tpu.memory_space<semaphore_mem>>)
      %dma_start3A_413 = arith.constant 640 : i32
      %dma_start3A_414 = arith.constant 0 : i32
      %dma_start3A_415 = tpu.memref_slice %arg8[%dma_start3A_413, %dma_start3A_414] : memref<3200x16xf32, #tpu.memory_space<vmem>> -> memref<128x16xf32, #tpu.memory_space<vmem>>
      %dma_start3A_416 = arith.constant 0 : i32
      %dma_start3A_417 = tpu.memref_slice %arg6[%add3A_291, %dma_start3A_416] : memref<200x128xi32, #tpu.memory_space<vmem>> -> memref<1x128xi32, #tpu.memory_space<vmem>>
      %dma_start3A_418 = tpu.memref_squeeze %dma_start3A_417 : memref<1x128xi32, #tpu.memory_space<vmem>> -> memref<128xi32, #tpu.memory_space<vmem>>
      %dma_start3A_419 = arith.constant 0 : i32
      %dma_start3A_420 = arith.constant 0 : i32
      %dma_start3A_421 = tpu.memref_slice %arg3[%dma_start3A_419, %dma_start3A_420] : memref<30528x16xf32, #tpu.memory_space<hbm>> -> memref<30528x16xf32, #tpu.memory_space<hbm>>
      tpu.enqueue_indirect_dma source(%dma_start3A_421 : memref<30528x16xf32, #tpu.memory_space<hbm>>) target(%dma_start3A_415 : memref<128x16xf32, #tpu.memory_space<vmem>>) offsets(%dma_start3A_418 : memref<128xi32, #tpu.memory_space<vmem>>) semaphore(%arg12 : memref<!tpu.dma_semaphore, #tpu.memory_space<semaphore_mem>>)
      %dma_start3A_422 = arith.constant 768 : i32
      %dma_start3A_423 = arith.constant 0 : i32
      %dma_start3A_424 = tpu.memref_slice %arg8[%dma_start3A_422, %dma_start3A_423] : memref<3200x16xf32, #tpu.memory_space<vmem>> -> memref<128x16xf32, #tpu.memory_space<vmem>>
      %dma_start3A_425 = arith.constant 0 : i32
      %dma_start3A_426 = tpu.memref_slice %arg6[%add3A_295, %dma_start3A_425] : memref<200x128xi32, #tpu.memory_space<vmem>> -> memref<1x128xi32, #tpu.memory_space<vmem>>
      %dma_start3A_427 = tpu.memref_squeeze %dma_start3A_426 : memref<1x128xi32, #tpu.memory_space<vmem>> -> memref<128xi32, #tpu.memory_space<vmem>>
      %dma_start3A_428 = arith.constant 0 : i32
      %dma_start3A_429 = arith.constant 0 : i32
      %dma_start3A_430 = tpu.memref_slice %arg3[%dma_start3A_428, %dma_start3A_429] : memref<30528x16xf32, #tpu.memory_space<hbm>> -> memref<30528x16xf32, #tpu.memory_space<hbm>>
      tpu.enqueue_indirect_dma source(%dma_start3A_430 : memref<30528x16xf32, #tpu.memory_space<hbm>>) target(%dma_start3A_424 : memref<128x16xf32, #tpu.memory_space<vmem>>) offsets(%dma_start3A_427 : memref<128xi32, #tpu.memory_space<vmem>>) semaphore(%arg12 : memref<!tpu.dma_semaphore, #tpu.memory_space<semaphore_mem>>)
      %dma_start3A_431 = arith.constant 896 : i32
      %dma_start3A_432 = arith.constant 0 : i32
      %dma_start3A_433 = tpu.memref_slice %arg8[%dma_start3A_431, %dma_start3A_432] : memref<3200x16xf32, #tpu.memory_space<vmem>> -> memref<128x16xf32, #tpu.memory_space<vmem>>
      %dma_start3A_434 = arith.constant 0 : i32
      %dma_start3A_435 = tpu.memref_slice %arg6[%add3A_299, %dma_start3A_434] : memref<200x128xi32, #tpu.memory_space<vmem>> -> memref<1x128xi32, #tpu.memory_space<vmem>>
      %dma_start3A_436 = tpu.memref_squeeze %dma_start3A_435 : memref<1x128xi32, #tpu.memory_space<vmem>> -> memref<128xi32, #tpu.memory_space<vmem>>
      %dma_start3A_437 = arith.constant 0 : i32
      %dma_start3A_438 = arith.constant 0 : i32
      %dma_start3A_439 = tpu.memref_slice %arg3[%dma_start3A_437, %dma_start3A_438] : memref<30528x16xf32, #tpu.memory_space<hbm>> -> memref<30528x16xf32, #tpu.memory_space<hbm>>
      tpu.enqueue_indirect_dma source(%dma_start3A_439 : memref<30528x16xf32, #tpu.memory_space<hbm>>) target(%dma_start3A_433 : memref<128x16xf32, #tpu.memory_space<vmem>>) offsets(%dma_start3A_436 : memref<128xi32, #tpu.memory_space<vmem>>) semaphore(%arg12 : memref<!tpu.dma_semaphore, #tpu.memory_space<semaphore_mem>>)
      %dma_start3A_440 = arith.constant 1024 : i32
      %dma_start3A_441 = arith.constant 0 : i32
      %dma_start3A_442 = tpu.memref_slice %arg8[%dma_start3A_440, %dma_start3A_441] : memref<3200x16xf32, #tpu.memory_space<vmem>> -> memref<128x16xf32, #tpu.memory_space<vmem>>
      %dma_start3A_443 = arith.constant 0 : i32
      %dma_start3A_444 = tpu.memref_slice %arg6[%add3A_303, %dma_start3A_443] : memref<200x128xi32, #tpu.memory_space<vmem>> -> memref<1x128xi32, #tpu.memory_space<vmem>>
      %dma_start3A_445 = tpu.memref_squeeze %dma_start3A_444 : memref<1x128xi32, #tpu.memory_space<vmem>> -> memref<128xi32, #tpu.memory_space<vmem>>
      %dma_start3A_446 = arith.constant 0 : i32
      %dma_start3A_447 = arith.constant 0 : i32
      %dma_start3A_448 = tpu.memref_slice %arg3[%dma_start3A_446, %dma_start3A_447] : memref<30528x16xf32, #tpu.memory_space<hbm>> -> memref<30528x16xf32, #tpu.memory_space<hbm>>
      tpu.enqueue_indirect_dma source(%dma_start3A_448 : memref<30528x16xf32, #tpu.memory_space<hbm>>) target(%dma_start3A_442 : memref<128x16xf32, #tpu.memory_space<vmem>>) offsets(%dma_start3A_445 : memref<128xi32, #tpu.memory_space<vmem>>) semaphore(%arg12 : memref<!tpu.dma_semaphore, #tpu.memory_space<semaphore_mem>>)
      %dma_start3A_449 = arith.constant 1152 : i32
      %dma_start3A_450 = arith.constant 0 : i32
      %dma_start3A_451 = tpu.memref_slice %arg8[%dma_start3A_449, %dma_start3A_450] : memref<3200x16xf32, #tpu.memory_space<vmem>> -> memref<128x16xf32, #tpu.memory_space<vmem>>
      %dma_start3A_452 = arith.constant 0 : i32
      %dma_start3A_453 = tpu.memref_slice %arg6[%add3A_307, %dma_start3A_452] : memref<200x128xi32, #tpu.memory_space<vmem>> -> memref<1x128xi32, #tpu.memory_space<vmem>>
      %dma_start3A_454 = tpu.memref_squeeze %dma_start3A_453 : memref<1x128xi32, #tpu.memory_space<vmem>> -> memref<128xi32, #tpu.memory_space<vmem>>
      %dma_start3A_455 = arith.constant 0 : i32
      %dma_start3A_456 = arith.constant 0 : i32
      %dma_start3A_457 = tpu.memref_slice %arg3[%dma_start3A_455, %dma_start3A_456] : memref<30528x16xf32, #tpu.memory_space<hbm>> -> memref<30528x16xf32, #tpu.memory_space<hbm>>
      tpu.enqueue_indirect_dma source(%dma_start3A_457 : memref<30528x16xf32, #tpu.memory_space<hbm>>) target(%dma_start3A_451 : memref<128x16xf32, #tpu.memory_space<vmem>>) offsets(%dma_start3A_454 : memref<128xi32, #tpu.memory_space<vmem>>) semaphore(%arg12 : memref<!tpu.dma_semaphore, #tpu.memory_space<semaphore_mem>>)
      %dma_start3A_458 = arith.constant 1280 : i32
      %dma_start3A_459 = arith.constant 0 : i32
      %dma_start3A_460 = tpu.memref_slice %arg8[%dma_start3A_458, %dma_start3A_459] : memref<3200x16xf32, #tpu.memory_space<vmem>> -> memref<128x16xf32, #tpu.memory_space<vmem>>
      %dma_start3A_461 = arith.constant 0 : i32
      %dma_start3A_462 = tpu.memref_slice %arg6[%add3A_311, %dma_start3A_461] : memref<200x128xi32, #tpu.memory_space<vmem>> -> memref<1x128xi32, #tpu.memory_space<vmem>>
      %dma_start3A_463 = tpu.memref_squeeze %dma_start3A_462 : memref<1x128xi32, #tpu.memory_space<vmem>> -> memref<128xi32, #tpu.memory_space<vmem>>
      %dma_start3A_464 = arith.constant 0 : i32
      %dma_start3A_465 = arith.constant 0 : i32
      %dma_start3A_466 = tpu.memref_slice %arg3[%dma_start3A_464, %dma_start3A_465] : memref<30528x16xf32, #tpu.memory_space<hbm>> -> memref<30528x16xf32, #tpu.memory_space<hbm>>
      tpu.enqueue_indirect_dma source(%dma_start3A_466 : memref<30528x16xf32, #tpu.memory_space<hbm>>) target(%dma_start3A_460 : memref<128x16xf32, #tpu.memory_space<vmem>>) offsets(%dma_start3A_463 : memref<128xi32, #tpu.memory_space<vmem>>) semaphore(%arg12 : memref<!tpu.dma_semaphore, #tpu.memory_space<semaphore_mem>>)
      %dma_start3A_467 = arith.constant 1408 : i32
      %dma_start3A_468 = arith.constant 0 : i32
      %dma_start3A_469 = tpu.memref_slice %arg8[%dma_start3A_467, %dma_start3A_468] : memref<3200x16xf32, #tpu.memory_space<vmem>> -> memref<128x16xf32, #tpu.memory_space<vmem>>
      %dma_start3A_470 = arith.constant 0 : i32
      %dma_start3A_471 = tpu.memref_slice %arg6[%add3A_315, %dma_start3A_470] : memref<200x128xi32, #tpu.memory_space<vmem>> -> memref<1x128xi32, #tpu.memory_space<vmem>>
      %dma_start3A_472 = tpu.memref_squeeze %dma_start3A_471 : memref<1x128xi32, #tpu.memory_space<vmem>> -> memref<128xi32, #tpu.memory_space<vmem>>
      %dma_start3A_473 = arith.constant 0 : i32
      %dma_start3A_474 = arith.constant 0 : i32
      %dma_start3A_475 = tpu.memref_slice %arg3[%dma_start3A_473, %dma_start3A_474] : memref<30528x16xf32, #tpu.memory_space<hbm>> -> memref<30528x16xf32, #tpu.memory_space<hbm>>
      tpu.enqueue_indirect_dma source(%dma_start3A_475 : memref<30528x16xf32, #tpu.memory_space<hbm>>) target(%dma_start3A_469 : memref<128x16xf32, #tpu.memory_space<vmem>>) offsets(%dma_start3A_472 : memref<128xi32, #tpu.memory_space<vmem>>) semaphore(%arg12 : memref<!tpu.dma_semaphore, #tpu.memory_space<semaphore_mem>>)
      %dma_start3A_476 = arith.constant 1536 : i32
      %dma_start3A_477 = arith.constant 0 : i32
      %dma_start3A_478 = tpu.memref_slice %arg8[%dma_start3A_476, %dma_start3A_477] : memref<3200x16xf32, #tpu.memory_space<vmem>> -> memref<128x16xf32, #tpu.memory_space<vmem>>
      %dma_start3A_479 = arith.constant 0 : i32
      %dma_start3A_480 = tpu.memref_slice %arg6[%add3A_319, %dma_start3A_479] : memref<200x128xi32, #tpu.memory_space<vmem>> -> memref<1x128xi32, #tpu.memory_space<vmem>>
      %dma_start3A_481 = tpu.memref_squeeze %dma_start3A_480 : memref<1x128xi32, #tpu.memory_space<vmem>> -> memref<128xi32, #tpu.memory_space<vmem>>
      %dma_start3A_482 = arith.constant 0 : i32
      %dma_start3A_483 = arith.constant 0 : i32
      %dma_start3A_484 = tpu.memref_slice %arg3[%dma_start3A_482, %dma_start3A_483] : memref<30528x16xf32, #tpu.memory_space<hbm>> -> memref<30528x16xf32, #tpu.memory_space<hbm>>
      tpu.enqueue_indirect_dma source(%dma_start3A_484 : memref<30528x16xf32, #tpu.memory_space<hbm>>) target(%dma_start3A_478 : memref<128x16xf32, #tpu.memory_space<vmem>>) offsets(%dma_start3A_481 : memref<128xi32, #tpu.memory_space<vmem>>) semaphore(%arg12 : memref<!tpu.dma_semaphore, #tpu.memory_space<semaphore_mem>>)
      %dma_start3A_485 = arith.constant 1664 : i32
      %dma_start3A_486 = arith.constant 0 : i32
      %dma_start3A_487 = tpu.memref_slice %arg8[%dma_start3A_485, %dma_start3A_486] : memref<3200x16xf32, #tpu.memory_space<vmem>> -> memref<128x16xf32, #tpu.memory_space<vmem>>
      %dma_start3A_488 = arith.constant 0 : i32
      %dma_start3A_489 = tpu.memref_slice %arg6[%add3A_323, %dma_start3A_488] : memref<200x128xi32, #tpu.memory_space<vmem>> -> memref<1x128xi32, #tpu.memory_space<vmem>>
      %dma_start3A_490 = tpu.memref_squeeze %dma_start3A_489 : memref<1x128xi32, #tpu.memory_space<vmem>> -> memref<128xi32, #tpu.memory_space<vmem>>
      %dma_start3A_491 = arith.constant 0 : i32
      %dma_start3A_492 = arith.constant 0 : i32
      %dma_start3A_493 = tpu.memref_slice %arg3[%dma_start3A_491, %dma_start3A_492] : memref<30528x16xf32, #tpu.memory_space<hbm>> -> memref<30528x16xf32, #tpu.memory_space<hbm>>
      tpu.enqueue_indirect_dma source(%dma_start3A_493 : memref<30528x16xf32, #tpu.memory_space<hbm>>) target(%dma_start3A_487 : memref<128x16xf32, #tpu.memory_space<vmem>>) offsets(%dma_start3A_490 : memref<128xi32, #tpu.memory_space<vmem>>) semaphore(%arg12 : memref<!tpu.dma_semaphore, #tpu.memory_space<semaphore_mem>>)
      %dma_start3A_494 = arith.constant 1792 : i32
      %dma_start3A_495 = arith.constant 0 : i32
      %dma_start3A_496 = tpu.memref_slice %arg8[%dma_start3A_494, %dma_start3A_495] : memref<3200x16xf32, #tpu.memory_space<vmem>> -> memref<128x16xf32, #tpu.memory_space<vmem>>
      %dma_start3A_497 = arith.constant 0 : i32
      %dma_start3A_498 = tpu.memref_slice %arg6[%add3A_327, %dma_start3A_497] : memref<200x128xi32, #tpu.memory_space<vmem>> -> memref<1x128xi32, #tpu.memory_space<vmem>>
      %dma_start3A_499 = tpu.memref_squeeze %dma_start3A_498 : memref<1x128xi32, #tpu.memory_space<vmem>> -> memref<128xi32, #tpu.memory_space<vmem>>
      %dma_start3A_500 = arith.constant 0 : i32
      %dma_start3A_501 = arith.constant 0 : i32
      %dma_start3A_502 = tpu.memref_slice %arg3[%dma_start3A_500, %dma_start3A_501] : memref<30528x16xf32, #tpu.memory_space<hbm>> -> memref<30528x16xf32, #tpu.memory_space<hbm>>
      tpu.enqueue_indirect_dma source(%dma_start3A_502 : memref<30528x16xf32, #tpu.memory_space<hbm>>) target(%dma_start3A_496 : memref<128x16xf32, #tpu.memory_space<vmem>>) offsets(%dma_start3A_499 : memref<128xi32, #tpu.memory_space<vmem>>) semaphore(%arg12 : memref<!tpu.dma_semaphore, #tpu.memory_space<semaphore_mem>>)
      %dma_start3A_503 = arith.constant 1920 : i32
      %dma_start3A_504 = arith.constant 0 : i32
      %dma_start3A_505 = tpu.memref_slice %arg8[%dma_start3A_503, %dma_start3A_504] : memref<3200x16xf32, #tpu.memory_space<vmem>> -> memref<128x16xf32, #tpu.memory_space<vmem>>
      %dma_start3A_506 = arith.constant 0 : i32
      %dma_start3A_507 = tpu.memref_slice %arg6[%add3A_331, %dma_start3A_506] : memref<200x128xi32, #tpu.memory_space<vmem>> -> memref<1x128xi32, #tpu.memory_space<vmem>>
      %dma_start3A_508 = tpu.memref_squeeze %dma_start3A_507 : memref<1x128xi32, #tpu.memory_space<vmem>> -> memref<128xi32, #tpu.memory_space<vmem>>
      %dma_start3A_509 = arith.constant 0 : i32
      %dma_start3A_510 = arith.constant 0 : i32
      %dma_start3A_511 = tpu.memref_slice %arg3[%dma_start3A_509, %dma_start3A_510] : memref<30528x16xf32, #tpu.memory_space<hbm>> -> memref<30528x16xf32, #tpu.memory_space<hbm>>
      tpu.enqueue_indirect_dma source(%dma_start3A_511 : memref<30528x16xf32, #tpu.memory_space<hbm>>) target(%dma_start3A_505 : memref<128x16xf32, #tpu.memory_space<vmem>>) offsets(%dma_start3A_508 : memref<128xi32, #tpu.memory_space<vmem>>) semaphore(%arg12 : memref<!tpu.dma_semaphore, #tpu.memory_space<semaphore_mem>>)
      %dma_start3A_512 = arith.constant 2048 : i32
      %dma_start3A_513 = arith.constant 0 : i32
      %dma_start3A_514 = tpu.memref_slice %arg8[%dma_start3A_512, %dma_start3A_513] : memref<3200x16xf32, #tpu.memory_space<vmem>> -> memref<128x16xf32, #tpu.memory_space<vmem>>
      %dma_start3A_515 = arith.constant 0 : i32
      %dma_start3A_516 = tpu.memref_slice %arg6[%add3A_335, %dma_start3A_515] : memref<200x128xi32, #tpu.memory_space<vmem>> -> memref<1x128xi32, #tpu.memory_space<vmem>>
      %dma_start3A_517 = tpu.memref_squeeze %dma_start3A_516 : memref<1x128xi32, #tpu.memory_space<vmem>> -> memref<128xi32, #tpu.memory_space<vmem>>
      %dma_start3A_518 = arith.constant 0 : i32
      %dma_start3A_519 = arith.constant 0 : i32
      %dma_start3A_520 = tpu.memref_slice %arg3[%dma_start3A_518, %dma_start3A_519] : memref<30528x16xf32, #tpu.memory_space<hbm>> -> memref<30528x16xf32, #tpu.memory_space<hbm>>
      tpu.enqueue_indirect_dma source(%dma_start3A_520 : memref<30528x16xf32, #tpu.memory_space<hbm>>) target(%dma_start3A_514 : memref<128x16xf32, #tpu.memory_space<vmem>>) offsets(%dma_start3A_517 : memref<128xi32, #tpu.memory_space<vmem>>) semaphore(%arg12 : memref<!tpu.dma_semaphore, #tpu.memory_space<semaphore_mem>>)
      %dma_start3A_521 = arith.constant 2176 : i32
      %dma_start3A_522 = arith.constant 0 : i32
      %dma_start3A_523 = tpu.memref_slice %arg8[%dma_start3A_521, %dma_start3A_522] : memref<3200x16xf32, #tpu.memory_space<vmem>> -> memref<128x16xf32, #tpu.memory_space<vmem>>
      %dma_start3A_524 = arith.constant 0 : i32
      %dma_start3A_525 = tpu.memref_slice %arg6[%add3A_339, %dma_start3A_524] : memref<200x128xi32, #tpu.memory_space<vmem>> -> memref<1x128xi32, #tpu.memory_space<vmem>>
      %dma_start3A_526 = tpu.memref_squeeze %dma_start3A_525 : memref<1x128xi32, #tpu.memory_space<vmem>> -> memref<128xi32, #tpu.memory_space<vmem>>
      %dma_start3A_527 = arith.constant 0 : i32
      %dma_start3A_528 = arith.constant 0 : i32
      %dma_start3A_529 = tpu.memref_slice %arg3[%dma_start3A_527, %dma_start3A_528] : memref<30528x16xf32, #tpu.memory_space<hbm>> -> memref<30528x16xf32, #tpu.memory_space<hbm>>
      tpu.enqueue_indirect_dma source(%dma_start3A_529 : memref<30528x16xf32, #tpu.memory_space<hbm>>) target(%dma_start3A_523 : memref<128x16xf32, #tpu.memory_space<vmem>>) offsets(%dma_start3A_526 : memref<128xi32, #tpu.memory_space<vmem>>) semaphore(%arg12 : memref<!tpu.dma_semaphore, #tpu.memory_space<semaphore_mem>>)
      %dma_start3A_530 = arith.constant 2304 : i32
      %dma_start3A_531 = arith.constant 0 : i32
      %dma_start3A_532 = tpu.memref_slice %arg8[%dma_start3A_530, %dma_start3A_531] : memref<3200x16xf32, #tpu.memory_space<vmem>> -> memref<128x16xf32, #tpu.memory_space<vmem>>
      %dma_start3A_533 = arith.constant 0 : i32
      %dma_start3A_534 = tpu.memref_slice %arg6[%add3A_343, %dma_start3A_533] : memref<200x128xi32, #tpu.memory_space<vmem>> -> memref<1x128xi32, #tpu.memory_space<vmem>>
      %dma_start3A_535 = tpu.memref_squeeze %dma_start3A_534 : memref<1x128xi32, #tpu.memory_space<vmem>> -> memref<128xi32, #tpu.memory_space<vmem>>
      %dma_start3A_536 = arith.constant 0 : i32
      %dma_start3A_537 = arith.constant 0 : i32
      %dma_start3A_538 = tpu.memref_slice %arg3[%dma_start3A_536, %dma_start3A_537] : memref<30528x16xf32, #tpu.memory_space<hbm>> -> memref<30528x16xf32, #tpu.memory_space<hbm>>
      tpu.enqueue_indirect_dma source(%dma_start3A_538 : memref<30528x16xf32, #tpu.memory_space<hbm>>) target(%dma_start3A_532 : memref<128x16xf32, #tpu.memory_space<vmem>>) offsets(%dma_start3A_535 : memref<128xi32, #tpu.memory_space<vmem>>) semaphore(%arg12 : memref<!tpu.dma_semaphore, #tpu.memory_space<semaphore_mem>>)
      %dma_start3A_539 = arith.constant 2432 : i32
      %dma_start3A_540 = arith.constant 0 : i32
      %dma_start3A_541 = tpu.memref_slice %arg8[%dma_start3A_539, %dma_start3A_540] : memref<3200x16xf32, #tpu.memory_space<vmem>> -> memref<128x16xf32, #tpu.memory_space<vmem>>
      %dma_start3A_542 = arith.constant 0 : i32
      %dma_start3A_543 = tpu.memref_slice %arg6[%add3A_347, %dma_start3A_542] : memref<200x128xi32, #tpu.memory_space<vmem>> -> memref<1x128xi32, #tpu.memory_space<vmem>>
      %dma_start3A_544 = tpu.memref_squeeze %dma_start3A_543 : memref<1x128xi32, #tpu.memory_space<vmem>> -> memref<128xi32, #tpu.memory_space<vmem>>
      %dma_start3A_545 = arith.constant 0 : i32
      %dma_start3A_546 = arith.constant 0 : i32
      %dma_start3A_547 = tpu.memref_slice %arg3[%dma_start3A_545, %dma_start3A_546] : memref<30528x16xf32, #tpu.memory_space<hbm>> -> memref<30528x16xf32, #tpu.memory_space<hbm>>
      tpu.enqueue_indirect_dma source(%dma_start3A_547 : memref<30528x16xf32, #tpu.memory_space<hbm>>) target(%dma_start3A_541 : memref<128x16xf32, #tpu.memory_space<vmem>>) offsets(%dma_start3A_544 : memref<128xi32, #tpu.memory_space<vmem>>) semaphore(%arg12 : memref<!tpu.dma_semaphore, #tpu.memory_space<semaphore_mem>>)
      %dma_start3A_548 = arith.constant 2560 : i32
      %dma_start3A_549 = arith.constant 0 : i32
      %dma_start3A_550 = tpu.memref_slice %arg8[%dma_start3A_548, %dma_start3A_549] : memref<3200x16xf32, #tpu.memory_space<vmem>> -> memref<128x16xf32, #tpu.memory_space<vmem>>
      %dma_start3A_551 = arith.constant 0 : i32
      %dma_start3A_552 = tpu.memref_slice %arg6[%add3A_351, %dma_start3A_551] : memref<200x128xi32, #tpu.memory_space<vmem>> -> memref<1x128xi32, #tpu.memory_space<vmem>>
      %dma_start3A_553 = tpu.memref_squeeze %dma_start3A_552 : memref<1x128xi32, #tpu.memory_space<vmem>> -> memref<128xi32, #tpu.memory_space<vmem>>
      %dma_start3A_554 = arith.constant 0 : i32
      %dma_start3A_555 = arith.constant 0 : i32
      %dma_start3A_556 = tpu.memref_slice %arg3[%dma_start3A_554, %dma_start3A_555] : memref<30528x16xf32, #tpu.memory_space<hbm>> -> memref<30528x16xf32, #tpu.memory_space<hbm>>
      tpu.enqueue_indirect_dma source(%dma_start3A_556 : memref<30528x16xf32, #tpu.memory_space<hbm>>) target(%dma_start3A_550 : memref<128x16xf32, #tpu.memory_space<vmem>>) offsets(%dma_start3A_553 : memref<128xi32, #tpu.memory_space<vmem>>) semaphore(%arg12 : memref<!tpu.dma_semaphore, #tpu.memory_space<semaphore_mem>>)
      %dma_start3A_557 = arith.constant 2688 : i32
      %dma_start3A_558 = arith.constant 0 : i32
      %dma_start3A_559 = tpu.memref_slice %arg8[%dma_start3A_557, %dma_start3A_558] : memref<3200x16xf32, #tpu.memory_space<vmem>> -> memref<128x16xf32, #tpu.memory_space<vmem>>
      %dma_start3A_560 = arith.constant 0 : i32
      %dma_start3A_561 = tpu.memref_slice %arg6[%add3A_355, %dma_start3A_560] : memref<200x128xi32, #tpu.memory_space<vmem>> -> memref<1x128xi32, #tpu.memory_space<vmem>>
      %dma_start3A_562 = tpu.memref_squeeze %dma_start3A_561 : memref<1x128xi32, #tpu.memory_space<vmem>> -> memref<128xi32, #tpu.memory_space<vmem>>
      %dma_start3A_563 = arith.constant 0 : i32
      %dma_start3A_564 = arith.constant 0 : i32
      %dma_start3A_565 = tpu.memref_slice %arg3[%dma_start3A_563, %dma_start3A_564] : memref<30528x16xf32, #tpu.memory_space<hbm>> -> memref<30528x16xf32, #tpu.memory_space<hbm>>
      tpu.enqueue_indirect_dma source(%dma_start3A_565 : memref<30528x16xf32, #tpu.memory_space<hbm>>) target(%dma_start3A_559 : memref<128x16xf32, #tpu.memory_space<vmem>>) offsets(%dma_start3A_562 : memref<128xi32, #tpu.memory_space<vmem>>) semaphore(%arg12 : memref<!tpu.dma_semaphore, #tpu.memory_space<semaphore_mem>>)
      %dma_start3A_566 = arith.constant 2816 : i32
      %dma_start3A_567 = arith.constant 0 : i32
      %dma_start3A_568 = tpu.memref_slice %arg8[%dma_start3A_566, %dma_start3A_567] : memref<3200x16xf32, #tpu.memory_space<vmem>> -> memref<128x16xf32, #tpu.memory_space<vmem>>
      %dma_start3A_569 = arith.constant 0 : i32
      %dma_start3A_570 = tpu.memref_slice %arg6[%add3A_359, %dma_start3A_569] : memref<200x128xi32, #tpu.memory_space<vmem>> -> memref<1x128xi32, #tpu.memory_space<vmem>>
      %dma_start3A_571 = tpu.memref_squeeze %dma_start3A_570 : memref<1x128xi32, #tpu.memory_space<vmem>> -> memref<128xi32, #tpu.memory_space<vmem>>
      %dma_start3A_572 = arith.constant 0 : i32
      %dma_start3A_573 = arith.constant 0 : i32
      %dma_start3A_574 = tpu.memref_slice %arg3[%dma_start3A_572, %dma_start3A_573] : memref<30528x16xf32, #tpu.memory_space<hbm>> -> memref<30528x16xf32, #tpu.memory_space<hbm>>
      tpu.enqueue_indirect_dma source(%dma_start3A_574 : memref<30528x16xf32, #tpu.memory_space<hbm>>) target(%dma_start3A_568 : memref<128x16xf32, #tpu.memory_space<vmem>>) offsets(%dma_start3A_571 : memref<128xi32, #tpu.memory_space<vmem>>) semaphore(%arg12 : memref<!tpu.dma_semaphore, #tpu.memory_space<semaphore_mem>>)
      %dma_start3A_575 = arith.constant 2944 : i32
      %dma_start3A_576 = arith.constant 0 : i32
      %dma_start3A_577 = tpu.memref_slice %arg8[%dma_start3A_575, %dma_start3A_576] : memref<3200x16xf32, #tpu.memory_space<vmem>> -> memref<128x16xf32, #tpu.memory_space<vmem>>
      %dma_start3A_578 = arith.constant 0 : i32
      %dma_start3A_579 = tpu.memref_slice %arg6[%add3A_363, %dma_start3A_578] : memref<200x128xi32, #tpu.memory_space<vmem>> -> memref<1x128xi32, #tpu.memory_space<vmem>>
      %dma_start3A_580 = tpu.memref_squeeze %dma_start3A_579 : memref<1x128xi32, #tpu.memory_space<vmem>> -> memref<128xi32, #tpu.memory_space<vmem>>
      %dma_start3A_581 = arith.constant 0 : i32
      %dma_start3A_582 = arith.constant 0 : i32
      %dma_start3A_583 = tpu.memref_slice %arg3[%dma_start3A_581, %dma_start3A_582] : memref<30528x16xf32, #tpu.memory_space<hbm>> -> memref<30528x16xf32, #tpu.memory_space<hbm>>
      tpu.enqueue_indirect_dma source(%dma_start3A_583 : memref<30528x16xf32, #tpu.memory_space<hbm>>) target(%dma_start3A_577 : memref<128x16xf32, #tpu.memory_space<vmem>>) offsets(%dma_start3A_580 : memref<128xi32, #tpu.memory_space<vmem>>) semaphore(%arg12 : memref<!tpu.dma_semaphore, #tpu.memory_space<semaphore_mem>>)
      %dma_start3A_584 = arith.constant 3072 : i32
      %dma_start3A_585 = arith.constant 0 : i32
      %dma_start3A_586 = tpu.memref_slice %arg8[%dma_start3A_584, %dma_start3A_585] : memref<3200x16xf32, #tpu.memory_space<vmem>> -> memref<128x16xf32, #tpu.memory_space<vmem>>
      %dma_start3A_587 = arith.constant 0 : i32
      %dma_start3A_588 = tpu.memref_slice %arg6[%add3A_367, %dma_start3A_587] : memref<200x128xi32, #tpu.memory_space<vmem>> -> memref<1x128xi32, #tpu.memory_space<vmem>>
      %dma_start3A_589 = tpu.memref_squeeze %dma_start3A_588 : memref<1x128xi32, #tpu.memory_space<vmem>> -> memref<128xi32, #tpu.memory_space<vmem>>
      %dma_start3A_590 = arith.constant 0 : i32
      %dma_start3A_591 = arith.constant 0 : i32
      %dma_start3A_592 = tpu.memref_slice %arg3[%dma_start3A_590, %dma_start3A_591] : memref<30528x16xf32, #tpu.memory_space<hbm>> -> memref<30528x16xf32, #tpu.memory_space<hbm>>
      tpu.enqueue_indirect_dma source(%dma_start3A_592 : memref<30528x16xf32, #tpu.memory_space<hbm>>) target(%dma_start3A_586 : memref<128x16xf32, #tpu.memory_space<vmem>>) offsets(%dma_start3A_589 : memref<128xi32, #tpu.memory_space<vmem>>) semaphore(%arg12 : memref<!tpu.dma_semaphore, #tpu.memory_space<semaphore_mem>>)
      %mul3A_593 = arith.constant 25 : i32
      %mul3A_594 = arith.muli %mul3A_265, %mul3A_593 : i32
      %add3A_595 = arith.constant 0 : i32
      %add3A_596 = arith.addi %mul3A_594, %add3A_595 : i32
      %mul3A_597 = arith.constant 25 : i32
      %mul3A_598 = arith.muli %mul3A_265, %mul3A_597 : i32
      %add3A_599 = arith.constant 1 : i32
      %add3A_600 = arith.addi %mul3A_598, %add3A_599 : i32
      %mul3A_601 = arith.constant 25 : i32
      %mul3A_602 = arith.muli %mul3A_265, %mul3A_601 : i32
      %add3A_603 = arith.constant 2 : i32
      %add3A_604 = arith.addi %mul3A_602, %add3A_603 : i32
      %mul3A_605 = arith.constant 25 : i32
      %mul3A_606 = arith.muli %mul3A_265, %mul3A_605 : i32
      %add3A_607 = arith.constant 3 : i32
      %add3A_608 = arith.addi %mul3A_606, %add3A_607 : i32
      %mul3A_609 = arith.constant 25 : i32
      %mul3A_610 = arith.muli %mul3A_265, %mul3A_609 : i32
      %add3A_611 = arith.constant 4 : i32
      %add3A_612 = arith.addi %mul3A_610, %add3A_611 : i32
      %mul3A_613 = arith.constant 25 : i32
      %mul3A_614 = arith.muli %mul3A_265, %mul3A_613 : i32
      %add3A_615 = arith.constant 5 : i32
      %add3A_616 = arith.addi %mul3A_614, %add3A_615 : i32
      %mul3A_617 = arith.constant 25 : i32
      %mul3A_618 = arith.muli %mul3A_265, %mul3A_617 : i32
      %add3A_619 = arith.constant 6 : i32
      %add3A_620 = arith.addi %mul3A_618, %add3A_619 : i32
      %mul3A_621 = arith.constant 25 : i32
      %mul3A_622 = arith.muli %mul3A_265, %mul3A_621 : i32
      %add3A_623 = arith.constant 7 : i32
      %add3A_624 = arith.addi %mul3A_622, %add3A_623 : i32
      %mul3A_625 = arith.constant 25 : i32
      %mul3A_626 = arith.muli %mul3A_265, %mul3A_625 : i32
      %add3A_627 = arith.constant 8 : i32
      %add3A_628 = arith.addi %mul3A_626, %add3A_627 : i32
      %mul3A_629 = arith.constant 25 : i32
      %mul3A_630 = arith.muli %mul3A_265, %mul3A_629 : i32
      %add3A_631 = arith.constant 9 : i32
      %add3A_632 = arith.addi %mul3A_630, %add3A_631 : i32
      %mul3A_633 = arith.constant 25 : i32
      %mul3A_634 = arith.muli %mul3A_265, %mul3A_633 : i32
      %add3A_635 = arith.constant 10 : i32
      %add3A_636 = arith.addi %mul3A_634, %add3A_635 : i32
      %mul3A_637 = arith.constant 25 : i32
      %mul3A_638 = arith.muli %mul3A_265, %mul3A_637 : i32
      %add3A_639 = arith.constant 11 : i32
      %add3A_640 = arith.addi %mul3A_638, %add3A_639 : i32
      %mul3A_641 = arith.constant 25 : i32
      %mul3A_642 = arith.muli %mul3A_265, %mul3A_641 : i32
      %add3A_643 = arith.constant 12 : i32
      %add3A_644 = arith.addi %mul3A_642, %add3A_643 : i32
      %mul3A_645 = arith.constant 25 : i32
      %mul3A_646 = arith.muli %mul3A_265, %mul3A_645 : i32
      %add3A_647 = arith.constant 13 : i32
      %add3A_648 = arith.addi %mul3A_646, %add3A_647 : i32
      %mul3A_649 = arith.constant 25 : i32
      %mul3A_650 = arith.muli %mul3A_265, %mul3A_649 : i32
      %add3A_651 = arith.constant 14 : i32
      %add3A_652 = arith.addi %mul3A_650, %add3A_651 : i32
      %mul3A_653 = arith.constant 25 : i32
      %mul3A_654 = arith.muli %mul3A_265, %mul3A_653 : i32
      %add3A_655 = arith.constant 15 : i32
      %add3A_656 = arith.addi %mul3A_654, %add3A_655 : i32
      %mul3A_657 = arith.constant 25 : i32
      %mul3A_658 = arith.muli %mul3A_265, %mul3A_657 : i32
      %add3A_659 = arith.constant 16 : i32
      %add3A_660 = arith.addi %mul3A_658, %add3A_659 : i32
      %mul3A_661 = arith.constant 25 : i32
      %mul3A_662 = arith.muli %mul3A_265, %mul3A_661 : i32
      %add3A_663 = arith.constant 17 : i32
      %add3A_664 = arith.addi %mul3A_662, %add3A_663 : i32
      %mul3A_665 = arith.constant 25 : i32
      %mul3A_666 = arith.muli %mul3A_265, %mul3A_665 : i32
      %add3A_667 = arith.constant 18 : i32
      %add3A_668 = arith.addi %mul3A_666, %add3A_667 : i32
      %mul3A_669 = arith.constant 25 : i32
      %mul3A_670 = arith.muli %mul3A_265, %mul3A_669 : i32
      %add3A_671 = arith.constant 19 : i32
      %add3A_672 = arith.addi %mul3A_670, %add3A_671 : i32
      %mul3A_673 = arith.constant 25 : i32
      %mul3A_674 = arith.muli %mul3A_265, %mul3A_673 : i32
      %add3A_675 = arith.constant 20 : i32
      %add3A_676 = arith.addi %mul3A_674, %add3A_675 : i32
      %mul3A_677 = arith.constant 25 : i32
      %mul3A_678 = arith.muli %mul3A_265, %mul3A_677 : i32
      %add3A_679 = arith.constant 21 : i32
      %add3A_680 = arith.addi %mul3A_678, %add3A_679 : i32
      %mul3A_681 = arith.constant 25 : i32
      %mul3A_682 = arith.muli %mul3A_265, %mul3A_681 : i32
      %add3A_683 = arith.constant 22 : i32
      %add3A_684 = arith.addi %mul3A_682, %add3A_683 : i32
      %mul3A_685 = arith.constant 25 : i32
      %mul3A_686 = arith.muli %mul3A_265, %mul3A_685 : i32
      %add3A_687 = arith.constant 23 : i32
      %add3A_688 = arith.addi %mul3A_686, %add3A_687 : i32
      %mul3A_689 = arith.constant 25 : i32
      %mul3A_690 = arith.muli %mul3A_265, %mul3A_689 : i32
      %add3A_691 = arith.constant 24 : i32
      %add3A_692 = arith.addi %mul3A_690, %add3A_691 : i32
      %dma_wait3A = arith.constant 0 : i32
      %dma_wait3A_693 = arith.constant 0 : i32
      %dma_wait3A_694 = tpu.memref_slice %arg7[%dma_wait3A, %dma_wait3A_693] : memref<3200x16xf32, #tpu.memory_space<vmem>> -> memref<128x16xf32, #tpu.memory_space<vmem>>
      %dma_wait3A_695 = arith.constant 0 : i32
      %dma_wait3A_696 = tpu.memref_slice %arg6[%add3A_596, %dma_wait3A_695] : memref<200x128xi32, #tpu.memory_space<vmem>> -> memref<1x128xi32, #tpu.memory_space<vmem>>
      %dma_wait3A_697 = tpu.memref_squeeze %dma_wait3A_696 : memref<1x128xi32, #tpu.memory_space<vmem>> -> memref<128xi32, #tpu.memory_space<vmem>>
      %dma_wait3A_698 = arith.constant 0 : i32
      %dma_wait3A_699 = arith.constant 0 : i32
      %dma_wait3A_700 = tpu.memref_slice %arg3[%dma_wait3A_698, %dma_wait3A_699] : memref<30528x16xf32, #tpu.memory_space<hbm>> -> memref<30528x16xf32, #tpu.memory_space<hbm>>
      tpu.wait_indirect_dma semaphore(%arg11 : memref<!tpu.dma_semaphore, #tpu.memory_space<semaphore_mem>>) src(%dma_wait3A_700 : memref<30528x16xf32, #tpu.memory_space<hbm>>) dst(%dma_wait3A_694 : memref<128x16xf32, #tpu.memory_space<vmem>>)
      %dma_wait3A_701 = arith.constant 128 : i32
      %dma_wait3A_702 = arith.constant 0 : i32
      %dma_wait3A_703 = tpu.memref_slice %arg7[%dma_wait3A_701, %dma_wait3A_702] : memref<3200x16xf32, #tpu.memory_space<vmem>> -> memref<128x16xf32, #tpu.memory_space<vmem>>
      %dma_wait3A_704 = arith.constant 0 : i32
      %dma_wait3A_705 = tpu.memref_slice %arg6[%add3A_600, %dma_wait3A_704] : memref<200x128xi32, #tpu.memory_space<vmem>> -> memref<1x128xi32, #tpu.memory_space<vmem>>
      %dma_wait3A_706 = tpu.memref_squeeze %dma_wait3A_705 : memref<1x128xi32, #tpu.memory_space<vmem>> -> memref<128xi32, #tpu.memory_space<vmem>>
      %dma_wait3A_707 = arith.constant 0 : i32
      %dma_wait3A_708 = arith.constant 0 : i32
      %dma_wait3A_709 = tpu.memref_slice %arg3[%dma_wait3A_707, %dma_wait3A_708] : memref<30528x16xf32, #tpu.memory_space<hbm>> -> memref<30528x16xf32, #tpu.memory_space<hbm>>
      tpu.wait_indirect_dma semaphore(%arg11 : memref<!tpu.dma_semaphore, #tpu.memory_space<semaphore_mem>>) src(%dma_wait3A_709 : memref<30528x16xf32, #tpu.memory_space<hbm>>) dst(%dma_wait3A_703 : memref<128x16xf32, #tpu.memory_space<vmem>>)
      %dma_wait3A_710 = arith.constant 256 : i32
      %dma_wait3A_711 = arith.constant 0 : i32
      %dma_wait3A_712 = tpu.memref_slice %arg7[%dma_wait3A_710, %dma_wait3A_711] : memref<3200x16xf32, #tpu.memory_space<vmem>> -> memref<128x16xf32, #tpu.memory_space<vmem>>
      %dma_wait3A_713 = arith.constant 0 : i32
      %dma_wait3A_714 = tpu.memref_slice %arg6[%add3A_604, %dma_wait3A_713] : memref<200x128xi32, #tpu.memory_space<vmem>> -> memref<1x128xi32, #tpu.memory_space<vmem>>
      %dma_wait3A_715 = tpu.memref_squeeze %dma_wait3A_714 : memref<1x128xi32, #tpu.memory_space<vmem>> -> memref<128xi32, #tpu.memory_space<vmem>>
      %dma_wait3A_716 = arith.constant 0 : i32
      %dma_wait3A_717 = arith.constant 0 : i32
      %dma_wait3A_718 = tpu.memref_slice %arg3[%dma_wait3A_716, %dma_wait3A_717] : memref<30528x16xf32, #tpu.memory_space<hbm>> -> memref<30528x16xf32, #tpu.memory_space<hbm>>
      tpu.wait_indirect_dma semaphore(%arg11 : memref<!tpu.dma_semaphore, #tpu.memory_space<semaphore_mem>>) src(%dma_wait3A_718 : memref<30528x16xf32, #tpu.memory_space<hbm>>) dst(%dma_wait3A_712 : memref<128x16xf32, #tpu.memory_space<vmem>>)
      %dma_wait3A_719 = arith.constant 384 : i32
      %dma_wait3A_720 = arith.constant 0 : i32
      %dma_wait3A_721 = tpu.memref_slice %arg7[%dma_wait3A_719, %dma_wait3A_720] : memref<3200x16xf32, #tpu.memory_space<vmem>> -> memref<128x16xf32, #tpu.memory_space<vmem>>
      %dma_wait3A_722 = arith.constant 0 : i32
      %dma_wait3A_723 = tpu.memref_slice %arg6[%add3A_608, %dma_wait3A_722] : memref<200x128xi32, #tpu.memory_space<vmem>> -> memref<1x128xi32, #tpu.memory_space<vmem>>
      %dma_wait3A_724 = tpu.memref_squeeze %dma_wait3A_723 : memref<1x128xi32, #tpu.memory_space<vmem>> -> memref<128xi32, #tpu.memory_space<vmem>>
      %dma_wait3A_725 = arith.constant 0 : i32
      %dma_wait3A_726 = arith.constant 0 : i32
      %dma_wait3A_727 = tpu.memref_slice %arg3[%dma_wait3A_725, %dma_wait3A_726] : memref<30528x16xf32, #tpu.memory_space<hbm>> -> memref<30528x16xf32, #tpu.memory_space<hbm>>
      tpu.wait_indirect_dma semaphore(%arg11 : memref<!tpu.dma_semaphore, #tpu.memory_space<semaphore_mem>>) src(%dma_wait3A_727 : memref<30528x16xf32, #tpu.memory_space<hbm>>) dst(%dma_wait3A_721 : memref<128x16xf32, #tpu.memory_space<vmem>>)
      %dma_wait3A_728 = arith.constant 512 : i32
      %dma_wait3A_729 = arith.constant 0 : i32
      %dma_wait3A_730 = tpu.memref_slice %arg7[%dma_wait3A_728, %dma_wait3A_729] : memref<3200x16xf32, #tpu.memory_space<vmem>> -> memref<128x16xf32, #tpu.memory_space<vmem>>
      %dma_wait3A_731 = arith.constant 0 : i32
      %dma_wait3A_732 = tpu.memref_slice %arg6[%add3A_612, %dma_wait3A_731] : memref<200x128xi32, #tpu.memory_space<vmem>> -> memref<1x128xi32, #tpu.memory_space<vmem>>
      %dma_wait3A_733 = tpu.memref_squeeze %dma_wait3A_732 : memref<1x128xi32, #tpu.memory_space<vmem>> -> memref<128xi32, #tpu.memory_space<vmem>>
      %dma_wait3A_734 = arith.constant 0 : i32
      %dma_wait3A_735 = arith.constant 0 : i32
      %dma_wait3A_736 = tpu.memref_slice %arg3[%dma_wait3A_734, %dma_wait3A_735] : memref<30528x16xf32, #tpu.memory_space<hbm>> -> memref<30528x16xf32, #tpu.memory_space<hbm>>
      tpu.wait_indirect_dma semaphore(%arg11 : memref<!tpu.dma_semaphore, #tpu.memory_space<semaphore_mem>>) src(%dma_wait3A_736 : memref<30528x16xf32, #tpu.memory_space<hbm>>) dst(%dma_wait3A_730 : memref<128x16xf32, #tpu.memory_space<vmem>>)
      %dma_wait3A_737 = arith.constant 640 : i32
      %dma_wait3A_738 = arith.constant 0 : i32
      %dma_wait3A_739 = tpu.memref_slice %arg7[%dma_wait3A_737, %dma_wait3A_738] : memref<3200x16xf32, #tpu.memory_space<vmem>> -> memref<128x16xf32, #tpu.memory_space<vmem>>
      %dma_wait3A_740 = arith.constant 0 : i32
      %dma_wait3A_741 = tpu.memref_slice %arg6[%add3A_616, %dma_wait3A_740] : memref<200x128xi32, #tpu.memory_space<vmem>> -> memref<1x128xi32, #tpu.memory_space<vmem>>
      %dma_wait3A_742 = tpu.memref_squeeze %dma_wait3A_741 : memref<1x128xi32, #tpu.memory_space<vmem>> -> memref<128xi32, #tpu.memory_space<vmem>>
      %dma_wait3A_743 = arith.constant 0 : i32
      %dma_wait3A_744 = arith.constant 0 : i32
      %dma_wait3A_745 = tpu.memref_slice %arg3[%dma_wait3A_743, %dma_wait3A_744] : memref<30528x16xf32, #tpu.memory_space<hbm>> -> memref<30528x16xf32, #tpu.memory_space<hbm>>
      tpu.wait_indirect_dma semaphore(%arg11 : memref<!tpu.dma_semaphore, #tpu.memory_space<semaphore_mem>>) src(%dma_wait3A_745 : memref<30528x16xf32, #tpu.memory_space<hbm>>) dst(%dma_wait3A_739 : memref<128x16xf32, #tpu.memory_space<vmem>>)
      %dma_wait3A_746 = arith.constant 768 : i32
      %dma_wait3A_747 = arith.constant 0 : i32
      %dma_wait3A_748 = tpu.memref_slice %arg7[%dma_wait3A_746, %dma_wait3A_747] : memref<3200x16xf32, #tpu.memory_space<vmem>> -> memref<128x16xf32, #tpu.memory_space<vmem>>
      %dma_wait3A_749 = arith.constant 0 : i32
      %dma_wait3A_750 = tpu.memref_slice %arg6[%add3A_620, %dma_wait3A_749] : memref<200x128xi32, #tpu.memory_space<vmem>> -> memref<1x128xi32, #tpu.memory_space<vmem>>
      %dma_wait3A_751 = tpu.memref_squeeze %dma_wait3A_750 : memref<1x128xi32, #tpu.memory_space<vmem>> -> memref<128xi32, #tpu.memory_space<vmem>>
      %dma_wait3A_752 = arith.constant 0 : i32
      %dma_wait3A_753 = arith.constant 0 : i32
      %dma_wait3A_754 = tpu.memref_slice %arg3[%dma_wait3A_752, %dma_wait3A_753] : memref<30528x16xf32, #tpu.memory_space<hbm>> -> memref<30528x16xf32, #tpu.memory_space<hbm>>
      tpu.wait_indirect_dma semaphore(%arg11 : memref<!tpu.dma_semaphore, #tpu.memory_space<semaphore_mem>>) src(%dma_wait3A_754 : memref<30528x16xf32, #tpu.memory_space<hbm>>) dst(%dma_wait3A_748 : memref<128x16xf32, #tpu.memory_space<vmem>>)
      %dma_wait3A_755 = arith.constant 896 : i32
      %dma_wait3A_756 = arith.constant 0 : i32
      %dma_wait3A_757 = tpu.memref_slice %arg7[%dma_wait3A_755, %dma_wait3A_756] : memref<3200x16xf32, #tpu.memory_space<vmem>> -> memref<128x16xf32, #tpu.memory_space<vmem>>
      %dma_wait3A_758 = arith.constant 0 : i32
      %dma_wait3A_759 = tpu.memref_slice %arg6[%add3A_624, %dma_wait3A_758] : memref<200x128xi32, #tpu.memory_space<vmem>> -> memref<1x128xi32, #tpu.memory_space<vmem>>
      %dma_wait3A_760 = tpu.memref_squeeze %dma_wait3A_759 : memref<1x128xi32, #tpu.memory_space<vmem>> -> memref<128xi32, #tpu.memory_space<vmem>>
      %dma_wait3A_761 = arith.constant 0 : i32
      %dma_wait3A_762 = arith.constant 0 : i32
      %dma_wait3A_763 = tpu.memref_slice %arg3[%dma_wait3A_761, %dma_wait3A_762] : memref<30528x16xf32, #tpu.memory_space<hbm>> -> memref<30528x16xf32, #tpu.memory_space<hbm>>
      tpu.wait_indirect_dma semaphore(%arg11 : memref<!tpu.dma_semaphore, #tpu.memory_space<semaphore_mem>>) src(%dma_wait3A_763 : memref<30528x16xf32, #tpu.memory_space<hbm>>) dst(%dma_wait3A_757 : memref<128x16xf32, #tpu.memory_space<vmem>>)
      %dma_wait3A_764 = arith.constant 1024 : i32
      %dma_wait3A_765 = arith.constant 0 : i32
      %dma_wait3A_766 = tpu.memref_slice %arg7[%dma_wait3A_764, %dma_wait3A_765] : memref<3200x16xf32, #tpu.memory_space<vmem>> -> memref<128x16xf32, #tpu.memory_space<vmem>>
      %dma_wait3A_767 = arith.constant 0 : i32
      %dma_wait3A_768 = tpu.memref_slice %arg6[%add3A_628, %dma_wait3A_767] : memref<200x128xi32, #tpu.memory_space<vmem>> -> memref<1x128xi32, #tpu.memory_space<vmem>>
      %dma_wait3A_769 = tpu.memref_squeeze %dma_wait3A_768 : memref<1x128xi32, #tpu.memory_space<vmem>> -> memref<128xi32, #tpu.memory_space<vmem>>
      %dma_wait3A_770 = arith.constant 0 : i32
      %dma_wait3A_771 = arith.constant 0 : i32
      %dma_wait3A_772 = tpu.memref_slice %arg3[%dma_wait3A_770, %dma_wait3A_771] : memref<30528x16xf32, #tpu.memory_space<hbm>> -> memref<30528x16xf32, #tpu.memory_space<hbm>>
      tpu.wait_indirect_dma semaphore(%arg11 : memref<!tpu.dma_semaphore, #tpu.memory_space<semaphore_mem>>) src(%dma_wait3A_772 : memref<30528x16xf32, #tpu.memory_space<hbm>>) dst(%dma_wait3A_766 : memref<128x16xf32, #tpu.memory_space<vmem>>)
      %dma_wait3A_773 = arith.constant 1152 : i32
      %dma_wait3A_774 = arith.constant 0 : i32
      %dma_wait3A_775 = tpu.memref_slice %arg7[%dma_wait3A_773, %dma_wait3A_774] : memref<3200x16xf32, #tpu.memory_space<vmem>> -> memref<128x16xf32, #tpu.memory_space<vmem>>
      %dma_wait3A_776 = arith.constant 0 : i32
      %dma_wait3A_777 = tpu.memref_slice %arg6[%add3A_632, %dma_wait3A_776] : memref<200x128xi32, #tpu.memory_space<vmem>> -> memref<1x128xi32, #tpu.memory_space<vmem>>
      %dma_wait3A_778 = tpu.memref_squeeze %dma_wait3A_777 : memref<1x128xi32, #tpu.memory_space<vmem>> -> memref<128xi32, #tpu.memory_space<vmem>>
      %dma_wait3A_779 = arith.constant 0 : i32
      %dma_wait3A_780 = arith.constant 0 : i32
      %dma_wait3A_781 = tpu.memref_slice %arg3[%dma_wait3A_779, %dma_wait3A_780] : memref<30528x16xf32, #tpu.memory_space<hbm>> -> memref<30528x16xf32, #tpu.memory_space<hbm>>
      tpu.wait_indirect_dma semaphore(%arg11 : memref<!tpu.dma_semaphore, #tpu.memory_space<semaphore_mem>>) src(%dma_wait3A_781 : memref<30528x16xf32, #tpu.memory_space<hbm>>) dst(%dma_wait3A_775 : memref<128x16xf32, #tpu.memory_space<vmem>>)
      %dma_wait3A_782 = arith.constant 1280 : i32
      %dma_wait3A_783 = arith.constant 0 : i32
      %dma_wait3A_784 = tpu.memref_slice %arg7[%dma_wait3A_782, %dma_wait3A_783] : memref<3200x16xf32, #tpu.memory_space<vmem>> -> memref<128x16xf32, #tpu.memory_space<vmem>>
      %dma_wait3A_785 = arith.constant 0 : i32
      %dma_wait3A_786 = tpu.memref_slice %arg6[%add3A_636, %dma_wait3A_785] : memref<200x128xi32, #tpu.memory_space<vmem>> -> memref<1x128xi32, #tpu.memory_space<vmem>>
      %dma_wait3A_787 = tpu.memref_squeeze %dma_wait3A_786 : memref<1x128xi32, #tpu.memory_space<vmem>> -> memref<128xi32, #tpu.memory_space<vmem>>
      %dma_wait3A_788 = arith.constant 0 : i32
      %dma_wait3A_789 = arith.constant 0 : i32
      %dma_wait3A_790 = tpu.memref_slice %arg3[%dma_wait3A_788, %dma_wait3A_789] : memref<30528x16xf32, #tpu.memory_space<hbm>> -> memref<30528x16xf32, #tpu.memory_space<hbm>>
      tpu.wait_indirect_dma semaphore(%arg11 : memref<!tpu.dma_semaphore, #tpu.memory_space<semaphore_mem>>) src(%dma_wait3A_790 : memref<30528x16xf32, #tpu.memory_space<hbm>>) dst(%dma_wait3A_784 : memref<128x16xf32, #tpu.memory_space<vmem>>)
      %dma_wait3A_791 = arith.constant 1408 : i32
      %dma_wait3A_792 = arith.constant 0 : i32
      %dma_wait3A_793 = tpu.memref_slice %arg7[%dma_wait3A_791, %dma_wait3A_792] : memref<3200x16xf32, #tpu.memory_space<vmem>> -> memref<128x16xf32, #tpu.memory_space<vmem>>
      %dma_wait3A_794 = arith.constant 0 : i32
      %dma_wait3A_795 = tpu.memref_slice %arg6[%add3A_640, %dma_wait3A_794] : memref<200x128xi32, #tpu.memory_space<vmem>> -> memref<1x128xi32, #tpu.memory_space<vmem>>
      %dma_wait3A_796 = tpu.memref_squeeze %dma_wait3A_795 : memref<1x128xi32, #tpu.memory_space<vmem>> -> memref<128xi32, #tpu.memory_space<vmem>>
      %dma_wait3A_797 = arith.constant 0 : i32
      %dma_wait3A_798 = arith.constant 0 : i32
      %dma_wait3A_799 = tpu.memref_slice %arg3[%dma_wait3A_797, %dma_wait3A_798] : memref<30528x16xf32, #tpu.memory_space<hbm>> -> memref<30528x16xf32, #tpu.memory_space<hbm>>
      tpu.wait_indirect_dma semaphore(%arg11 : memref<!tpu.dma_semaphore, #tpu.memory_space<semaphore_mem>>) src(%dma_wait3A_799 : memref<30528x16xf32, #tpu.memory_space<hbm>>) dst(%dma_wait3A_793 : memref<128x16xf32, #tpu.memory_space<vmem>>)
      %dma_wait3A_800 = arith.constant 1536 : i32
      %dma_wait3A_801 = arith.constant 0 : i32
      %dma_wait3A_802 = tpu.memref_slice %arg7[%dma_wait3A_800, %dma_wait3A_801] : memref<3200x16xf32, #tpu.memory_space<vmem>> -> memref<128x16xf32, #tpu.memory_space<vmem>>
      %dma_wait3A_803 = arith.constant 0 : i32
      %dma_wait3A_804 = tpu.memref_slice %arg6[%add3A_644, %dma_wait3A_803] : memref<200x128xi32, #tpu.memory_space<vmem>> -> memref<1x128xi32, #tpu.memory_space<vmem>>
      %dma_wait3A_805 = tpu.memref_squeeze %dma_wait3A_804 : memref<1x128xi32, #tpu.memory_space<vmem>> -> memref<128xi32, #tpu.memory_space<vmem>>
      %dma_wait3A_806 = arith.constant 0 : i32
      %dma_wait3A_807 = arith.constant 0 : i32
      %dma_wait3A_808 = tpu.memref_slice %arg3[%dma_wait3A_806, %dma_wait3A_807] : memref<30528x16xf32, #tpu.memory_space<hbm>> -> memref<30528x16xf32, #tpu.memory_space<hbm>>
      tpu.wait_indirect_dma semaphore(%arg11 : memref<!tpu.dma_semaphore, #tpu.memory_space<semaphore_mem>>) src(%dma_wait3A_808 : memref<30528x16xf32, #tpu.memory_space<hbm>>) dst(%dma_wait3A_802 : memref<128x16xf32, #tpu.memory_space<vmem>>)
      %dma_wait3A_809 = arith.constant 1664 : i32
      %dma_wait3A_810 = arith.constant 0 : i32
      %dma_wait3A_811 = tpu.memref_slice %arg7[%dma_wait3A_809, %dma_wait3A_810] : memref<3200x16xf32, #tpu.memory_space<vmem>> -> memref<128x16xf32, #tpu.memory_space<vmem>>
      %dma_wait3A_812 = arith.constant 0 : i32
      %dma_wait3A_813 = tpu.memref_slice %arg6[%add3A_648, %dma_wait3A_812] : memref<200x128xi32, #tpu.memory_space<vmem>> -> memref<1x128xi32, #tpu.memory_space<vmem>>
      %dma_wait3A_814 = tpu.memref_squeeze %dma_wait3A_813 : memref<1x128xi32, #tpu.memory_space<vmem>> -> memref<128xi32, #tpu.memory_space<vmem>>
      %dma_wait3A_815 = arith.constant 0 : i32
      %dma_wait3A_816 = arith.constant 0 : i32
      %dma_wait3A_817 = tpu.memref_slice %arg3[%dma_wait3A_815, %dma_wait3A_816] : memref<30528x16xf32, #tpu.memory_space<hbm>> -> memref<30528x16xf32, #tpu.memory_space<hbm>>
      tpu.wait_indirect_dma semaphore(%arg11 : memref<!tpu.dma_semaphore, #tpu.memory_space<semaphore_mem>>) src(%dma_wait3A_817 : memref<30528x16xf32, #tpu.memory_space<hbm>>) dst(%dma_wait3A_811 : memref<128x16xf32, #tpu.memory_space<vmem>>)
      %dma_wait3A_818 = arith.constant 1792 : i32
      %dma_wait3A_819 = arith.constant 0 : i32
      %dma_wait3A_820 = tpu.memref_slice %arg7[%dma_wait3A_818, %dma_wait3A_819] : memref<3200x16xf32, #tpu.memory_space<vmem>> -> memref<128x16xf32, #tpu.memory_space<vmem>>
      %dma_wait3A_821 = arith.constant 0 : i32
      %dma_wait3A_822 = tpu.memref_slice %arg6[%add3A_652, %dma_wait3A_821] : memref<200x128xi32, #tpu.memory_space<vmem>> -> memref<1x128xi32, #tpu.memory_space<vmem>>
      %dma_wait3A_823 = tpu.memref_squeeze %dma_wait3A_822 : memref<1x128xi32, #tpu.memory_space<vmem>> -> memref<128xi32, #tpu.memory_space<vmem>>
      %dma_wait3A_824 = arith.constant 0 : i32
      %dma_wait3A_825 = arith.constant 0 : i32
      %dma_wait3A_826 = tpu.memref_slice %arg3[%dma_wait3A_824, %dma_wait3A_825] : memref<30528x16xf32, #tpu.memory_space<hbm>> -> memref<30528x16xf32, #tpu.memory_space<hbm>>
      tpu.wait_indirect_dma semaphore(%arg11 : memref<!tpu.dma_semaphore, #tpu.memory_space<semaphore_mem>>) src(%dma_wait3A_826 : memref<30528x16xf32, #tpu.memory_space<hbm>>) dst(%dma_wait3A_820 : memref<128x16xf32, #tpu.memory_space<vmem>>)
      %dma_wait3A_827 = arith.constant 1920 : i32
      %dma_wait3A_828 = arith.constant 0 : i32
      %dma_wait3A_829 = tpu.memref_slice %arg7[%dma_wait3A_827, %dma_wait3A_828] : memref<3200x16xf32, #tpu.memory_space<vmem>> -> memref<128x16xf32, #tpu.memory_space<vmem>>
      %dma_wait3A_830 = arith.constant 0 : i32
      %dma_wait3A_831 = tpu.memref_slice %arg6[%add3A_656, %dma_wait3A_830] : memref<200x128xi32, #tpu.memory_space<vmem>> -> memref<1x128xi32, #tpu.memory_space<vmem>>
      %dma_wait3A_832 = tpu.memref_squeeze %dma_wait3A_831 : memref<1x128xi32, #tpu.memory_space<vmem>> -> memref<128xi32, #tpu.memory_space<vmem>>
      %dma_wait3A_833 = arith.constant 0 : i32
      %dma_wait3A_834 = arith.constant 0 : i32
      %dma_wait3A_835 = tpu.memref_slice %arg3[%dma_wait3A_833, %dma_wait3A_834] : memref<30528x16xf32, #tpu.memory_space<hbm>> -> memref<30528x16xf32, #tpu.memory_space<hbm>>
      tpu.wait_indirect_dma semaphore(%arg11 : memref<!tpu.dma_semaphore, #tpu.memory_space<semaphore_mem>>) src(%dma_wait3A_835 : memref<30528x16xf32, #tpu.memory_space<hbm>>) dst(%dma_wait3A_829 : memref<128x16xf32, #tpu.memory_space<vmem>>)
      %dma_wait3A_836 = arith.constant 2048 : i32
      %dma_wait3A_837 = arith.constant 0 : i32
      %dma_wait3A_838 = tpu.memref_slice %arg7[%dma_wait3A_836, %dma_wait3A_837] : memref<3200x16xf32, #tpu.memory_space<vmem>> -> memref<128x16xf32, #tpu.memory_space<vmem>>
      %dma_wait3A_839 = arith.constant 0 : i32
      %dma_wait3A_840 = tpu.memref_slice %arg6[%add3A_660, %dma_wait3A_839] : memref<200x128xi32, #tpu.memory_space<vmem>> -> memref<1x128xi32, #tpu.memory_space<vmem>>
      %dma_wait3A_841 = tpu.memref_squeeze %dma_wait3A_840 : memref<1x128xi32, #tpu.memory_space<vmem>> -> memref<128xi32, #tpu.memory_space<vmem>>
      %dma_wait3A_842 = arith.constant 0 : i32
      %dma_wait3A_843 = arith.constant 0 : i32
      %dma_wait3A_844 = tpu.memref_slice %arg3[%dma_wait3A_842, %dma_wait3A_843] : memref<30528x16xf32, #tpu.memory_space<hbm>> -> memref<30528x16xf32, #tpu.memory_space<hbm>>
      tpu.wait_indirect_dma semaphore(%arg11 : memref<!tpu.dma_semaphore, #tpu.memory_space<semaphore_mem>>) src(%dma_wait3A_844 : memref<30528x16xf32, #tpu.memory_space<hbm>>) dst(%dma_wait3A_838 : memref<128x16xf32, #tpu.memory_space<vmem>>)
      %dma_wait3A_845 = arith.constant 2176 : i32
      %dma_wait3A_846 = arith.constant 0 : i32
      %dma_wait3A_847 = tpu.memref_slice %arg7[%dma_wait3A_845, %dma_wait3A_846] : memref<3200x16xf32, #tpu.memory_space<vmem>> -> memref<128x16xf32, #tpu.memory_space<vmem>>
      %dma_wait3A_848 = arith.constant 0 : i32
      %dma_wait3A_849 = tpu.memref_slice %arg6[%add3A_664, %dma_wait3A_848] : memref<200x128xi32, #tpu.memory_space<vmem>> -> memref<1x128xi32, #tpu.memory_space<vmem>>
      %dma_wait3A_850 = tpu.memref_squeeze %dma_wait3A_849 : memref<1x128xi32, #tpu.memory_space<vmem>> -> memref<128xi32, #tpu.memory_space<vmem>>
      %dma_wait3A_851 = arith.constant 0 : i32
      %dma_wait3A_852 = arith.constant 0 : i32
      %dma_wait3A_853 = tpu.memref_slice %arg3[%dma_wait3A_851, %dma_wait3A_852] : memref<30528x16xf32, #tpu.memory_space<hbm>> -> memref<30528x16xf32, #tpu.memory_space<hbm>>
      tpu.wait_indirect_dma semaphore(%arg11 : memref<!tpu.dma_semaphore, #tpu.memory_space<semaphore_mem>>) src(%dma_wait3A_853 : memref<30528x16xf32, #tpu.memory_space<hbm>>) dst(%dma_wait3A_847 : memref<128x16xf32, #tpu.memory_space<vmem>>)
      %dma_wait3A_854 = arith.constant 2304 : i32
      %dma_wait3A_855 = arith.constant 0 : i32
      %dma_wait3A_856 = tpu.memref_slice %arg7[%dma_wait3A_854, %dma_wait3A_855] : memref<3200x16xf32, #tpu.memory_space<vmem>> -> memref<128x16xf32, #tpu.memory_space<vmem>>
      %dma_wait3A_857 = arith.constant 0 : i32
      %dma_wait3A_858 = tpu.memref_slice %arg6[%add3A_668, %dma_wait3A_857] : memref<200x128xi32, #tpu.memory_space<vmem>> -> memref<1x128xi32, #tpu.memory_space<vmem>>
      %dma_wait3A_859 = tpu.memref_squeeze %dma_wait3A_858 : memref<1x128xi32, #tpu.memory_space<vmem>> -> memref<128xi32, #tpu.memory_space<vmem>>
      %dma_wait3A_860 = arith.constant 0 : i32
      %dma_wait3A_861 = arith.constant 0 : i32
      %dma_wait3A_862 = tpu.memref_slice %arg3[%dma_wait3A_860, %dma_wait3A_861] : memref<30528x16xf32, #tpu.memory_space<hbm>> -> memref<30528x16xf32, #tpu.memory_space<hbm>>
      tpu.wait_indirect_dma semaphore(%arg11 : memref<!tpu.dma_semaphore, #tpu.memory_space<semaphore_mem>>) src(%dma_wait3A_862 : memref<30528x16xf32, #tpu.memory_space<hbm>>) dst(%dma_wait3A_856 : memref<128x16xf32, #tpu.memory_space<vmem>>)
      %dma_wait3A_863 = arith.constant 2432 : i32
      %dma_wait3A_864 = arith.constant 0 : i32
      %dma_wait3A_865 = tpu.memref_slice %arg7[%dma_wait3A_863, %dma_wait3A_864] : memref<3200x16xf32, #tpu.memory_space<vmem>> -> memref<128x16xf32, #tpu.memory_space<vmem>>
      %dma_wait3A_866 = arith.constant 0 : i32
      %dma_wait3A_867 = tpu.memref_slice %arg6[%add3A_672, %dma_wait3A_866] : memref<200x128xi32, #tpu.memory_space<vmem>> -> memref<1x128xi32, #tpu.memory_space<vmem>>
      %dma_wait3A_868 = tpu.memref_squeeze %dma_wait3A_867 : memref<1x128xi32, #tpu.memory_space<vmem>> -> memref<128xi32, #tpu.memory_space<vmem>>
      %dma_wait3A_869 = arith.constant 0 : i32
      %dma_wait3A_870 = arith.constant 0 : i32
      %dma_wait3A_871 = tpu.memref_slice %arg3[%dma_wait3A_869, %dma_wait3A_870] : memref<30528x16xf32, #tpu.memory_space<hbm>> -> memref<30528x16xf32, #tpu.memory_space<hbm>>
      tpu.wait_indirect_dma semaphore(%arg11 : memref<!tpu.dma_semaphore, #tpu.memory_space<semaphore_mem>>) src(%dma_wait3A_871 : memref<30528x16xf32, #tpu.memory_space<hbm>>) dst(%dma_wait3A_865 : memref<128x16xf32, #tpu.memory_space<vmem>>)
      %dma_wait3A_872 = arith.constant 2560 : i32
      %dma_wait3A_873 = arith.constant 0 : i32
      %dma_wait3A_874 = tpu.memref_slice %arg7[%dma_wait3A_872, %dma_wait3A_873] : memref<3200x16xf32, #tpu.memory_space<vmem>> -> memref<128x16xf32, #tpu.memory_space<vmem>>
      %dma_wait3A_875 = arith.constant 0 : i32
      %dma_wait3A_876 = tpu.memref_slice %arg6[%add3A_676, %dma_wait3A_875] : memref<200x128xi32, #tpu.memory_space<vmem>> -> memref<1x128xi32, #tpu.memory_space<vmem>>
      %dma_wait3A_877 = tpu.memref_squeeze %dma_wait3A_876 : memref<1x128xi32, #tpu.memory_space<vmem>> -> memref<128xi32, #tpu.memory_space<vmem>>
      %dma_wait3A_878 = arith.constant 0 : i32
      %dma_wait3A_879 = arith.constant 0 : i32
      %dma_wait3A_880 = tpu.memref_slice %arg3[%dma_wait3A_878, %dma_wait3A_879] : memref<30528x16xf32, #tpu.memory_space<hbm>> -> memref<30528x16xf32, #tpu.memory_space<hbm>>
      tpu.wait_indirect_dma semaphore(%arg11 : memref<!tpu.dma_semaphore, #tpu.memory_space<semaphore_mem>>) src(%dma_wait3A_880 : memref<30528x16xf32, #tpu.memory_space<hbm>>) dst(%dma_wait3A_874 : memref<128x16xf32, #tpu.memory_space<vmem>>)
      %dma_wait3A_881 = arith.constant 2688 : i32
      %dma_wait3A_882 = arith.constant 0 : i32
      %dma_wait3A_883 = tpu.memref_slice %arg7[%dma_wait3A_881, %dma_wait3A_882] : memref<3200x16xf32, #tpu.memory_space<vmem>> -> memref<128x16xf32, #tpu.memory_space<vmem>>
      %dma_wait3A_884 = arith.constant 0 : i32
      %dma_wait3A_885 = tpu.memref_slice %arg6[%add3A_680, %dma_wait3A_884] : memref<200x128xi32, #tpu.memory_space<vmem>> -> memref<1x128xi32, #tpu.memory_space<vmem>>
      %dma_wait3A_886 = tpu.memref_squeeze %dma_wait3A_885 : memref<1x128xi32, #tpu.memory_space<vmem>> -> memref<128xi32, #tpu.memory_space<vmem>>
      %dma_wait3A_887 = arith.constant 0 : i32
      %dma_wait3A_888 = arith.constant 0 : i32
      %dma_wait3A_889 = tpu.memref_slice %arg3[%dma_wait3A_887, %dma_wait3A_888] : memref<30528x16xf32, #tpu.memory_space<hbm>> -> memref<30528x16xf32, #tpu.memory_space<hbm>>
      tpu.wait_indirect_dma semaphore(%arg11 : memref<!tpu.dma_semaphore, #tpu.memory_space<semaphore_mem>>) src(%dma_wait3A_889 : memref<30528x16xf32, #tpu.memory_space<hbm>>) dst(%dma_wait3A_883 : memref<128x16xf32, #tpu.memory_space<vmem>>)
      %dma_wait3A_890 = arith.constant 2816 : i32
      %dma_wait3A_891 = arith.constant 0 : i32
      %dma_wait3A_892 = tpu.memref_slice %arg7[%dma_wait3A_890, %dma_wait3A_891] : memref<3200x16xf32, #tpu.memory_space<vmem>> -> memref<128x16xf32, #tpu.memory_space<vmem>>
      %dma_wait3A_893 = arith.constant 0 : i32
      %dma_wait3A_894 = tpu.memref_slice %arg6[%add3A_684, %dma_wait3A_893] : memref<200x128xi32, #tpu.memory_space<vmem>> -> memref<1x128xi32, #tpu.memory_space<vmem>>
      %dma_wait3A_895 = tpu.memref_squeeze %dma_wait3A_894 : memref<1x128xi32, #tpu.memory_space<vmem>> -> memref<128xi32, #tpu.memory_space<vmem>>
      %dma_wait3A_896 = arith.constant 0 : i32
      %dma_wait3A_897 = arith.constant 0 : i32
      %dma_wait3A_898 = tpu.memref_slice %arg3[%dma_wait3A_896, %dma_wait3A_897] : memref<30528x16xf32, #tpu.memory_space<hbm>> -> memref<30528x16xf32, #tpu.memory_space<hbm>>
      tpu.wait_indirect_dma semaphore(%arg11 : memref<!tpu.dma_semaphore, #tpu.memory_space<semaphore_mem>>) src(%dma_wait3A_898 : memref<30528x16xf32, #tpu.memory_space<hbm>>) dst(%dma_wait3A_892 : memref<128x16xf32, #tpu.memory_space<vmem>>)
      %dma_wait3A_899 = arith.constant 2944 : i32
      %dma_wait3A_900 = arith.constant 0 : i32
      %dma_wait3A_901 = tpu.memref_slice %arg7[%dma_wait3A_899, %dma_wait3A_900] : memref<3200x16xf32, #tpu.memory_space<vmem>> -> memref<128x16xf32, #tpu.memory_space<vmem>>
      %dma_wait3A_902 = arith.constant 0 : i32
      %dma_wait3A_903 = tpu.memref_slice %arg6[%add3A_688, %dma_wait3A_902] : memref<200x128xi32, #tpu.memory_space<vmem>> -> memref<1x128xi32, #tpu.memory_space<vmem>>
      %dma_wait3A_904 = tpu.memref_squeeze %dma_wait3A_903 : memref<1x128xi32, #tpu.memory_space<vmem>> -> memref<128xi32, #tpu.memory_space<vmem>>
      %dma_wait3A_905 = arith.constant 0 : i32
      %dma_wait3A_906 = arith.constant 0 : i32
      %dma_wait3A_907 = tpu.memref_slice %arg3[%dma_wait3A_905, %dma_wait3A_906] : memref<30528x16xf32, #tpu.memory_space<hbm>> -> memref<30528x16xf32, #tpu.memory_space<hbm>>
      tpu.wait_indirect_dma semaphore(%arg11 : memref<!tpu.dma_semaphore, #tpu.memory_space<semaphore_mem>>) src(%dma_wait3A_907 : memref<30528x16xf32, #tpu.memory_space<hbm>>) dst(%dma_wait3A_901 : memref<128x16xf32, #tpu.memory_space<vmem>>)
      %dma_wait3A_908 = arith.constant 3072 : i32
      %dma_wait3A_909 = arith.constant 0 : i32
      %dma_wait3A_910 = tpu.memref_slice %arg7[%dma_wait3A_908, %dma_wait3A_909] : memref<3200x16xf32, #tpu.memory_space<vmem>> -> memref<128x16xf32, #tpu.memory_space<vmem>>
      %dma_wait3A_911 = arith.constant 0 : i32
      %dma_wait3A_912 = tpu.memref_slice %arg6[%add3A_692, %dma_wait3A_911] : memref<200x128xi32, #tpu.memory_space<vmem>> -> memref<1x128xi32, #tpu.memory_space<vmem>>
      %dma_wait3A_913 = tpu.memref_squeeze %dma_wait3A_912 : memref<1x128xi32, #tpu.memory_space<vmem>> -> memref<128xi32, #tpu.memory_space<vmem>>
      %dma_wait3A_914 = arith.constant 0 : i32
      %dma_wait3A_915 = arith.constant 0 : i32
      %dma_wait3A_916 = tpu.memref_slice %arg3[%dma_wait3A_914, %dma_wait3A_915] : memref<30528x16xf32, #tpu.memory_space<hbm>> -> memref<30528x16xf32, #tpu.memory_space<hbm>>
      tpu.wait_indirect_dma semaphore(%arg11 : memref<!tpu.dma_semaphore, #tpu.memory_space<semaphore_mem>>) src(%dma_wait3A_916 : memref<30528x16xf32, #tpu.memory_space<hbm>>) dst(%dma_wait3A_910 : memref<128x16xf32, #tpu.memory_space<vmem>>)
      %scan3A_917 = arith.constant 0 : i32
      %scan3A_918 = arith.constant 0 : i32
      %scan3A_919 = arith.constant 64 : i32
      %scan3A_920 = arith.addi %scan3A_918, %scan3A_919 : i32
      %scan3A_921 = arith.constant 1 : i32
      scf.for %scan3A_1258 = %scan3A_918 to %scan3A_920 step %scan3A_921  : i32 {
        %mul3A_1259 = arith.constant 2 : i32
        %mul3A_1260 = arith.muli %mul3A_1259, %scan3A_1258 : i32
        %add3A_1261 = arith.constant 0 : i32
        %add3A_1262 = arith.addi %mul3A_1260, %add3A_1261 : i32
        %add3A_1263 = arith.constant 0 : i32
        %add3A_1264 = arith.addi %add3A_1263, %add3A_1262 : i32
        %get3A = arith.index_cast %add3A_1264 : i32 to index
        %get3A_1265 = arith.constant 0 : index
        %get3A_1266 = tpu.vector_load %arg7[%get3A, %get3A_1265] {strides = array<i32>} : memref<3200x16xf32, #tpu.memory_space<vmem>>, vector<1x16xf32>,
        %get3A_1267 = vector.shape_cast %get3A_1266 : vector<1x16xf32> to vector<16xf32>
        %add3A_1268 = arith.constant 128 : i32
        %add3A_1269 = arith.addi %add3A_1268, %add3A_1262 : i32
        %get3A_1270 = arith.index_cast %add3A_1269 : i32 to index
        %get3A_1271 = arith.constant 0 : index
        %get3A_1272 = tpu.vector_load %arg7[%get3A_1270, %get3A_1271] {strides = array<i32>} : memref<3200x16xf32, #tpu.memory_space<vmem>>, vector<1x16xf32>,
        %get3A_1273 = vector.shape_cast %get3A_1272 : vector<1x16xf32> to vector<16xf32>
        %add3A_1274 = arith.constant 256 : i32
        %add3A_1275 = arith.addi %add3A_1274, %add3A_1262 : i32
        %get3A_1276 = arith.index_cast %add3A_1275 : i32 to index
        %get3A_1277 = arith.constant 0 : index
        %get3A_1278 = tpu.vector_load %arg7[%get3A_1276, %get3A_1277] {strides = array<i32>} : memref<3200x16xf32, #tpu.memory_space<vmem>>, vector<1x16xf32>,
        %get3A_1279 = vector.shape_cast %get3A_1278 : vector<1x16xf32> to vector<16xf32>
        %add3A_1280 = arith.constant 384 : i32
        %add3A_1281 = arith.addi %add3A_1280, %add3A_1262 : i32
        %get3A_1282 = arith.index_cast %add3A_1281 : i32 to index
        %get3A_1283 = arith.constant 0 : index
        %get3A_1284 = tpu.vector_load %arg7[%get3A_1282, %get3A_1283] {strides = array<i32>} : memref<3200x16xf32, #tpu.memory_space<vmem>>, vector<1x16xf32>,
        %get3A_1285 = vector.shape_cast %get3A_1284 : vector<1x16xf32> to vector<16xf32>
        %add3A_1286 = arith.constant 512 : i32
        %add3A_1287 = arith.addi %add3A_1286, %add3A_1262 : i32
        %get3A_1288 = arith.index_cast %add3A_1287 : i32 to index
        %get3A_1289 = arith.constant 0 : index
        %get3A_1290 = tpu.vector_load %arg7[%get3A_1288, %get3A_1289] {strides = array<i32>} : memref<3200x16xf32, #tpu.memory_space<vmem>>, vector<1x16xf32>,
        %get3A_1291 = vector.shape_cast %get3A_1290 : vector<1x16xf32> to vector<16xf32>
        %add3A_1292 = arith.constant 640 : i32
        %add3A_1293 = arith.addi %add3A_1292, %add3A_1262 : i32
        %get3A_1294 = arith.index_cast %add3A_1293 : i32 to index
        %get3A_1295 = arith.constant 0 : index
        %get3A_1296 = tpu.vector_load %arg7[%get3A_1294, %get3A_1295] {strides = array<i32>} : memref<3200x16xf32, #tpu.memory_space<vmem>>, vector<1x16xf32>,
        %get3A_1297 = vector.shape_cast %get3A_1296 : vector<1x16xf32> to vector<16xf32>
        %add3A_1298 = arith.addf %get3A_1267, %get3A_1297 : vector<16xf32>
        %add3A_1299 = arith.constant 768 : i32
        %add3A_1300 = arith.addi %add3A_1299, %add3A_1262 : i32
        %get3A_1301 = arith.index_cast %add3A_1300 : i32 to index
        %get3A_1302 = arith.constant 0 : index
        %get3A_1303 = tpu.vector_load %arg7[%get3A_1301, %get3A_1302] {strides = array<i32>} : memref<3200x16xf32, #tpu.memory_space<vmem>>, vector<1x16xf32>,
        %get3A_1304 = vector.shape_cast %get3A_1303 : vector<1x16xf32> to vector<16xf32>
        %add3A_1305 = arith.addf %get3A_1273, %get3A_1304 : vector<16xf32>
        %add3A_1306 = arith.constant 896 : i32
        %add3A_1307 = arith.addi %add3A_1306, %add3A_1262 : i32
        %get3A_1308 = arith.index_cast %add3A_1307 : i32 to index
        %get3A_1309 = arith.constant 0 : index
        %get3A_1310 = tpu.vector_load %arg7[%get3A_1308, %get3A_1309] {strides = array<i32>} : memref<3200x16xf32, #tpu.memory_space<vmem>>, vector<1x16xf32>,
        %get3A_1311 = vector.shape_cast %get3A_1310 : vector<1x16xf32> to vector<16xf32>
        %add3A_1312 = arith.addf %get3A_1279, %get3A_1311 : vector<16xf32>
        %add3A_1313 = arith.constant 1024 : i32
        %add3A_1314 = arith.addi %add3A_1313, %add3A_1262 : i32
        %get3A_1315 = arith.index_cast %add3A_1314 : i32 to index
        %get3A_1316 = arith.constant 0 : index
        %get3A_1317 = tpu.vector_load %arg7[%get3A_1315, %get3A_1316] {strides = array<i32>} : memref<3200x16xf32, #tpu.memory_space<vmem>>, vector<1x16xf32>,
        %get3A_1318 = vector.shape_cast %get3A_1317 : vector<1x16xf32> to vector<16xf32>
        %add3A_1319 = arith.addf %get3A_1285, %get3A_1318 : vector<16xf32>
        %add3A_1320 = arith.constant 1152 : i32
        %add3A_1321 = arith.addi %add3A_1320, %add3A_1262 : i32
        %get3A_1322 = arith.index_cast %add3A_1321 : i32 to index
        %get3A_1323 = arith.constant 0 : index
        %get3A_1324 = tpu.vector_load %arg7[%get3A_1322, %get3A_1323] {strides = array<i32>} : memref<3200x16xf32, #tpu.memory_space<vmem>>, vector<1x16xf32>,
        %get3A_1325 = vector.shape_cast %get3A_1324 : vector<1x16xf32> to vector<16xf32>
        %add3A_1326 = arith.addf %get3A_1291, %get3A_1325 : vector<16xf32>
        %add3A_1327 = arith.constant 1280 : i32
        %add3A_1328 = arith.addi %add3A_1327, %add3A_1262 : i32
        %get3A_1329 = arith.index_cast %add3A_1328 : i32 to index
        %get3A_1330 = arith.constant 0 : index
        %get3A_1331 = tpu.vector_load %arg7[%get3A_1329, %get3A_1330] {strides = array<i32>} : memref<3200x16xf32, #tpu.memory_space<vmem>>, vector<1x16xf32>,
        %get3A_1332 = vector.shape_cast %get3A_1331 : vector<1x16xf32> to vector<16xf32>
        %add3A_1333 = arith.addf %add3A_1298, %get3A_1332 : vector<16xf32>
        %add3A_1334 = arith.constant 1408 : i32
        %add3A_1335 = arith.addi %add3A_1334, %add3A_1262 : i32
        %get3A_1336 = arith.index_cast %add3A_1335 : i32 to index
        %get3A_1337 = arith.constant 0 : index
        %get3A_1338 = tpu.vector_load %arg7[%get3A_1336, %get3A_1337] {strides = array<i32>} : memref<3200x16xf32, #tpu.memory_space<vmem>>, vector<1x16xf32>,
        %get3A_1339 = vector.shape_cast %get3A_1338 : vector<1x16xf32> to vector<16xf32>
        %add3A_1340 = arith.addf %add3A_1305, %get3A_1339 : vector<16xf32>
        %add3A_1341 = arith.constant 1536 : i32
        %add3A_1342 = arith.addi %add3A_1341, %add3A_1262 : i32
        %get3A_1343 = arith.index_cast %add3A_1342 : i32 to index
        %get3A_1344 = arith.constant 0 : index
        %get3A_1345 = tpu.vector_load %arg7[%get3A_1343, %get3A_1344] {strides = array<i32>} : memref<3200x16xf32, #tpu.memory_space<vmem>>, vector<1x16xf32>,
        %get3A_1346 = vector.shape_cast %get3A_1345 : vector<1x16xf32> to vector<16xf32>
        %add3A_1347 = arith.addf %add3A_1312, %get3A_1346 : vector<16xf32>
        %add3A_1348 = arith.constant 1664 : i32
        %add3A_1349 = arith.addi %add3A_1348, %add3A_1262 : i32
        %get3A_1350 = arith.index_cast %add3A_1349 : i32 to index
        %get3A_1351 = arith.constant 0 : index
        %get3A_1352 = tpu.vector_load %arg7[%get3A_1350, %get3A_1351] {strides = array<i32>} : memref<3200x16xf32, #tpu.memory_space<vmem>>, vector<1x16xf32>,
        %get3A_1353 = vector.shape_cast %get3A_1352 : vector<1x16xf32> to vector<16xf32>
        %add3A_1354 = arith.addf %add3A_1319, %get3A_1353 : vector<16xf32>
        %add3A_1355 = arith.constant 1792 : i32
        %add3A_1356 = arith.addi %add3A_1355, %add3A_1262 : i32
        %get3A_1357 = arith.index_cast %add3A_1356 : i32 to index
        %get3A_1358 = arith.constant 0 : index
        %get3A_1359 = tpu.vector_load %arg7[%get3A_1357, %get3A_1358] {strides = array<i32>} : memref<3200x16xf32, #tpu.memory_space<vmem>>, vector<1x16xf32>,
        %get3A_1360 = vector.shape_cast %get3A_1359 : vector<1x16xf32> to vector<16xf32>
        %add3A_1361 = arith.addf %add3A_1326, %get3A_1360 : vector<16xf32>
        %add3A_1362 = arith.constant 1920 : i32
        %add3A_1363 = arith.addi %add3A_1362, %add3A_1262 : i32
        %get3A_1364 = arith.index_cast %add3A_1363 : i32 to index
        %get3A_1365 = arith.constant 0 : index
        %get3A_1366 = tpu.vector_load %arg7[%get3A_1364, %get3A_1365] {strides = array<i32>} : memref<3200x16xf32, #tpu.memory_space<vmem>>, vector<1x16xf32>,
        %get3A_1367 = vector.shape_cast %get3A_1366 : vector<1x16xf32> to vector<16xf32>
        %add3A_1368 = arith.addf %add3A_1333, %get3A_1367 : vector<16xf32>
        %add3A_1369 = arith.constant 2048 : i32
        %add3A_1370 = arith.addi %add3A_1369, %add3A_1262 : i32
        %get3A_1371 = arith.index_cast %add3A_1370 : i32 to index
        %get3A_1372 = arith.constant 0 : index
        %get3A_1373 = tpu.vector_load %arg7[%get3A_1371, %get3A_1372] {strides = array<i32>} : memref<3200x16xf32, #tpu.memory_space<vmem>>, vector<1x16xf32>,
        %get3A_1374 = vector.shape_cast %get3A_1373 : vector<1x16xf32> to vector<16xf32>
        %add3A_1375 = arith.addf %add3A_1340, %get3A_1374 : vector<16xf32>
        %add3A_1376 = arith.constant 2176 : i32
        %add3A_1377 = arith.addi %add3A_1376, %add3A_1262 : i32
        %get3A_1378 = arith.index_cast %add3A_1377 : i32 to index
        %get3A_1379 = arith.constant 0 : index
        %get3A_1380 = tpu.vector_load %arg7[%get3A_1378, %get3A_1379] {strides = array<i32>} : memref<3200x16xf32, #tpu.memory_space<vmem>>, vector<1x16xf32>,
        %get3A_1381 = vector.shape_cast %get3A_1380 : vector<1x16xf32> to vector<16xf32>
        %add3A_1382 = arith.addf %add3A_1347, %get3A_1381 : vector<16xf32>
        %add3A_1383 = arith.constant 2304 : i32
        %add3A_1384 = arith.addi %add3A_1383, %add3A_1262 : i32
        %get3A_1385 = arith.index_cast %add3A_1384 : i32 to index
        %get3A_1386 = arith.constant 0 : index
        %get3A_1387 = tpu.vector_load %arg7[%get3A_1385, %get3A_1386] {strides = array<i32>} : memref<3200x16xf32, #tpu.memory_space<vmem>>, vector<1x16xf32>,
        %get3A_1388 = vector.shape_cast %get3A_1387 : vector<1x16xf32> to vector<16xf32>
        %add3A_1389 = arith.addf %add3A_1354, %get3A_1388 : vector<16xf32>
        %add3A_1390 = arith.constant 2432 : i32
        %add3A_1391 = arith.addi %add3A_1390, %add3A_1262 : i32
        %get3A_1392 = arith.index_cast %add3A_1391 : i32 to index
        %get3A_1393 = arith.constant 0 : index
        %get3A_1394 = tpu.vector_load %arg7[%get3A_1392, %get3A_1393] {strides = array<i32>} : memref<3200x16xf32, #tpu.memory_space<vmem>>, vector<1x16xf32>,
        %get3A_1395 = vector.shape_cast %get3A_1394 : vector<1x16xf32> to vector<16xf32>
        %add3A_1396 = arith.addf %add3A_1361, %get3A_1395 : vector<16xf32>
        %add3A_1397 = arith.constant 2560 : i32
        %add3A_1398 = arith.addi %add3A_1397, %add3A_1262 : i32
        %get3A_1399 = arith.index_cast %add3A_1398 : i32 to index
        %get3A_1400 = arith.constant 0 : index
        %get3A_1401 = tpu.vector_load %arg7[%get3A_1399, %get3A_1400] {strides = array<i32>} : memref<3200x16xf32, #tpu.memory_space<vmem>>, vector<1x16xf32>,
        %get3A_1402 = vector.shape_cast %get3A_1401 : vector<1x16xf32> to vector<16xf32>
        %add3A_1403 = arith.addf %add3A_1368, %get3A_1402 : vector<16xf32>
        %add3A_1404 = arith.constant 2688 : i32
        %add3A_1405 = arith.addi %add3A_1404, %add3A_1262 : i32
        %get3A_1406 = arith.index_cast %add3A_1405 : i32 to index
        %get3A_1407 = arith.constant 0 : index
        %get3A_1408 = tpu.vector_load %arg7[%get3A_1406, %get3A_1407] {strides = array<i32>} : memref<3200x16xf32, #tpu.memory_space<vmem>>, vector<1x16xf32>,
        %get3A_1409 = vector.shape_cast %get3A_1408 : vector<1x16xf32> to vector<16xf32>
        %add3A_1410 = arith.addf %add3A_1375, %get3A_1409 : vector<16xf32>
        %add3A_1411 = arith.constant 2816 : i32
        %add3A_1412 = arith.addi %add3A_1411, %add3A_1262 : i32
        %get3A_1413 = arith.index_cast %add3A_1412 : i32 to index
        %get3A_1414 = arith.constant 0 : index
        %get3A_1415 = tpu.vector_load %arg7[%get3A_1413, %get3A_1414] {strides = array<i32>} : memref<3200x16xf32, #tpu.memory_space<vmem>>, vector<1x16xf32>,
        %get3A_1416 = vector.shape_cast %get3A_1415 : vector<1x16xf32> to vector<16xf32>
        %add3A_1417 = arith.addf %add3A_1382, %get3A_1416 : vector<16xf32>
        %add3A_1418 = arith.constant 2944 : i32
        %add3A_1419 = arith.addi %add3A_1418, %add3A_1262 : i32
        %get3A_1420 = arith.index_cast %add3A_1419 : i32 to index
        %get3A_1421 = arith.constant 0 : index
        %get3A_1422 = tpu.vector_load %arg7[%get3A_1420, %get3A_1421] {strides = array<i32>} : memref<3200x16xf32, #tpu.memory_space<vmem>>, vector<1x16xf32>,
        %get3A_1423 = vector.shape_cast %get3A_1422 : vector<1x16xf32> to vector<16xf32>
        %add3A_1424 = arith.addf %add3A_1389, %get3A_1423 : vector<16xf32>
        %add3A_1425 = arith.constant 3072 : i32
        %add3A_1426 = arith.addi %add3A_1425, %add3A_1262 : i32
        %get3A_1427 = arith.index_cast %add3A_1426 : i32 to index
        %get3A_1428 = arith.constant 0 : index
        %get3A_1429 = tpu.vector_load %arg7[%get3A_1427, %get3A_1428] {strides = array<i32>} : memref<3200x16xf32, #tpu.memory_space<vmem>>, vector<1x16xf32>,
        %get3A_1430 = vector.shape_cast %get3A_1429 : vector<1x16xf32> to vector<16xf32>
        %add3A_1431 = arith.addf %add3A_1396, %get3A_1430 : vector<16xf32>
        %add3A_1432 = arith.addf %add3A_1403, %add3A_1410 : vector<16xf32>
        %add3A_1433 = arith.addf %add3A_1417, %add3A_1424 : vector<16xf32>
        %add3A_1434 = arith.addf %add3A_1432, %add3A_1433 : vector<16xf32>
        %add3A_1435 = arith.addf %add3A_1434, %add3A_1431 : vector<16xf32>
        %get3A_1436 = arith.index_cast %add3A_1262 : i32 to index
        %get3A_1437 = arith.constant 0 : index
        %get3A_1438 = tpu.vector_load %arg9[%get3A_1436, %get3A_1437] {strides = array<i32>} : memref<128x16xf32, #tpu.memory_space<vmem>>, vector<1x16xf32>,
        %get3A_1439 = vector.shape_cast %get3A_1438 : vector<1x16xf32> to vector<16xf32>
        %add3A_1440 = arith.addf %get3A_1439, %add3A_1435 : vector<16xf32>
        %swap3A = arith.index_cast %add3A_1262 : i32 to index
        %swap3A_1441 = arith.constant 0 : index
        %swap3A_1442 = tpu.vector_load %arg9[%swap3A, %swap3A_1441] {strides = array<i32>} : memref<128x16xf32, #tpu.memory_space<vmem>>, vector<1x16xf32>,
        %swap3A_1443 = vector.shape_cast %swap3A_1442 : vector<1x16xf32> to vector<16xf32>
        %swap3A_1444 = vector.shape_cast %add3A_1440 : vector<16xf32> to vector<1x16xf32>
        tpu.vector_store %arg9[%swap3A, %swap3A_1441], %swap3A_1444 {strides = array<i32>} : memref<128x16xf32, #tpu.memory_space<vmem>>, vector<1x16xf32>,
        %mul3A_1445 = arith.constant 2 : i32
        %mul3A_1446 = arith.muli %mul3A_1445, %scan3A_1258 : i32
        %add3A_1447 = arith.constant 1 : i32
        %add3A_1448 = arith.addi %mul3A_1446, %add3A_1447 : i32
        %add3A_1449 = arith.constant 0 : i32
        %add3A_1450 = arith.addi %add3A_1449, %add3A_1448 : i32
        %get3A_1451 = arith.index_cast %add3A_1450 : i32 to index
        %get3A_1452 = arith.constant 0 : index
        %get3A_1453 = tpu.vector_load %arg7[%get3A_1451, %get3A_1452] {strides = array<i32>} : memref<3200x16xf32, #tpu.memory_space<vmem>>, vector<1x16xf32>,
        %get3A_1454 = vector.shape_cast %get3A_1453 : vector<1x16xf32> to vector<16xf32>
        %add3A_1455 = arith.constant 128 : i32
        %add3A_1456 = arith.addi %add3A_1455, %add3A_1448 : i32
        %get3A_1457 = arith.index_cast %add3A_1456 : i32 to index
        %get3A_1458 = arith.constant 0 : index
        %get3A_1459 = tpu.vector_load %arg7[%get3A_1457, %get3A_1458] {strides = array<i32>} : memref<3200x16xf32, #tpu.memory_space<vmem>>, vector<1x16xf32>,
        %get3A_1460 = vector.shape_cast %get3A_1459 : vector<1x16xf32> to vector<16xf32>
        %add3A_1461 = arith.constant 256 : i32
        %add3A_1462 = arith.addi %add3A_1461, %add3A_1448 : i32
        %get3A_1463 = arith.index_cast %add3A_1462 : i32 to index
        %get3A_1464 = arith.constant 0 : index
        %get3A_1465 = tpu.vector_load %arg7[%get3A_1463, %get3A_1464] {strides = array<i32>} : memref<3200x16xf32, #tpu.memory_space<vmem>>, vector<1x16xf32>,
        %get3A_1466 = vector.shape_cast %get3A_1465 : vector<1x16xf32> to vector<16xf32>
        %add3A_1467 = arith.constant 384 : i32
        %add3A_1468 = arith.addi %add3A_1467, %add3A_1448 : i32
        %get3A_1469 = arith.index_cast %add3A_1468 : i32 to index
        %get3A_1470 = arith.constant 0 : index
        %get3A_1471 = tpu.vector_load %arg7[%get3A_1469, %get3A_1470] {strides = array<i32>} : memref<3200x16xf32, #tpu.memory_space<vmem>>, vector<1x16xf32>,
        %get3A_1472 = vector.shape_cast %get3A_1471 : vector<1x16xf32> to vector<16xf32>
        %add3A_1473 = arith.constant 512 : i32
        %add3A_1474 = arith.addi %add3A_1473, %add3A_1448 : i32
        %get3A_1475 = arith.index_cast %add3A_1474 : i32 to index
        %get3A_1476 = arith.constant 0 : index
        %get3A_1477 = tpu.vector_load %arg7[%get3A_1475, %get3A_1476] {strides = array<i32>} : memref<3200x16xf32, #tpu.memory_space<vmem>>, vector<1x16xf32>,
        %get3A_1478 = vector.shape_cast %get3A_1477 : vector<1x16xf32> to vector<16xf32>
        %add3A_1479 = arith.constant 640 : i32
        %add3A_1480 = arith.addi %add3A_1479, %add3A_1448 : i32
        %get3A_1481 = arith.index_cast %add3A_1480 : i32 to index
        %get3A_1482 = arith.constant 0 : index
        %get3A_1483 = tpu.vector_load %arg7[%get3A_1481, %get3A_1482] {strides = array<i32>} : memref<3200x16xf32, #tpu.memory_space<vmem>>, vector<1x16xf32>,
        %get3A_1484 = vector.shape_cast %get3A_1483 : vector<1x16xf32> to vector<16xf32>
        %add3A_1485 = arith.addf %get3A_1454, %get3A_1484 : vector<16xf32>
        %add3A_1486 = arith.constant 768 : i32
        %add3A_1487 = arith.addi %add3A_1486, %add3A_1448 : i32
        %get3A_1488 = arith.index_cast %add3A_1487 : i32 to index
        %get3A_1489 = arith.constant 0 : index
        %get3A_1490 = tpu.vector_load %arg7[%get3A_1488, %get3A_1489] {strides = array<i32>} : memref<3200x16xf32, #tpu.memory_space<vmem>>, vector<1x16xf32>,
        %get3A_1491 = vector.shape_cast %get3A_1490 : vector<1x16xf32> to vector<16xf32>
        %add3A_1492 = arith.addf %get3A_1460, %get3A_1491 : vector<16xf32>
        %add3A_1493 = arith.constant 896 : i32
        %add3A_1494 = arith.addi %add3A_1493, %add3A_1448 : i32
        %get3A_1495 = arith.index_cast %add3A_1494 : i32 to index
        %get3A_1496 = arith.constant 0 : index
        %get3A_1497 = tpu.vector_load %arg7[%get3A_1495, %get3A_1496] {strides = array<i32>} : memref<3200x16xf32, #tpu.memory_space<vmem>>, vector<1x16xf32>,
        %get3A_1498 = vector.shape_cast %get3A_1497 : vector<1x16xf32> to vector<16xf32>
        %add3A_1499 = arith.addf %get3A_1466, %get3A_1498 : vector<16xf32>
        %add3A_1500 = arith.constant 1024 : i32
        %add3A_1501 = arith.addi %add3A_1500, %add3A_1448 : i32
        %get3A_1502 = arith.index_cast %add3A_1501 : i32 to index
        %get3A_1503 = arith.constant 0 : index
        %get3A_1504 = tpu.vector_load %arg7[%get3A_1502, %get3A_1503] {strides = array<i32>} : memref<3200x16xf32, #tpu.memory_space<vmem>>, vector<1x16xf32>,
        %get3A_1505 = vector.shape_cast %get3A_1504 : vector<1x16xf32> to vector<16xf32>
        %add3A_1506 = arith.addf %get3A_1472, %get3A_1505 : vector<16xf32>
        %add3A_1507 = arith.constant 1152 : i32
        %add3A_1508 = arith.addi %add3A_1507, %add3A_1448 : i32
        %get3A_1509 = arith.index_cast %add3A_1508 : i32 to index
        %get3A_1510 = arith.constant 0 : index
        %get3A_1511 = tpu.vector_load %arg7[%get3A_1509, %get3A_1510] {strides = array<i32>} : memref<3200x16xf32, #tpu.memory_space<vmem>>, vector<1x16xf32>,
        %get3A_1512 = vector.shape_cast %get3A_1511 : vector<1x16xf32> to vector<16xf32>
        %add3A_1513 = arith.addf %get3A_1478, %get3A_1512 : vector<16xf32>
        %add3A_1514 = arith.constant 1280 : i32
        %add3A_1515 = arith.addi %add3A_1514, %add3A_1448 : i32
        %get3A_1516 = arith.index_cast %add3A_1515 : i32 to index
        %get3A_1517 = arith.constant 0 : index
        %get3A_1518 = tpu.vector_load %arg7[%get3A_1516, %get3A_1517] {strides = array<i32>} : memref<3200x16xf32, #tpu.memory_space<vmem>>, vector<1x16xf32>,
        %get3A_1519 = vector.shape_cast %get3A_1518 : vector<1x16xf32> to vector<16xf32>
        %add3A_1520 = arith.addf %add3A_1485, %get3A_1519 : vector<16xf32>
        %add3A_1521 = arith.constant 1408 : i32
        %add3A_1522 = arith.addi %add3A_1521, %add3A_1448 : i32
        %get3A_1523 = arith.index_cast %add3A_1522 : i32 to index
        %get3A_1524 = arith.constant 0 : index
        %get3A_1525 = tpu.vector_load %arg7[%get3A_1523, %get3A_1524] {strides = array<i32>} : memref<3200x16xf32, #tpu.memory_space<vmem>>, vector<1x16xf32>,
        %get3A_1526 = vector.shape_cast %get3A_1525 : vector<1x16xf32> to vector<16xf32>
        %add3A_1527 = arith.addf %add3A_1492, %get3A_1526 : vector<16xf32>
        %add3A_1528 = arith.constant 1536 : i32
        %add3A_1529 = arith.addi %add3A_1528, %add3A_1448 : i32
        %get3A_1530 = arith.index_cast %add3A_1529 : i32 to index
        %get3A_1531 = arith.constant 0 : index
        %get3A_1532 = tpu.vector_load %arg7[%get3A_1530, %get3A_1531] {strides = array<i32>} : memref<3200x16xf32, #tpu.memory_space<vmem>>, vector<1x16xf32>,
        %get3A_1533 = vector.shape_cast %get3A_1532 : vector<1x16xf32> to vector<16xf32>
        %add3A_1534 = arith.addf %add3A_1499, %get3A_1533 : vector<16xf32>
        %add3A_1535 = arith.constant 1664 : i32
        %add3A_1536 = arith.addi %add3A_1535, %add3A_1448 : i32
        %get3A_1537 = arith.index_cast %add3A_1536 : i32 to index
        %get3A_1538 = arith.constant 0 : index
        %get3A_1539 = tpu.vector_load %arg7[%get3A_1537, %get3A_1538] {strides = array<i32>} : memref<3200x16xf32, #tpu.memory_space<vmem>>, vector<1x16xf32>,
        %get3A_1540 = vector.shape_cast %get3A_1539 : vector<1x16xf32> to vector<16xf32>
        %add3A_1541 = arith.addf %add3A_1506, %get3A_1540 : vector<16xf32>
        %add3A_1542 = arith.constant 1792 : i32
        %add3A_1543 = arith.addi %add3A_1542, %add3A_1448 : i32
        %get3A_1544 = arith.index_cast %add3A_1543 : i32 to index
        %get3A_1545 = arith.constant 0 : index
        %get3A_1546 = tpu.vector_load %arg7[%get3A_1544, %get3A_1545] {strides = array<i32>} : memref<3200x16xf32, #tpu.memory_space<vmem>>, vector<1x16xf32>,
        %get3A_1547 = vector.shape_cast %get3A_1546 : vector<1x16xf32> to vector<16xf32>
        %add3A_1548 = arith.addf %add3A_1513, %get3A_1547 : vector<16xf32>
        %add3A_1549 = arith.constant 1920 : i32
        %add3A_1550 = arith.addi %add3A_1549, %add3A_1448 : i32
        %get3A_1551 = arith.index_cast %add3A_1550 : i32 to index
        %get3A_1552 = arith.constant 0 : index
        %get3A_1553 = tpu.vector_load %arg7[%get3A_1551, %get3A_1552] {strides = array<i32>} : memref<3200x16xf32, #tpu.memory_space<vmem>>, vector<1x16xf32>,
        %get3A_1554 = vector.shape_cast %get3A_1553 : vector<1x16xf32> to vector<16xf32>
        %add3A_1555 = arith.addf %add3A_1520, %get3A_1554 : vector<16xf32>
        %add3A_1556 = arith.constant 2048 : i32
        %add3A_1557 = arith.addi %add3A_1556, %add3A_1448 : i32
        %get3A_1558 = arith.index_cast %add3A_1557 : i32 to index
        %get3A_1559 = arith.constant 0 : index
        %get3A_1560 = tpu.vector_load %arg7[%get3A_1558, %get3A_1559] {strides = array<i32>} : memref<3200x16xf32, #tpu.memory_space<vmem>>, vector<1x16xf32>,
        %get3A_1561 = vector.shape_cast %get3A_1560 : vector<1x16xf32> to vector<16xf32>
        %add3A_1562 = arith.addf %add3A_1527, %get3A_1561 : vector<16xf32>
        %add3A_1563 = arith.constant 2176 : i32
        %add3A_1564 = arith.addi %add3A_1563, %add3A_1448 : i32
        %get3A_1565 = arith.index_cast %add3A_1564 : i32 to index
        %get3A_1566 = arith.constant 0 : index
        %get3A_1567 = tpu.vector_load %arg7[%get3A_1565, %get3A_1566] {strides = array<i32>} : memref<3200x16xf32, #tpu.memory_space<vmem>>, vector<1x16xf32>,
        %get3A_1568 = vector.shape_cast %get3A_1567 : vector<1x16xf32> to vector<16xf32>
        %add3A_1569 = arith.addf %add3A_1534, %get3A_1568 : vector<16xf32>
        %add3A_1570 = arith.constant 2304 : i32
        %add3A_1571 = arith.addi %add3A_1570, %add3A_1448 : i32
        %get3A_1572 = arith.index_cast %add3A_1571 : i32 to index
        %get3A_1573 = arith.constant 0 : index
        %get3A_1574 = tpu.vector_load %arg7[%get3A_1572, %get3A_1573] {strides = array<i32>} : memref<3200x16xf32, #tpu.memory_space<vmem>>, vector<1x16xf32>,
        %get3A_1575 = vector.shape_cast %get3A_1574 : vector<1x16xf32> to vector<16xf32>
        %add3A_1576 = arith.addf %add3A_1541, %get3A_1575 : vector<16xf32>
        %add3A_1577 = arith.constant 2432 : i32
        %add3A_1578 = arith.addi %add3A_1577, %add3A_1448 : i32
        %get3A_1579 = arith.index_cast %add3A_1578 : i32 to index
        %get3A_1580 = arith.constant 0 : index
        %get3A_1581 = tpu.vector_load %arg7[%get3A_1579, %get3A_1580] {strides = array<i32>} : memref<3200x16xf32, #tpu.memory_space<vmem>>, vector<1x16xf32>,
        %get3A_1582 = vector.shape_cast %get3A_1581 : vector<1x16xf32> to vector<16xf32>
        %add3A_1583 = arith.addf %add3A_1548, %get3A_1582 : vector<16xf32>
        %add3A_1584 = arith.constant 2560 : i32
        %add3A_1585 = arith.addi %add3A_1584, %add3A_1448 : i32
        %get3A_1586 = arith.index_cast %add3A_1585 : i32 to index
        %get3A_1587 = arith.constant 0 : index
        %get3A_1588 = tpu.vector_load %arg7[%get3A_1586, %get3A_1587] {strides = array<i32>} : memref<3200x16xf32, #tpu.memory_space<vmem>>, vector<1x16xf32>,
        %get3A_1589 = vector.shape_cast %get3A_1588 : vector<1x16xf32> to vector<16xf32>
        %add3A_1590 = arith.addf %add3A_1555, %get3A_1589 : vector<16xf32>
        %add3A_1591 = arith.constant 2688 : i32
        %add3A_1592 = arith.addi %add3A_1591, %add3A_1448 : i32
        %get3A_1593 = arith.index_cast %add3A_1592 : i32 to index
        %get3A_1594 = arith.constant 0 : index
        %get3A_1595 = tpu.vector_load %arg7[%get3A_1593, %get3A_1594] {strides = array<i32>} : memref<3200x16xf32, #tpu.memory_space<vmem>>, vector<1x16xf32>,
        %get3A_1596 = vector.shape_cast %get3A_1595 : vector<1x16xf32> to vector<16xf32>
        %add3A_1597 = arith.addf %add3A_1562, %get3A_1596 : vector<16xf32>
        %add3A_1598 = arith.constant 2816 : i32
        %add3A_1599 = arith.addi %add3A_1598, %add3A_1448 : i32
        %get3A_1600 = arith.index_cast %add3A_1599 : i32 to index
        %get3A_1601 = arith.constant 0 : index
        %get3A_1602 = tpu.vector_load %arg7[%get3A_1600, %get3A_1601] {strides = array<i32>} : memref<3200x16xf32, #tpu.memory_space<vmem>>, vector<1x16xf32>,
        %get3A_1603 = vector.shape_cast %get3A_1602 : vector<1x16xf32> to vector<16xf32>
        %add3A_1604 = arith.addf %add3A_1569, %get3A_1603 : vector<16xf32>
        %add3A_1605 = arith.constant 2944 : i32
        %add3A_1606 = arith.addi %add3A_1605, %add3A_1448 : i32
        %get3A_1607 = arith.index_cast %add3A_1606 : i32 to index
        %get3A_1608 = arith.constant 0 : index
        %get3A_1609 = tpu.vector_load %arg7[%get3A_1607, %get3A_1608] {strides = array<i32>} : memref<3200x16xf32, #tpu.memory_space<vmem>>, vector<1x16xf32>,
        %get3A_1610 = vector.shape_cast %get3A_1609 : vector<1x16xf32> to vector<16xf32>
        %add3A_1611 = arith.addf %add3A_1576, %get3A_1610 : vector<16xf32>
        %add3A_1612 = arith.constant 3072 : i32
        %add3A_1613 = arith.addi %add3A_1612, %add3A_1448 : i32
        %get3A_1614 = arith.index_cast %add3A_1613 : i32 to index
        %get3A_1615 = arith.constant 0 : index
        %get3A_1616 = tpu.vector_load %arg7[%get3A_1614, %get3A_1615] {strides = array<i32>} : memref<3200x16xf32, #tpu.memory_space<vmem>>, vector<1x16xf32>,
        %get3A_1617 = vector.shape_cast %get3A_1616 : vector<1x16xf32> to vector<16xf32>
        %add3A_1618 = arith.addf %add3A_1583, %get3A_1617 : vector<16xf32>
        %add3A_1619 = arith.addf %add3A_1590, %add3A_1597 : vector<16xf32>
        %add3A_1620 = arith.addf %add3A_1604, %add3A_1611 : vector<16xf32>
        %add3A_1621 = arith.addf %add3A_1619, %add3A_1620 : vector<16xf32>
        %add3A_1622 = arith.addf %add3A_1621, %add3A_1618 : vector<16xf32>
        %get3A_1623 = arith.index_cast %add3A_1448 : i32 to index
        %get3A_1624 = arith.constant 0 : index
        %get3A_1625 = tpu.vector_load %arg9[%get3A_1623, %get3A_1624] {strides = array<i32>} : memref<128x16xf32, #tpu.memory_space<vmem>>, vector<1x16xf32>,
        %get3A_1626 = vector.shape_cast %get3A_1625 : vector<1x16xf32> to vector<16xf32>
        %add3A_1627 = arith.addf %get3A_1626, %add3A_1622 : vector<16xf32>
        %swap3A_1628 = arith.index_cast %add3A_1448 : i32 to index
        %swap3A_1629 = arith.constant 0 : index
        %swap3A_1630 = tpu.vector_load %arg9[%swap3A_1628, %swap3A_1629] {strides = array<i32>} : memref<128x16xf32, #tpu.memory_space<vmem>>, vector<1x16xf32>,
        %swap3A_1631 = vector.shape_cast %swap3A_1630 : vector<1x16xf32> to vector<16xf32>
        %swap3A_1632 = vector.shape_cast %add3A_1627 : vector<16xf32> to vector<1x16xf32>
        tpu.vector_store %arg9[%swap3A_1628, %swap3A_1629], %swap3A_1632 {strides = array<i32>} : memref<128x16xf32, #tpu.memory_space<vmem>>, vector<1x16xf32>,
      }
      %scan3A_922 = arith.constant 64 : i32
      %lt3A = arith.constant 3 : i32
      %lt3A_923 = arith.cmpi slt, %scan3A_263, %lt3A : i32
      %convert_element_type3A = arith.extui %lt3A_923 : i1 to i32
      %cond3A = arith.constant 0 : i32
      %cond3A_924 = arith.cmpi ne, %convert_element_type3A, %cond3A : i32
      scf.if %cond3A_924 {
        %add3A_1258 = arith.constant 2 : i32
        %add3A_1259 = arith.addi %mul3A_265, %add3A_1258 : i32
        %mul3A_1260 = arith.constant 25 : i32
        %mul3A_1261 = arith.muli %add3A_1259, %mul3A_1260 : i32
        %add3A_1262 = arith.constant 0 : i32
        %add3A_1263 = arith.addi %mul3A_1261, %add3A_1262 : i32
        %mul3A_1264 = arith.constant 25 : i32
        %mul3A_1265 = arith.muli %add3A_1259, %mul3A_1264 : i32
        %add3A_1266 = arith.constant 1 : i32
        %add3A_1267 = arith.addi %mul3A_1265, %add3A_1266 : i32
        %mul3A_1268 = arith.constant 25 : i32
        %mul3A_1269 = arith.muli %add3A_1259, %mul3A_1268 : i32
        %add3A_1270 = arith.constant 2 : i32
        %add3A_1271 = arith.addi %mul3A_1269, %add3A_1270 : i32
        %mul3A_1272 = arith.constant 25 : i32
        %mul3A_1273 = arith.muli %add3A_1259, %mul3A_1272 : i32
        %add3A_1274 = arith.constant 3 : i32
        %add3A_1275 = arith.addi %mul3A_1273, %add3A_1274 : i32
        %mul3A_1276 = arith.constant 25 : i32
        %mul3A_1277 = arith.muli %add3A_1259, %mul3A_1276 : i32
        %add3A_1278 = arith.constant 4 : i32
        %add3A_1279 = arith.addi %mul3A_1277, %add3A_1278 : i32
        %mul3A_1280 = arith.constant 25 : i32
        %mul3A_1281 = arith.muli %add3A_1259, %mul3A_1280 : i32
        %add3A_1282 = arith.constant 5 : i32
        %add3A_1283 = arith.addi %mul3A_1281, %add3A_1282 : i32
        %mul3A_1284 = arith.constant 25 : i32
        %mul3A_1285 = arith.muli %add3A_1259, %mul3A_1284 : i32
        %add3A_1286 = arith.constant 6 : i32
        %add3A_1287 = arith.addi %mul3A_1285, %add3A_1286 : i32
        %mul3A_1288 = arith.constant 25 : i32
        %mul3A_1289 = arith.muli %add3A_1259, %mul3A_1288 : i32
        %add3A_1290 = arith.constant 7 : i32
        %add3A_1291 = arith.addi %mul3A_1289, %add3A_1290 : i32
        %mul3A_1292 = arith.constant 25 : i32
        %mul3A_1293 = arith.muli %add3A_1259, %mul3A_1292 : i32
        %add3A_1294 = arith.constant 8 : i32
        %add3A_1295 = arith.addi %mul3A_1293, %add3A_1294 : i32
        %mul3A_1296 = arith.constant 25 : i32
        %mul3A_1297 = arith.muli %add3A_1259, %mul3A_1296 : i32
        %add3A_1298 = arith.constant 9 : i32
        %add3A_1299 = arith.addi %mul3A_1297, %add3A_1298 : i32
        %mul3A_1300 = arith.constant 25 : i32
        %mul3A_1301 = arith.muli %add3A_1259, %mul3A_1300 : i32
        %add3A_1302 = arith.constant 10 : i32
        %add3A_1303 = arith.addi %mul3A_1301, %add3A_1302 : i32
        %mul3A_1304 = arith.constant 25 : i32
        %mul3A_1305 = arith.muli %add3A_1259, %mul3A_1304 : i32
        %add3A_1306 = arith.constant 11 : i32
        %add3A_1307 = arith.addi %mul3A_1305, %add3A_1306 : i32
        %mul3A_1308 = arith.constant 25 : i32
        %mul3A_1309 = arith.muli %add3A_1259, %mul3A_1308 : i32
        %add3A_1310 = arith.constant 12 : i32
        %add3A_1311 = arith.addi %mul3A_1309, %add3A_1310 : i32
        %mul3A_1312 = arith.constant 25 : i32
        %mul3A_1313 = arith.muli %add3A_1259, %mul3A_1312 : i32
        %add3A_1314 = arith.constant 13 : i32
        %add3A_1315 = arith.addi %mul3A_1313, %add3A_1314 : i32
        %mul3A_1316 = arith.constant 25 : i32
        %mul3A_1317 = arith.muli %add3A_1259, %mul3A_1316 : i32
        %add3A_1318 = arith.constant 14 : i32
        %add3A_1319 = arith.addi %mul3A_1317, %add3A_1318 : i32
        %mul3A_1320 = arith.constant 25 : i32
        %mul3A_1321 = arith.muli %add3A_1259, %mul3A_1320 : i32
        %add3A_1322 = arith.constant 15 : i32
        %add3A_1323 = arith.addi %mul3A_1321, %add3A_1322 : i32
        %mul3A_1324 = arith.constant 25 : i32
        %mul3A_1325 = arith.muli %add3A_1259, %mul3A_1324 : i32
        %add3A_1326 = arith.constant 16 : i32
        %add3A_1327 = arith.addi %mul3A_1325, %add3A_1326 : i32
        %mul3A_1328 = arith.constant 25 : i32
        %mul3A_1329 = arith.muli %add3A_1259, %mul3A_1328 : i32
        %add3A_1330 = arith.constant 17 : i32
        %add3A_1331 = arith.addi %mul3A_1329, %add3A_1330 : i32
        %mul3A_1332 = arith.constant 25 : i32
        %mul3A_1333 = arith.muli %add3A_1259, %mul3A_1332 : i32
        %add3A_1334 = arith.constant 18 : i32
        %add3A_1335 = arith.addi %mul3A_1333, %add3A_1334 : i32
        %mul3A_1336 = arith.constant 25 : i32
        %mul3A_1337 = arith.muli %add3A_1259, %mul3A_1336 : i32
        %add3A_1338 = arith.constant 19 : i32
        %add3A_1339 = arith.addi %mul3A_1337, %add3A_1338 : i32
        %mul3A_1340 = arith.constant 25 : i32
        %mul3A_1341 = arith.muli %add3A_1259, %mul3A_1340 : i32
        %add3A_1342 = arith.constant 20 : i32
        %add3A_1343 = arith.addi %mul3A_1341, %add3A_1342 : i32
        %mul3A_1344 = arith.constant 25 : i32
        %mul3A_1345 = arith.muli %add3A_1259, %mul3A_1344 : i32
        %add3A_1346 = arith.constant 21 : i32
        %add3A_1347 = arith.addi %mul3A_1345, %add3A_1346 : i32
        %mul3A_1348 = arith.constant 25 : i32
        %mul3A_1349 = arith.muli %add3A_1259, %mul3A_1348 : i32
        %add3A_1350 = arith.constant 22 : i32
        %add3A_1351 = arith.addi %mul3A_1349, %add3A_1350 : i32
        %mul3A_1352 = arith.constant 25 : i32
        %mul3A_1353 = arith.muli %add3A_1259, %mul3A_1352 : i32
        %add3A_1354 = arith.constant 23 : i32
        %add3A_1355 = arith.addi %mul3A_1353, %add3A_1354 : i32
        %mul3A_1356 = arith.constant 25 : i32
        %mul3A_1357 = arith.muli %add3A_1259, %mul3A_1356 : i32
        %add3A_1358 = arith.constant 24 : i32
        %add3A_1359 = arith.addi %mul3A_1357, %add3A_1358 : i32
        %dma_start3A_1360 = arith.constant 0 : i32
        %dma_start3A_1361 = arith.constant 0 : i32
        %dma_start3A_1362 = tpu.memref_slice %arg7[%dma_start3A_1360, %dma_start3A_1361] : memref<3200x16xf32, #tpu.memory_space<vmem>> -> memref<128x16xf32, #tpu.memory_space<vmem>>
        %dma_start3A_1363 = arith.constant 0 : i32
        %dma_start3A_1364 = tpu.memref_slice %arg6[%add3A_1263, %dma_start3A_1363] : memref<200x128xi32, #tpu.memory_space<vmem>> -> memref<1x128xi32, #tpu.memory_space<vmem>>
        %dma_start3A_1365 = tpu.memref_squeeze %dma_start3A_1364 : memref<1x128xi32, #tpu.memory_space<vmem>> -> memref<128xi32, #tpu.memory_space<vmem>>
        %dma_start3A_1366 = arith.constant 0 : i32
        %dma_start3A_1367 = arith.constant 0 : i32
        %dma_start3A_1368 = tpu.memref_slice %arg3[%dma_start3A_1366, %dma_start3A_1367] : memref<30528x16xf32, #tpu.memory_space<hbm>> -> memref<30528x16xf32, #tpu.memory_space<hbm>>
        tpu.enqueue_indirect_dma source(%dma_start3A_1368 : memref<30528x16xf32, #tpu.memory_space<hbm>>) target(%dma_start3A_1362 : memref<128x16xf32, #tpu.memory_space<vmem>>) offsets(%dma_start3A_1365 : memref<128xi32, #tpu.memory_space<vmem>>) semaphore(%arg11 : memref<!tpu.dma_semaphore, #tpu.memory_space<semaphore_mem>>)
        %dma_start3A_1369 = arith.constant 128 : i32
        %dma_start3A_1370 = arith.constant 0 : i32
        %dma_start3A_1371 = tpu.memref_slice %arg7[%dma_start3A_1369, %dma_start3A_1370] : memref<3200x16xf32, #tpu.memory_space<vmem>> -> memref<128x16xf32, #tpu.memory_space<vmem>>
        %dma_start3A_1372 = arith.constant 0 : i32
        %dma_start3A_1373 = tpu.memref_slice %arg6[%add3A_1267, %dma_start3A_1372] : memref<200x128xi32, #tpu.memory_space<vmem>> -> memref<1x128xi32, #tpu.memory_space<vmem>>
        %dma_start3A_1374 = tpu.memref_squeeze %dma_start3A_1373 : memref<1x128xi32, #tpu.memory_space<vmem>> -> memref<128xi32, #tpu.memory_space<vmem>>
        %dma_start3A_1375 = arith.constant 0 : i32
        %dma_start3A_1376 = arith.constant 0 : i32
        %dma_start3A_1377 = tpu.memref_slice %arg3[%dma_start3A_1375, %dma_start3A_1376] : memref<30528x16xf32, #tpu.memory_space<hbm>> -> memref<30528x16xf32, #tpu.memory_space<hbm>>
        tpu.enqueue_indirect_dma source(%dma_start3A_1377 : memref<30528x16xf32, #tpu.memory_space<hbm>>) target(%dma_start3A_1371 : memref<128x16xf32, #tpu.memory_space<vmem>>) offsets(%dma_start3A_1374 : memref<128xi32, #tpu.memory_space<vmem>>) semaphore(%arg11 : memref<!tpu.dma_semaphore, #tpu.memory_space<semaphore_mem>>)
        %dma_start3A_1378 = arith.constant 256 : i32
        %dma_start3A_1379 = arith.constant 0 : i32
        %dma_start3A_1380 = tpu.memref_slice %arg7[%dma_start3A_1378, %dma_start3A_1379] : memref<3200x16xf32, #tpu.memory_space<vmem>> -> memref<128x16xf32, #tpu.memory_space<vmem>>
        %dma_start3A_1381 = arith.constant 0 : i32
        %dma_start3A_1382 = tpu.memref_slice %arg6[%add3A_1271, %dma_start3A_1381] : memref<200x128xi32, #tpu.memory_space<vmem>> -> memref<1x128xi32, #tpu.memory_space<vmem>>
        %dma_start3A_1383 = tpu.memref_squeeze %dma_start3A_1382 : memref<1x128xi32, #tpu.memory_space<vmem>> -> memref<128xi32, #tpu.memory_space<vmem>>
        %dma_start3A_1384 = arith.constant 0 : i32
        %dma_start3A_1385 = arith.constant 0 : i32
        %dma_start3A_1386 = tpu.memref_slice %arg3[%dma_start3A_1384, %dma_start3A_1385] : memref<30528x16xf32, #tpu.memory_space<hbm>> -> memref<30528x16xf32, #tpu.memory_space<hbm>>
        tpu.enqueue_indirect_dma source(%dma_start3A_1386 : memref<30528x16xf32, #tpu.memory_space<hbm>>) target(%dma_start3A_1380 : memref<128x16xf32, #tpu.memory_space<vmem>>) offsets(%dma_start3A_1383 : memref<128xi32, #tpu.memory_space<vmem>>) semaphore(%arg11 : memref<!tpu.dma_semaphore, #tpu.memory_space<semaphore_mem>>)
        %dma_start3A_1387 = arith.constant 384 : i32
        %dma_start3A_1388 = arith.constant 0 : i32
        %dma_start3A_1389 = tpu.memref_slice %arg7[%dma_start3A_1387, %dma_start3A_1388] : memref<3200x16xf32, #tpu.memory_space<vmem>> -> memref<128x16xf32, #tpu.memory_space<vmem>>
        %dma_start3A_1390 = arith.constant 0 : i32
        %dma_start3A_1391 = tpu.memref_slice %arg6[%add3A_1275, %dma_start3A_1390] : memref<200x128xi32, #tpu.memory_space<vmem>> -> memref<1x128xi32, #tpu.memory_space<vmem>>
        %dma_start3A_1392 = tpu.memref_squeeze %dma_start3A_1391 : memref<1x128xi32, #tpu.memory_space<vmem>> -> memref<128xi32, #tpu.memory_space<vmem>>
        %dma_start3A_1393 = arith.constant 0 : i32
        %dma_start3A_1394 = arith.constant 0 : i32
        %dma_start3A_1395 = tpu.memref_slice %arg3[%dma_start3A_1393, %dma_start3A_1394] : memref<30528x16xf32, #tpu.memory_space<hbm>> -> memref<30528x16xf32, #tpu.memory_space<hbm>>
        tpu.enqueue_indirect_dma source(%dma_start3A_1395 : memref<30528x16xf32, #tpu.memory_space<hbm>>) target(%dma_start3A_1389 : memref<128x16xf32, #tpu.memory_space<vmem>>) offsets(%dma_start3A_1392 : memref<128xi32, #tpu.memory_space<vmem>>) semaphore(%arg11 : memref<!tpu.dma_semaphore, #tpu.memory_space<semaphore_mem>>)
        %dma_start3A_1396 = arith.constant 512 : i32
        %dma_start3A_1397 = arith.constant 0 : i32
        %dma_start3A_1398 = tpu.memref_slice %arg7[%dma_start3A_1396, %dma_start3A_1397] : memref<3200x16xf32, #tpu.memory_space<vmem>> -> memref<128x16xf32, #tpu.memory_space<vmem>>
        %dma_start3A_1399 = arith.constant 0 : i32
        %dma_start3A_1400 = tpu.memref_slice %arg6[%add3A_1279, %dma_start3A_1399] : memref<200x128xi32, #tpu.memory_space<vmem>> -> memref<1x128xi32, #tpu.memory_space<vmem>>
        %dma_start3A_1401 = tpu.memref_squeeze %dma_start3A_1400 : memref<1x128xi32, #tpu.memory_space<vmem>> -> memref<128xi32, #tpu.memory_space<vmem>>
        %dma_start3A_1402 = arith.constant 0 : i32
        %dma_start3A_1403 = arith.constant 0 : i32
        %dma_start3A_1404 = tpu.memref_slice %arg3[%dma_start3A_1402, %dma_start3A_1403] : memref<30528x16xf32, #tpu.memory_space<hbm>> -> memref<30528x16xf32, #tpu.memory_space<hbm>>
        tpu.enqueue_indirect_dma source(%dma_start3A_1404 : memref<30528x16xf32, #tpu.memory_space<hbm>>) target(%dma_start3A_1398 : memref<128x16xf32, #tpu.memory_space<vmem>>) offsets(%dma_start3A_1401 : memref<128xi32, #tpu.memory_space<vmem>>) semaphore(%arg11 : memref<!tpu.dma_semaphore, #tpu.memory_space<semaphore_mem>>)
        %dma_start3A_1405 = arith.constant 640 : i32
        %dma_start3A_1406 = arith.constant 0 : i32
        %dma_start3A_1407 = tpu.memref_slice %arg7[%dma_start3A_1405, %dma_start3A_1406] : memref<3200x16xf32, #tpu.memory_space<vmem>> -> memref<128x16xf32, #tpu.memory_space<vmem>>
        %dma_start3A_1408 = arith.constant 0 : i32
        %dma_start3A_1409 = tpu.memref_slice %arg6[%add3A_1283, %dma_start3A_1408] : memref<200x128xi32, #tpu.memory_space<vmem>> -> memref<1x128xi32, #tpu.memory_space<vmem>>
        %dma_start3A_1410 = tpu.memref_squeeze %dma_start3A_1409 : memref<1x128xi32, #tpu.memory_space<vmem>> -> memref<128xi32, #tpu.memory_space<vmem>>
        %dma_start3A_1411 = arith.constant 0 : i32
        %dma_start3A_1412 = arith.constant 0 : i32
        %dma_start3A_1413 = tpu.memref_slice %arg3[%dma_start3A_1411, %dma_start3A_1412] : memref<30528x16xf32, #tpu.memory_space<hbm>> -> memref<30528x16xf32, #tpu.memory_space<hbm>>
        tpu.enqueue_indirect_dma source(%dma_start3A_1413 : memref<30528x16xf32, #tpu.memory_space<hbm>>) target(%dma_start3A_1407 : memref<128x16xf32, #tpu.memory_space<vmem>>) offsets(%dma_start3A_1410 : memref<128xi32, #tpu.memory_space<vmem>>) semaphore(%arg11 : memref<!tpu.dma_semaphore, #tpu.memory_space<semaphore_mem>>)
        %dma_start3A_1414 = arith.constant 768 : i32
        %dma_start3A_1415 = arith.constant 0 : i32
        %dma_start3A_1416 = tpu.memref_slice %arg7[%dma_start3A_1414, %dma_start3A_1415] : memref<3200x16xf32, #tpu.memory_space<vmem>> -> memref<128x16xf32, #tpu.memory_space<vmem>>
        %dma_start3A_1417 = arith.constant 0 : i32
        %dma_start3A_1418 = tpu.memref_slice %arg6[%add3A_1287, %dma_start3A_1417] : memref<200x128xi32, #tpu.memory_space<vmem>> -> memref<1x128xi32, #tpu.memory_space<vmem>>
        %dma_start3A_1419 = tpu.memref_squeeze %dma_start3A_1418 : memref<1x128xi32, #tpu.memory_space<vmem>> -> memref<128xi32, #tpu.memory_space<vmem>>
        %dma_start3A_1420 = arith.constant 0 : i32
        %dma_start3A_1421 = arith.constant 0 : i32
        %dma_start3A_1422 = tpu.memref_slice %arg3[%dma_start3A_1420, %dma_start3A_1421] : memref<30528x16xf32, #tpu.memory_space<hbm>> -> memref<30528x16xf32, #tpu.memory_space<hbm>>
        tpu.enqueue_indirect_dma source(%dma_start3A_1422 : memref<30528x16xf32, #tpu.memory_space<hbm>>) target(%dma_start3A_1416 : memref<128x16xf32, #tpu.memory_space<vmem>>) offsets(%dma_start3A_1419 : memref<128xi32, #tpu.memory_space<vmem>>) semaphore(%arg11 : memref<!tpu.dma_semaphore, #tpu.memory_space<semaphore_mem>>)
        %dma_start3A_1423 = arith.constant 896 : i32
        %dma_start3A_1424 = arith.constant 0 : i32
        %dma_start3A_1425 = tpu.memref_slice %arg7[%dma_start3A_1423, %dma_start3A_1424] : memref<3200x16xf32, #tpu.memory_space<vmem>> -> memref<128x16xf32, #tpu.memory_space<vmem>>
        %dma_start3A_1426 = arith.constant 0 : i32
        %dma_start3A_1427 = tpu.memref_slice %arg6[%add3A_1291, %dma_start3A_1426] : memref<200x128xi32, #tpu.memory_space<vmem>> -> memref<1x128xi32, #tpu.memory_space<vmem>>
        %dma_start3A_1428 = tpu.memref_squeeze %dma_start3A_1427 : memref<1x128xi32, #tpu.memory_space<vmem>> -> memref<128xi32, #tpu.memory_space<vmem>>
        %dma_start3A_1429 = arith.constant 0 : i32
        %dma_start3A_1430 = arith.constant 0 : i32
        %dma_start3A_1431 = tpu.memref_slice %arg3[%dma_start3A_1429, %dma_start3A_1430] : memref<30528x16xf32, #tpu.memory_space<hbm>> -> memref<30528x16xf32, #tpu.memory_space<hbm>>
        tpu.enqueue_indirect_dma source(%dma_start3A_1431 : memref<30528x16xf32, #tpu.memory_space<hbm>>) target(%dma_start3A_1425 : memref<128x16xf32, #tpu.memory_space<vmem>>) offsets(%dma_start3A_1428 : memref<128xi32, #tpu.memory_space<vmem>>) semaphore(%arg11 : memref<!tpu.dma_semaphore, #tpu.memory_space<semaphore_mem>>)
        %dma_start3A_1432 = arith.constant 1024 : i32
        %dma_start3A_1433 = arith.constant 0 : i32
        %dma_start3A_1434 = tpu.memref_slice %arg7[%dma_start3A_1432, %dma_start3A_1433] : memref<3200x16xf32, #tpu.memory_space<vmem>> -> memref<128x16xf32, #tpu.memory_space<vmem>>
        %dma_start3A_1435 = arith.constant 0 : i32
        %dma_start3A_1436 = tpu.memref_slice %arg6[%add3A_1295, %dma_start3A_1435] : memref<200x128xi32, #tpu.memory_space<vmem>> -> memref<1x128xi32, #tpu.memory_space<vmem>>
        %dma_start3A_1437 = tpu.memref_squeeze %dma_start3A_1436 : memref<1x128xi32, #tpu.memory_space<vmem>> -> memref<128xi32, #tpu.memory_space<vmem>>
        %dma_start3A_1438 = arith.constant 0 : i32
        %dma_start3A_1439 = arith.constant 0 : i32
        %dma_start3A_1440 = tpu.memref_slice %arg3[%dma_start3A_1438, %dma_start3A_1439] : memref<30528x16xf32, #tpu.memory_space<hbm>> -> memref<30528x16xf32, #tpu.memory_space<hbm>>
        tpu.enqueue_indirect_dma source(%dma_start3A_1440 : memref<30528x16xf32, #tpu.memory_space<hbm>>) target(%dma_start3A_1434 : memref<128x16xf32, #tpu.memory_space<vmem>>) offsets(%dma_start3A_1437 : memref<128xi32, #tpu.memory_space<vmem>>) semaphore(%arg11 : memref<!tpu.dma_semaphore, #tpu.memory_space<semaphore_mem>>)
        %dma_start3A_1441 = arith.constant 1152 : i32
        %dma_start3A_1442 = arith.constant 0 : i32
        %dma_start3A_1443 = tpu.memref_slice %arg7[%dma_start3A_1441, %dma_start3A_1442] : memref<3200x16xf32, #tpu.memory_space<vmem>> -> memref<128x16xf32, #tpu.memory_space<vmem>>
        %dma_start3A_1444 = arith.constant 0 : i32
        %dma_start3A_1445 = tpu.memref_slice %arg6[%add3A_1299, %dma_start3A_1444] : memref<200x128xi32, #tpu.memory_space<vmem>> -> memref<1x128xi32, #tpu.memory_space<vmem>>
        %dma_start3A_1446 = tpu.memref_squeeze %dma_start3A_1445 : memref<1x128xi32, #tpu.memory_space<vmem>> -> memref<128xi32, #tpu.memory_space<vmem>>
        %dma_start3A_1447 = arith.constant 0 : i32
        %dma_start3A_1448 = arith.constant 0 : i32
        %dma_start3A_1449 = tpu.memref_slice %arg3[%dma_start3A_1447, %dma_start3A_1448] : memref<30528x16xf32, #tpu.memory_space<hbm>> -> memref<30528x16xf32, #tpu.memory_space<hbm>>
        tpu.enqueue_indirect_dma source(%dma_start3A_1449 : memref<30528x16xf32, #tpu.memory_space<hbm>>) target(%dma_start3A_1443 : memref<128x16xf32, #tpu.memory_space<vmem>>) offsets(%dma_start3A_1446 : memref<128xi32, #tpu.memory_space<vmem>>) semaphore(%arg11 : memref<!tpu.dma_semaphore, #tpu.memory_space<semaphore_mem>>)
        %dma_start3A_1450 = arith.constant 1280 : i32
        %dma_start3A_1451 = arith.constant 0 : i32
        %dma_start3A_1452 = tpu.memref_slice %arg7[%dma_start3A_1450, %dma_start3A_1451] : memref<3200x16xf32, #tpu.memory_space<vmem>> -> memref<128x16xf32, #tpu.memory_space<vmem>>
        %dma_start3A_1453 = arith.constant 0 : i32
        %dma_start3A_1454 = tpu.memref_slice %arg6[%add3A_1303, %dma_start3A_1453] : memref<200x128xi32, #tpu.memory_space<vmem>> -> memref<1x128xi32, #tpu.memory_space<vmem>>
        %dma_start3A_1455 = tpu.memref_squeeze %dma_start3A_1454 : memref<1x128xi32, #tpu.memory_space<vmem>> -> memref<128xi32, #tpu.memory_space<vmem>>
        %dma_start3A_1456 = arith.constant 0 : i32
        %dma_start3A_1457 = arith.constant 0 : i32
        %dma_start3A_1458 = tpu.memref_slice %arg3[%dma_start3A_1456, %dma_start3A_1457] : memref<30528x16xf32, #tpu.memory_space<hbm>> -> memref<30528x16xf32, #tpu.memory_space<hbm>>
        tpu.enqueue_indirect_dma source(%dma_start3A_1458 : memref<30528x16xf32, #tpu.memory_space<hbm>>) target(%dma_start3A_1452 : memref<128x16xf32, #tpu.memory_space<vmem>>) offsets(%dma_start3A_1455 : memref<128xi32, #tpu.memory_space<vmem>>) semaphore(%arg11 : memref<!tpu.dma_semaphore, #tpu.memory_space<semaphore_mem>>)
        %dma_start3A_1459 = arith.constant 1408 : i32
        %dma_start3A_1460 = arith.constant 0 : i32
        %dma_start3A_1461 = tpu.memref_slice %arg7[%dma_start3A_1459, %dma_start3A_1460] : memref<3200x16xf32, #tpu.memory_space<vmem>> -> memref<128x16xf32, #tpu.memory_space<vmem>>
        %dma_start3A_1462 = arith.constant 0 : i32
        %dma_start3A_1463 = tpu.memref_slice %arg6[%add3A_1307, %dma_start3A_1462] : memref<200x128xi32, #tpu.memory_space<vmem>> -> memref<1x128xi32, #tpu.memory_space<vmem>>
        %dma_start3A_1464 = tpu.memref_squeeze %dma_start3A_1463 : memref<1x128xi32, #tpu.memory_space<vmem>> -> memref<128xi32, #tpu.memory_space<vmem>>
        %dma_start3A_1465 = arith.constant 0 : i32
        %dma_start3A_1466 = arith.constant 0 : i32
        %dma_start3A_1467 = tpu.memref_slice %arg3[%dma_start3A_1465, %dma_start3A_1466] : memref<30528x16xf32, #tpu.memory_space<hbm>> -> memref<30528x16xf32, #tpu.memory_space<hbm>>
        tpu.enqueue_indirect_dma source(%dma_start3A_1467 : memref<30528x16xf32, #tpu.memory_space<hbm>>) target(%dma_start3A_1461 : memref<128x16xf32, #tpu.memory_space<vmem>>) offsets(%dma_start3A_1464 : memref<128xi32, #tpu.memory_space<vmem>>) semaphore(%arg11 : memref<!tpu.dma_semaphore, #tpu.memory_space<semaphore_mem>>)
        %dma_start3A_1468 = arith.constant 1536 : i32
        %dma_start3A_1469 = arith.constant 0 : i32
        %dma_start3A_1470 = tpu.memref_slice %arg7[%dma_start3A_1468, %dma_start3A_1469] : memref<3200x16xf32, #tpu.memory_space<vmem>> -> memref<128x16xf32, #tpu.memory_space<vmem>>
        %dma_start3A_1471 = arith.constant 0 : i32
        %dma_start3A_1472 = tpu.memref_slice %arg6[%add3A_1311, %dma_start3A_1471] : memref<200x128xi32, #tpu.memory_space<vmem>> -> memref<1x128xi32, #tpu.memory_space<vmem>>
        %dma_start3A_1473 = tpu.memref_squeeze %dma_start3A_1472 : memref<1x128xi32, #tpu.memory_space<vmem>> -> memref<128xi32, #tpu.memory_space<vmem>>
        %dma_start3A_1474 = arith.constant 0 : i32
        %dma_start3A_1475 = arith.constant 0 : i32
        %dma_start3A_1476 = tpu.memref_slice %arg3[%dma_start3A_1474, %dma_start3A_1475] : memref<30528x16xf32, #tpu.memory_space<hbm>> -> memref<30528x16xf32, #tpu.memory_space<hbm>>
        tpu.enqueue_indirect_dma source(%dma_start3A_1476 : memref<30528x16xf32, #tpu.memory_space<hbm>>) target(%dma_start3A_1470 : memref<128x16xf32, #tpu.memory_space<vmem>>) offsets(%dma_start3A_1473 : memref<128xi32, #tpu.memory_space<vmem>>) semaphore(%arg11 : memref<!tpu.dma_semaphore, #tpu.memory_space<semaphore_mem>>)
        %dma_start3A_1477 = arith.constant 1664 : i32
        %dma_start3A_1478 = arith.constant 0 : i32
        %dma_start3A_1479 = tpu.memref_slice %arg7[%dma_start3A_1477, %dma_start3A_1478] : memref<3200x16xf32, #tpu.memory_space<vmem>> -> memref<128x16xf32, #tpu.memory_space<vmem>>
        %dma_start3A_1480 = arith.constant 0 : i32
        %dma_start3A_1481 = tpu.memref_slice %arg6[%add3A_1315, %dma_start3A_1480] : memref<200x128xi32, #tpu.memory_space<vmem>> -> memref<1x128xi32, #tpu.memory_space<vmem>>
        %dma_start3A_1482 = tpu.memref_squeeze %dma_start3A_1481 : memref<1x128xi32, #tpu.memory_space<vmem>> -> memref<128xi32, #tpu.memory_space<vmem>>
        %dma_start3A_1483 = arith.constant 0 : i32
        %dma_start3A_1484 = arith.constant 0 : i32
        %dma_start3A_1485 = tpu.memref_slice %arg3[%dma_start3A_1483, %dma_start3A_1484] : memref<30528x16xf32, #tpu.memory_space<hbm>> -> memref<30528x16xf32, #tpu.memory_space<hbm>>
        tpu.enqueue_indirect_dma source(%dma_start3A_1485 : memref<30528x16xf32, #tpu.memory_space<hbm>>) target(%dma_start3A_1479 : memref<128x16xf32, #tpu.memory_space<vmem>>) offsets(%dma_start3A_1482 : memref<128xi32, #tpu.memory_space<vmem>>) semaphore(%arg11 : memref<!tpu.dma_semaphore, #tpu.memory_space<semaphore_mem>>)
        %dma_start3A_1486 = arith.constant 1792 : i32
        %dma_start3A_1487 = arith.constant 0 : i32
        %dma_start3A_1488 = tpu.memref_slice %arg7[%dma_start3A_1486, %dma_start3A_1487] : memref<3200x16xf32, #tpu.memory_space<vmem>> -> memref<128x16xf32, #tpu.memory_space<vmem>>
        %dma_start3A_1489 = arith.constant 0 : i32
        %dma_start3A_1490 = tpu.memref_slice %arg6[%add3A_1319, %dma_start3A_1489] : memref<200x128xi32, #tpu.memory_space<vmem>> -> memref<1x128xi32, #tpu.memory_space<vmem>>
        %dma_start3A_1491 = tpu.memref_squeeze %dma_start3A_1490 : memref<1x128xi32, #tpu.memory_space<vmem>> -> memref<128xi32, #tpu.memory_space<vmem>>
        %dma_start3A_1492 = arith.constant 0 : i32
        %dma_start3A_1493 = arith.constant 0 : i32
        %dma_start3A_1494 = tpu.memref_slice %arg3[%dma_start3A_1492, %dma_start3A_1493] : memref<30528x16xf32, #tpu.memory_space<hbm>> -> memref<30528x16xf32, #tpu.memory_space<hbm>>
        tpu.enqueue_indirect_dma source(%dma_start3A_1494 : memref<30528x16xf32, #tpu.memory_space<hbm>>) target(%dma_start3A_1488 : memref<128x16xf32, #tpu.memory_space<vmem>>) offsets(%dma_start3A_1491 : memref<128xi32, #tpu.memory_space<vmem>>) semaphore(%arg11 : memref<!tpu.dma_semaphore, #tpu.memory_space<semaphore_mem>>)
        %dma_start3A_1495 = arith.constant 1920 : i32
        %dma_start3A_1496 = arith.constant 0 : i32
        %dma_start3A_1497 = tpu.memref_slice %arg7[%dma_start3A_1495, %dma_start3A_1496] : memref<3200x16xf32, #tpu.memory_space<vmem>> -> memref<128x16xf32, #tpu.memory_space<vmem>>
        %dma_start3A_1498 = arith.constant 0 : i32
        %dma_start3A_1499 = tpu.memref_slice %arg6[%add3A_1323, %dma_start3A_1498] : memref<200x128xi32, #tpu.memory_space<vmem>> -> memref<1x128xi32, #tpu.memory_space<vmem>>
        %dma_start3A_1500 = tpu.memref_squeeze %dma_start3A_1499 : memref<1x128xi32, #tpu.memory_space<vmem>> -> memref<128xi32, #tpu.memory_space<vmem>>
        %dma_start3A_1501 = arith.constant 0 : i32
        %dma_start3A_1502 = arith.constant 0 : i32
        %dma_start3A_1503 = tpu.memref_slice %arg3[%dma_start3A_1501, %dma_start3A_1502] : memref<30528x16xf32, #tpu.memory_space<hbm>> -> memref<30528x16xf32, #tpu.memory_space<hbm>>
        tpu.enqueue_indirect_dma source(%dma_start3A_1503 : memref<30528x16xf32, #tpu.memory_space<hbm>>) target(%dma_start3A_1497 : memref<128x16xf32, #tpu.memory_space<vmem>>) offsets(%dma_start3A_1500 : memref<128xi32, #tpu.memory_space<vmem>>) semaphore(%arg11 : memref<!tpu.dma_semaphore, #tpu.memory_space<semaphore_mem>>)
        %dma_start3A_1504 = arith.constant 2048 : i32
        %dma_start3A_1505 = arith.constant 0 : i32
        %dma_start3A_1506 = tpu.memref_slice %arg7[%dma_start3A_1504, %dma_start3A_1505] : memref<3200x16xf32, #tpu.memory_space<vmem>> -> memref<128x16xf32, #tpu.memory_space<vmem>>
        %dma_start3A_1507 = arith.constant 0 : i32
        %dma_start3A_1508 = tpu.memref_slice %arg6[%add3A_1327, %dma_start3A_1507] : memref<200x128xi32, #tpu.memory_space<vmem>> -> memref<1x128xi32, #tpu.memory_space<vmem>>
        %dma_start3A_1509 = tpu.memref_squeeze %dma_start3A_1508 : memref<1x128xi32, #tpu.memory_space<vmem>> -> memref<128xi32, #tpu.memory_space<vmem>>
        %dma_start3A_1510 = arith.constant 0 : i32
        %dma_start3A_1511 = arith.constant 0 : i32
        %dma_start3A_1512 = tpu.memref_slice %arg3[%dma_start3A_1510, %dma_start3A_1511] : memref<30528x16xf32, #tpu.memory_space<hbm>> -> memref<30528x16xf32, #tpu.memory_space<hbm>>
        tpu.enqueue_indirect_dma source(%dma_start3A_1512 : memref<30528x16xf32, #tpu.memory_space<hbm>>) target(%dma_start3A_1506 : memref<128x16xf32, #tpu.memory_space<vmem>>) offsets(%dma_start3A_1509 : memref<128xi32, #tpu.memory_space<vmem>>) semaphore(%arg11 : memref<!tpu.dma_semaphore, #tpu.memory_space<semaphore_mem>>)
        %dma_start3A_1513 = arith.constant 2176 : i32
        %dma_start3A_1514 = arith.constant 0 : i32
        %dma_start3A_1515 = tpu.memref_slice %arg7[%dma_start3A_1513, %dma_start3A_1514] : memref<3200x16xf32, #tpu.memory_space<vmem>> -> memref<128x16xf32, #tpu.memory_space<vmem>>
        %dma_start3A_1516 = arith.constant 0 : i32
        %dma_start3A_1517 = tpu.memref_slice %arg6[%add3A_1331, %dma_start3A_1516] : memref<200x128xi32, #tpu.memory_space<vmem>> -> memref<1x128xi32, #tpu.memory_space<vmem>>
        %dma_start3A_1518 = tpu.memref_squeeze %dma_start3A_1517 : memref<1x128xi32, #tpu.memory_space<vmem>> -> memref<128xi32, #tpu.memory_space<vmem>>
        %dma_start3A_1519 = arith.constant 0 : i32
        %dma_start3A_1520 = arith.constant 0 : i32
        %dma_start3A_1521 = tpu.memref_slice %arg3[%dma_start3A_1519, %dma_start3A_1520] : memref<30528x16xf32, #tpu.memory_space<hbm>> -> memref<30528x16xf32, #tpu.memory_space<hbm>>
        tpu.enqueue_indirect_dma source(%dma_start3A_1521 : memref<30528x16xf32, #tpu.memory_space<hbm>>) target(%dma_start3A_1515 : memref<128x16xf32, #tpu.memory_space<vmem>>) offsets(%dma_start3A_1518 : memref<128xi32, #tpu.memory_space<vmem>>) semaphore(%arg11 : memref<!tpu.dma_semaphore, #tpu.memory_space<semaphore_mem>>)
        %dma_start3A_1522 = arith.constant 2304 : i32
        %dma_start3A_1523 = arith.constant 0 : i32
        %dma_start3A_1524 = tpu.memref_slice %arg7[%dma_start3A_1522, %dma_start3A_1523] : memref<3200x16xf32, #tpu.memory_space<vmem>> -> memref<128x16xf32, #tpu.memory_space<vmem>>
        %dma_start3A_1525 = arith.constant 0 : i32
        %dma_start3A_1526 = tpu.memref_slice %arg6[%add3A_1335, %dma_start3A_1525] : memref<200x128xi32, #tpu.memory_space<vmem>> -> memref<1x128xi32, #tpu.memory_space<vmem>>
        %dma_start3A_1527 = tpu.memref_squeeze %dma_start3A_1526 : memref<1x128xi32, #tpu.memory_space<vmem>> -> memref<128xi32, #tpu.memory_space<vmem>>
        %dma_start3A_1528 = arith.constant 0 : i32
        %dma_start3A_1529 = arith.constant 0 : i32
        %dma_start3A_1530 = tpu.memref_slice %arg3[%dma_start3A_1528, %dma_start3A_1529] : memref<30528x16xf32, #tpu.memory_space<hbm>> -> memref<30528x16xf32, #tpu.memory_space<hbm>>
        tpu.enqueue_indirect_dma source(%dma_start3A_1530 : memref<30528x16xf32, #tpu.memory_space<hbm>>) target(%dma_start3A_1524 : memref<128x16xf32, #tpu.memory_space<vmem>>) offsets(%dma_start3A_1527 : memref<128xi32, #tpu.memory_space<vmem>>) semaphore(%arg11 : memref<!tpu.dma_semaphore, #tpu.memory_space<semaphore_mem>>)
        %dma_start3A_1531 = arith.constant 2432 : i32
        %dma_start3A_1532 = arith.constant 0 : i32
        %dma_start3A_1533 = tpu.memref_slice %arg7[%dma_start3A_1531, %dma_start3A_1532] : memref<3200x16xf32, #tpu.memory_space<vmem>> -> memref<128x16xf32, #tpu.memory_space<vmem>>
        %dma_start3A_1534 = arith.constant 0 : i32
        %dma_start3A_1535 = tpu.memref_slice %arg6[%add3A_1339, %dma_start3A_1534] : memref<200x128xi32, #tpu.memory_space<vmem>> -> memref<1x128xi32, #tpu.memory_space<vmem>>
        %dma_start3A_1536 = tpu.memref_squeeze %dma_start3A_1535 : memref<1x128xi32, #tpu.memory_space<vmem>> -> memref<128xi32, #tpu.memory_space<vmem>>
        %dma_start3A_1537 = arith.constant 0 : i32
        %dma_start3A_1538 = arith.constant 0 : i32
        %dma_start3A_1539 = tpu.memref_slice %arg3[%dma_start3A_1537, %dma_start3A_1538] : memref<30528x16xf32, #tpu.memory_space<hbm>> -> memref<30528x16xf32, #tpu.memory_space<hbm>>
        tpu.enqueue_indirect_dma source(%dma_start3A_1539 : memref<30528x16xf32, #tpu.memory_space<hbm>>) target(%dma_start3A_1533 : memref<128x16xf32, #tpu.memory_space<vmem>>) offsets(%dma_start3A_1536 : memref<128xi32, #tpu.memory_space<vmem>>) semaphore(%arg11 : memref<!tpu.dma_semaphore, #tpu.memory_space<semaphore_mem>>)
        %dma_start3A_1540 = arith.constant 2560 : i32
        %dma_start3A_1541 = arith.constant 0 : i32
        %dma_start3A_1542 = tpu.memref_slice %arg7[%dma_start3A_1540, %dma_start3A_1541] : memref<3200x16xf32, #tpu.memory_space<vmem>> -> memref<128x16xf32, #tpu.memory_space<vmem>>
        %dma_start3A_1543 = arith.constant 0 : i32
        %dma_start3A_1544 = tpu.memref_slice %arg6[%add3A_1343, %dma_start3A_1543] : memref<200x128xi32, #tpu.memory_space<vmem>> -> memref<1x128xi32, #tpu.memory_space<vmem>>
        %dma_start3A_1545 = tpu.memref_squeeze %dma_start3A_1544 : memref<1x128xi32, #tpu.memory_space<vmem>> -> memref<128xi32, #tpu.memory_space<vmem>>
        %dma_start3A_1546 = arith.constant 0 : i32
        %dma_start3A_1547 = arith.constant 0 : i32
        %dma_start3A_1548 = tpu.memref_slice %arg3[%dma_start3A_1546, %dma_start3A_1547] : memref<30528x16xf32, #tpu.memory_space<hbm>> -> memref<30528x16xf32, #tpu.memory_space<hbm>>
        tpu.enqueue_indirect_dma source(%dma_start3A_1548 : memref<30528x16xf32, #tpu.memory_space<hbm>>) target(%dma_start3A_1542 : memref<128x16xf32, #tpu.memory_space<vmem>>) offsets(%dma_start3A_1545 : memref<128xi32, #tpu.memory_space<vmem>>) semaphore(%arg11 : memref<!tpu.dma_semaphore, #tpu.memory_space<semaphore_mem>>)
        %dma_start3A_1549 = arith.constant 2688 : i32
        %dma_start3A_1550 = arith.constant 0 : i32
        %dma_start3A_1551 = tpu.memref_slice %arg7[%dma_start3A_1549, %dma_start3A_1550] : memref<3200x16xf32, #tpu.memory_space<vmem>> -> memref<128x16xf32, #tpu.memory_space<vmem>>
        %dma_start3A_1552 = arith.constant 0 : i32
        %dma_start3A_1553 = tpu.memref_slice %arg6[%add3A_1347, %dma_start3A_1552] : memref<200x128xi32, #tpu.memory_space<vmem>> -> memref<1x128xi32, #tpu.memory_space<vmem>>
        %dma_start3A_1554 = tpu.memref_squeeze %dma_start3A_1553 : memref<1x128xi32, #tpu.memory_space<vmem>> -> memref<128xi32, #tpu.memory_space<vmem>>
        %dma_start3A_1555 = arith.constant 0 : i32
        %dma_start3A_1556 = arith.constant 0 : i32
        %dma_start3A_1557 = tpu.memref_slice %arg3[%dma_start3A_1555, %dma_start3A_1556] : memref<30528x16xf32, #tpu.memory_space<hbm>> -> memref<30528x16xf32, #tpu.memory_space<hbm>>
        tpu.enqueue_indirect_dma source(%dma_start3A_1557 : memref<30528x16xf32, #tpu.memory_space<hbm>>) target(%dma_start3A_1551 : memref<128x16xf32, #tpu.memory_space<vmem>>) offsets(%dma_start3A_1554 : memref<128xi32, #tpu.memory_space<vmem>>) semaphore(%arg11 : memref<!tpu.dma_semaphore, #tpu.memory_space<semaphore_mem>>)
        %dma_start3A_1558 = arith.constant 2816 : i32
        %dma_start3A_1559 = arith.constant 0 : i32
        %dma_start3A_1560 = tpu.memref_slice %arg7[%dma_start3A_1558, %dma_start3A_1559] : memref<3200x16xf32, #tpu.memory_space<vmem>> -> memref<128x16xf32, #tpu.memory_space<vmem>>
        %dma_start3A_1561 = arith.constant 0 : i32
        %dma_start3A_1562 = tpu.memref_slice %arg6[%add3A_1351, %dma_start3A_1561] : memref<200x128xi32, #tpu.memory_space<vmem>> -> memref<1x128xi32, #tpu.memory_space<vmem>>
        %dma_start3A_1563 = tpu.memref_squeeze %dma_start3A_1562 : memref<1x128xi32, #tpu.memory_space<vmem>> -> memref<128xi32, #tpu.memory_space<vmem>>
        %dma_start3A_1564 = arith.constant 0 : i32
        %dma_start3A_1565 = arith.constant 0 : i32
        %dma_start3A_1566 = tpu.memref_slice %arg3[%dma_start3A_1564, %dma_start3A_1565] : memref<30528x16xf32, #tpu.memory_space<hbm>> -> memref<30528x16xf32, #tpu.memory_space<hbm>>
        tpu.enqueue_indirect_dma source(%dma_start3A_1566 : memref<30528x16xf32, #tpu.memory_space<hbm>>) target(%dma_start3A_1560 : memref<128x16xf32, #tpu.memory_space<vmem>>) offsets(%dma_start3A_1563 : memref<128xi32, #tpu.memory_space<vmem>>) semaphore(%arg11 : memref<!tpu.dma_semaphore, #tpu.memory_space<semaphore_mem>>)
        %dma_start3A_1567 = arith.constant 2944 : i32
        %dma_start3A_1568 = arith.constant 0 : i32
        %dma_start3A_1569 = tpu.memref_slice %arg7[%dma_start3A_1567, %dma_start3A_1568] : memref<3200x16xf32, #tpu.memory_space<vmem>> -> memref<128x16xf32, #tpu.memory_space<vmem>>
        %dma_start3A_1570 = arith.constant 0 : i32
        %dma_start3A_1571 = tpu.memref_slice %arg6[%add3A_1355, %dma_start3A_1570] : memref<200x128xi32, #tpu.memory_space<vmem>> -> memref<1x128xi32, #tpu.memory_space<vmem>>
        %dma_start3A_1572 = tpu.memref_squeeze %dma_start3A_1571 : memref<1x128xi32, #tpu.memory_space<vmem>> -> memref<128xi32, #tpu.memory_space<vmem>>
        %dma_start3A_1573 = arith.constant 0 : i32
        %dma_start3A_1574 = arith.constant 0 : i32
        %dma_start3A_1575 = tpu.memref_slice %arg3[%dma_start3A_1573, %dma_start3A_1574] : memref<30528x16xf32, #tpu.memory_space<hbm>> -> memref<30528x16xf32, #tpu.memory_space<hbm>>
        tpu.enqueue_indirect_dma source(%dma_start3A_1575 : memref<30528x16xf32, #tpu.memory_space<hbm>>) target(%dma_start3A_1569 : memref<128x16xf32, #tpu.memory_space<vmem>>) offsets(%dma_start3A_1572 : memref<128xi32, #tpu.memory_space<vmem>>) semaphore(%arg11 : memref<!tpu.dma_semaphore, #tpu.memory_space<semaphore_mem>>)
        %dma_start3A_1576 = arith.constant 3072 : i32
        %dma_start3A_1577 = arith.constant 0 : i32
        %dma_start3A_1578 = tpu.memref_slice %arg7[%dma_start3A_1576, %dma_start3A_1577] : memref<3200x16xf32, #tpu.memory_space<vmem>> -> memref<128x16xf32, #tpu.memory_space<vmem>>
        %dma_start3A_1579 = arith.constant 0 : i32
        %dma_start3A_1580 = tpu.memref_slice %arg6[%add3A_1359, %dma_start3A_1579] : memref<200x128xi32, #tpu.memory_space<vmem>> -> memref<1x128xi32, #tpu.memory_space<vmem>>
        %dma_start3A_1581 = tpu.memref_squeeze %dma_start3A_1580 : memref<1x128xi32, #tpu.memory_space<vmem>> -> memref<128xi32, #tpu.memory_space<vmem>>
        %dma_start3A_1582 = arith.constant 0 : i32
        %dma_start3A_1583 = arith.constant 0 : i32
        %dma_start3A_1584 = tpu.memref_slice %arg3[%dma_start3A_1582, %dma_start3A_1583] : memref<30528x16xf32, #tpu.memory_space<hbm>> -> memref<30528x16xf32, #tpu.memory_space<hbm>>
        tpu.enqueue_indirect_dma source(%dma_start3A_1584 : memref<30528x16xf32, #tpu.memory_space<hbm>>) target(%dma_start3A_1578 : memref<128x16xf32, #tpu.memory_space<vmem>>) offsets(%dma_start3A_1581 : memref<128xi32, #tpu.memory_space<vmem>>) semaphore(%arg11 : memref<!tpu.dma_semaphore, #tpu.memory_space<semaphore_mem>>)
      } else {
      }
      %add3A_925 = arith.constant 1 : i32
      %add3A_926 = arith.addi %mul3A_265, %add3A_925 : i32
      %mul3A_927 = arith.constant 25 : i32
      %mul3A_928 = arith.muli %add3A_926, %mul3A_927 : i32
      %add3A_929 = arith.constant 0 : i32
      %add3A_930 = arith.addi %mul3A_928, %add3A_929 : i32
      %mul3A_931 = arith.constant 25 : i32
      %mul3A_932 = arith.muli %add3A_926, %mul3A_931 : i32
      %add3A_933 = arith.constant 1 : i32
      %add3A_934 = arith.addi %mul3A_932, %add3A_933 : i32
      %mul3A_935 = arith.constant 25 : i32
      %mul3A_936 = arith.muli %add3A_926, %mul3A_935 : i32
      %add3A_937 = arith.constant 2 : i32
      %add3A_938 = arith.addi %mul3A_936, %add3A_937 : i32
      %mul3A_939 = arith.constant 25 : i32
      %mul3A_940 = arith.muli %add3A_926, %mul3A_939 : i32
      %add3A_941 = arith.constant 3 : i32
      %add3A_942 = arith.addi %mul3A_940, %add3A_941 : i32
      %mul3A_943 = arith.constant 25 : i32
      %mul3A_944 = arith.muli %add3A_926, %mul3A_943 : i32
      %add3A_945 = arith.constant 4 : i32
      %add3A_946 = arith.addi %mul3A_944, %add3A_945 : i32
      %mul3A_947 = arith.constant 25 : i32
      %mul3A_948 = arith.muli %add3A_926, %mul3A_947 : i32
      %add3A_949 = arith.constant 5 : i32
      %add3A_950 = arith.addi %mul3A_948, %add3A_949 : i32
      %mul3A_951 = arith.constant 25 : i32
      %mul3A_952 = arith.muli %add3A_926, %mul3A_951 : i32
      %add3A_953 = arith.constant 6 : i32
      %add3A_954 = arith.addi %mul3A_952, %add3A_953 : i32
      %mul3A_955 = arith.constant 25 : i32
      %mul3A_956 = arith.muli %add3A_926, %mul3A_955 : i32
      %add3A_957 = arith.constant 7 : i32
      %add3A_958 = arith.addi %mul3A_956, %add3A_957 : i32
      %mul3A_959 = arith.constant 25 : i32
      %mul3A_960 = arith.muli %add3A_926, %mul3A_959 : i32
      %add3A_961 = arith.constant 8 : i32
      %add3A_962 = arith.addi %mul3A_960, %add3A_961 : i32
      %mul3A_963 = arith.constant 25 : i32
      %mul3A_964 = arith.muli %add3A_926, %mul3A_963 : i32
      %add3A_965 = arith.constant 9 : i32
      %add3A_966 = arith.addi %mul3A_964, %add3A_965 : i32
      %mul3A_967 = arith.constant 25 : i32
      %mul3A_968 = arith.muli %add3A_926, %mul3A_967 : i32
      %add3A_969 = arith.constant 10 : i32
      %add3A_970 = arith.addi %mul3A_968, %add3A_969 : i32
      %mul3A_971 = arith.constant 25 : i32
      %mul3A_972 = arith.muli %add3A_926, %mul3A_971 : i32
      %add3A_973 = arith.constant 11 : i32
      %add3A_974 = arith.addi %mul3A_972, %add3A_973 : i32
      %mul3A_975 = arith.constant 25 : i32
      %mul3A_976 = arith.muli %add3A_926, %mul3A_975 : i32
      %add3A_977 = arith.constant 12 : i32
      %add3A_978 = arith.addi %mul3A_976, %add3A_977 : i32
      %mul3A_979 = arith.constant 25 : i32
      %mul3A_980 = arith.muli %add3A_926, %mul3A_979 : i32
      %add3A_981 = arith.constant 13 : i32
      %add3A_982 = arith.addi %mul3A_980, %add3A_981 : i32
      %mul3A_983 = arith.constant 25 : i32
      %mul3A_984 = arith.muli %add3A_926, %mul3A_983 : i32
      %add3A_985 = arith.constant 14 : i32
      %add3A_986 = arith.addi %mul3A_984, %add3A_985 : i32
      %mul3A_987 = arith.constant 25 : i32
      %mul3A_988 = arith.muli %add3A_926, %mul3A_987 : i32
      %add3A_989 = arith.constant 15 : i32
      %add3A_990 = arith.addi %mul3A_988, %add3A_989 : i32
      %mul3A_991 = arith.constant 25 : i32
      %mul3A_992 = arith.muli %add3A_926, %mul3A_991 : i32
      %add3A_993 = arith.constant 16 : i32
      %add3A_994 = arith.addi %mul3A_992, %add3A_993 : i32
      %mul3A_995 = arith.constant 25 : i32
      %mul3A_996 = arith.muli %add3A_926, %mul3A_995 : i32
      %add3A_997 = arith.constant 17 : i32
      %add3A_998 = arith.addi %mul3A_996, %add3A_997 : i32
      %mul3A_999 = arith.constant 25 : i32
      %mul3A_1000 = arith.muli %add3A_926, %mul3A_999 : i32
      %add3A_1001 = arith.constant 18 : i32
      %add3A_1002 = arith.addi %mul3A_1000, %add3A_1001 : i32
      %mul3A_1003 = arith.constant 25 : i32
      %mul3A_1004 = arith.muli %add3A_926, %mul3A_1003 : i32
      %add3A_1005 = arith.constant 19 : i32
      %add3A_1006 = arith.addi %mul3A_1004, %add3A_1005 : i32
      %mul3A_1007 = arith.constant 25 : i32
      %mul3A_1008 = arith.muli %add3A_926, %mul3A_1007 : i32
      %add3A_1009 = arith.constant 20 : i32
      %add3A_1010 = arith.addi %mul3A_1008, %add3A_1009 : i32
      %mul3A_1011 = arith.constant 25 : i32
      %mul3A_1012 = arith.muli %add3A_926, %mul3A_1011 : i32
      %add3A_1013 = arith.constant 21 : i32
      %add3A_1014 = arith.addi %mul3A_1012, %add3A_1013 : i32
      %mul3A_1015 = arith.constant 25 : i32
      %mul3A_1016 = arith.muli %add3A_926, %mul3A_1015 : i32
      %add3A_1017 = arith.constant 22 : i32
      %add3A_1018 = arith.addi %mul3A_1016, %add3A_1017 : i32
      %mul3A_1019 = arith.constant 25 : i32
      %mul3A_1020 = arith.muli %add3A_926, %mul3A_1019 : i32
      %add3A_1021 = arith.constant 23 : i32
      %add3A_1022 = arith.addi %mul3A_1020, %add3A_1021 : i32
      %mul3A_1023 = arith.constant 25 : i32
      %mul3A_1024 = arith.muli %add3A_926, %mul3A_1023 : i32
      %add3A_1025 = arith.constant 24 : i32
      %add3A_1026 = arith.addi %mul3A_1024, %add3A_1025 : i32
      %dma_wait3A_1027 = arith.constant 0 : i32
      %dma_wait3A_1028 = arith.constant 0 : i32
      %dma_wait3A_1029 = tpu.memref_slice %arg8[%dma_wait3A_1027, %dma_wait3A_1028] : memref<3200x16xf32, #tpu.memory_space<vmem>> -> memref<128x16xf32, #tpu.memory_space<vmem>>
      %dma_wait3A_1030 = arith.constant 0 : i32
      %dma_wait3A_1031 = tpu.memref_slice %arg6[%add3A_930, %dma_wait3A_1030] : memref<200x128xi32, #tpu.memory_space<vmem>> -> memref<1x128xi32, #tpu.memory_space<vmem>>
      %dma_wait3A_1032 = tpu.memref_squeeze %dma_wait3A_1031 : memref<1x128xi32, #tpu.memory_space<vmem>> -> memref<128xi32, #tpu.memory_space<vmem>>
      %dma_wait3A_1033 = arith.constant 0 : i32
      %dma_wait3A_1034 = arith.constant 0 : i32
      %dma_wait3A_1035 = tpu.memref_slice %arg3[%dma_wait3A_1033, %dma_wait3A_1034] : memref<30528x16xf32, #tpu.memory_space<hbm>> -> memref<30528x16xf32, #tpu.memory_space<hbm>>
      tpu.wait_indirect_dma semaphore(%arg12 : memref<!tpu.dma_semaphore, #tpu.memory_space<semaphore_mem>>) src(%dma_wait3A_1035 : memref<30528x16xf32, #tpu.memory_space<hbm>>) dst(%dma_wait3A_1029 : memref<128x16xf32, #tpu.memory_space<vmem>>)
      %dma_wait3A_1036 = arith.constant 128 : i32
      %dma_wait3A_1037 = arith.constant 0 : i32
      %dma_wait3A_1038 = tpu.memref_slice %arg8[%dma_wait3A_1036, %dma_wait3A_1037] : memref<3200x16xf32, #tpu.memory_space<vmem>> -> memref<128x16xf32, #tpu.memory_space<vmem>>
      %dma_wait3A_1039 = arith.constant 0 : i32
      %dma_wait3A_1040 = tpu.memref_slice %arg6[%add3A_934, %dma_wait3A_1039] : memref<200x128xi32, #tpu.memory_space<vmem>> -> memref<1x128xi32, #tpu.memory_space<vmem>>
      %dma_wait3A_1041 = tpu.memref_squeeze %dma_wait3A_1040 : memref<1x128xi32, #tpu.memory_space<vmem>> -> memref<128xi32, #tpu.memory_space<vmem>>
      %dma_wait3A_1042 = arith.constant 0 : i32
      %dma_wait3A_1043 = arith.constant 0 : i32
      %dma_wait3A_1044 = tpu.memref_slice %arg3[%dma_wait3A_1042, %dma_wait3A_1043] : memref<30528x16xf32, #tpu.memory_space<hbm>> -> memref<30528x16xf32, #tpu.memory_space<hbm>>
      tpu.wait_indirect_dma semaphore(%arg12 : memref<!tpu.dma_semaphore, #tpu.memory_space<semaphore_mem>>) src(%dma_wait3A_1044 : memref<30528x16xf32, #tpu.memory_space<hbm>>) dst(%dma_wait3A_1038 : memref<128x16xf32, #tpu.memory_space<vmem>>)
      %dma_wait3A_1045 = arith.constant 256 : i32
      %dma_wait3A_1046 = arith.constant 0 : i32
      %dma_wait3A_1047 = tpu.memref_slice %arg8[%dma_wait3A_1045, %dma_wait3A_1046] : memref<3200x16xf32, #tpu.memory_space<vmem>> -> memref<128x16xf32, #tpu.memory_space<vmem>>
      %dma_wait3A_1048 = arith.constant 0 : i32
      %dma_wait3A_1049 = tpu.memref_slice %arg6[%add3A_938, %dma_wait3A_1048] : memref<200x128xi32, #tpu.memory_space<vmem>> -> memref<1x128xi32, #tpu.memory_space<vmem>>
      %dma_wait3A_1050 = tpu.memref_squeeze %dma_wait3A_1049 : memref<1x128xi32, #tpu.memory_space<vmem>> -> memref<128xi32, #tpu.memory_space<vmem>>
      %dma_wait3A_1051 = arith.constant 0 : i32
      %dma_wait3A_1052 = arith.constant 0 : i32
      %dma_wait3A_1053 = tpu.memref_slice %arg3[%dma_wait3A_1051, %dma_wait3A_1052] : memref<30528x16xf32, #tpu.memory_space<hbm>> -> memref<30528x16xf32, #tpu.memory_space<hbm>>
      tpu.wait_indirect_dma semaphore(%arg12 : memref<!tpu.dma_semaphore, #tpu.memory_space<semaphore_mem>>) src(%dma_wait3A_1053 : memref<30528x16xf32, #tpu.memory_space<hbm>>) dst(%dma_wait3A_1047 : memref<128x16xf32, #tpu.memory_space<vmem>>)
      %dma_wait3A_1054 = arith.constant 384 : i32
      %dma_wait3A_1055 = arith.constant 0 : i32
      %dma_wait3A_1056 = tpu.memref_slice %arg8[%dma_wait3A_1054, %dma_wait3A_1055] : memref<3200x16xf32, #tpu.memory_space<vmem>> -> memref<128x16xf32, #tpu.memory_space<vmem>>
      %dma_wait3A_1057 = arith.constant 0 : i32
      %dma_wait3A_1058 = tpu.memref_slice %arg6[%add3A_942, %dma_wait3A_1057] : memref<200x128xi32, #tpu.memory_space<vmem>> -> memref<1x128xi32, #tpu.memory_space<vmem>>
      %dma_wait3A_1059 = tpu.memref_squeeze %dma_wait3A_1058 : memref<1x128xi32, #tpu.memory_space<vmem>> -> memref<128xi32, #tpu.memory_space<vmem>>
      %dma_wait3A_1060 = arith.constant 0 : i32
      %dma_wait3A_1061 = arith.constant 0 : i32
      %dma_wait3A_1062 = tpu.memref_slice %arg3[%dma_wait3A_1060, %dma_wait3A_1061] : memref<30528x16xf32, #tpu.memory_space<hbm>> -> memref<30528x16xf32, #tpu.memory_space<hbm>>
      tpu.wait_indirect_dma semaphore(%arg12 : memref<!tpu.dma_semaphore, #tpu.memory_space<semaphore_mem>>) src(%dma_wait3A_1062 : memref<30528x16xf32, #tpu.memory_space<hbm>>) dst(%dma_wait3A_1056 : memref<128x16xf32, #tpu.memory_space<vmem>>)
      %dma_wait3A_1063 = arith.constant 512 : i32
      %dma_wait3A_1064 = arith.constant 0 : i32
      %dma_wait3A_1065 = tpu.memref_slice %arg8[%dma_wait3A_1063, %dma_wait3A_1064] : memref<3200x16xf32, #tpu.memory_space<vmem>> -> memref<128x16xf32, #tpu.memory_space<vmem>>
      %dma_wait3A_1066 = arith.constant 0 : i32
      %dma_wait3A_1067 = tpu.memref_slice %arg6[%add3A_946, %dma_wait3A_1066] : memref<200x128xi32, #tpu.memory_space<vmem>> -> memref<1x128xi32, #tpu.memory_space<vmem>>
      %dma_wait3A_1068 = tpu.memref_squeeze %dma_wait3A_1067 : memref<1x128xi32, #tpu.memory_space<vmem>> -> memref<128xi32, #tpu.memory_space<vmem>>
      %dma_wait3A_1069 = arith.constant 0 : i32
      %dma_wait3A_1070 = arith.constant 0 : i32
      %dma_wait3A_1071 = tpu.memref_slice %arg3[%dma_wait3A_1069, %dma_wait3A_1070] : memref<30528x16xf32, #tpu.memory_space<hbm>> -> memref<30528x16xf32, #tpu.memory_space<hbm>>
      tpu.wait_indirect_dma semaphore(%arg12 : memref<!tpu.dma_semaphore, #tpu.memory_space<semaphore_mem>>) src(%dma_wait3A_1071 : memref<30528x16xf32, #tpu.memory_space<hbm>>) dst(%dma_wait3A_1065 : memref<128x16xf32, #tpu.memory_space<vmem>>)
      %dma_wait3A_1072 = arith.constant 640 : i32
      %dma_wait3A_1073 = arith.constant 0 : i32
      %dma_wait3A_1074 = tpu.memref_slice %arg8[%dma_wait3A_1072, %dma_wait3A_1073] : memref<3200x16xf32, #tpu.memory_space<vmem>> -> memref<128x16xf32, #tpu.memory_space<vmem>>
      %dma_wait3A_1075 = arith.constant 0 : i32
      %dma_wait3A_1076 = tpu.memref_slice %arg6[%add3A_950, %dma_wait3A_1075] : memref<200x128xi32, #tpu.memory_space<vmem>> -> memref<1x128xi32, #tpu.memory_space<vmem>>
      %dma_wait3A_1077 = tpu.memref_squeeze %dma_wait3A_1076 : memref<1x128xi32, #tpu.memory_space<vmem>> -> memref<128xi32, #tpu.memory_space<vmem>>
      %dma_wait3A_1078 = arith.constant 0 : i32
      %dma_wait3A_1079 = arith.constant 0 : i32
      %dma_wait3A_1080 = tpu.memref_slice %arg3[%dma_wait3A_1078, %dma_wait3A_1079] : memref<30528x16xf32, #tpu.memory_space<hbm>> -> memref<30528x16xf32, #tpu.memory_space<hbm>>
      tpu.wait_indirect_dma semaphore(%arg12 : memref<!tpu.dma_semaphore, #tpu.memory_space<semaphore_mem>>) src(%dma_wait3A_1080 : memref<30528x16xf32, #tpu.memory_space<hbm>>) dst(%dma_wait3A_1074 : memref<128x16xf32, #tpu.memory_space<vmem>>)
      %dma_wait3A_1081 = arith.constant 768 : i32
      %dma_wait3A_1082 = arith.constant 0 : i32
      %dma_wait3A_1083 = tpu.memref_slice %arg8[%dma_wait3A_1081, %dma_wait3A_1082] : memref<3200x16xf32, #tpu.memory_space<vmem>> -> memref<128x16xf32, #tpu.memory_space<vmem>>
      %dma_wait3A_1084 = arith.constant 0 : i32
      %dma_wait3A_1085 = tpu.memref_slice %arg6[%add3A_954, %dma_wait3A_1084] : memref<200x128xi32, #tpu.memory_space<vmem>> -> memref<1x128xi32, #tpu.memory_space<vmem>>
      %dma_wait3A_1086 = tpu.memref_squeeze %dma_wait3A_1085 : memref<1x128xi32, #tpu.memory_space<vmem>> -> memref<128xi32, #tpu.memory_space<vmem>>
      %dma_wait3A_1087 = arith.constant 0 : i32
      %dma_wait3A_1088 = arith.constant 0 : i32
      %dma_wait3A_1089 = tpu.memref_slice %arg3[%dma_wait3A_1087, %dma_wait3A_1088] : memref<30528x16xf32, #tpu.memory_space<hbm>> -> memref<30528x16xf32, #tpu.memory_space<hbm>>
      tpu.wait_indirect_dma semaphore(%arg12 : memref<!tpu.dma_semaphore, #tpu.memory_space<semaphore_mem>>) src(%dma_wait3A_1089 : memref<30528x16xf32, #tpu.memory_space<hbm>>) dst(%dma_wait3A_1083 : memref<128x16xf32, #tpu.memory_space<vmem>>)
      %dma_wait3A_1090 = arith.constant 896 : i32
      %dma_wait3A_1091 = arith.constant 0 : i32
      %dma_wait3A_1092 = tpu.memref_slice %arg8[%dma_wait3A_1090, %dma_wait3A_1091] : memref<3200x16xf32, #tpu.memory_space<vmem>> -> memref<128x16xf32, #tpu.memory_space<vmem>>
      %dma_wait3A_1093 = arith.constant 0 : i32
      %dma_wait3A_1094 = tpu.memref_slice %arg6[%add3A_958, %dma_wait3A_1093] : memref<200x128xi32, #tpu.memory_space<vmem>> -> memref<1x128xi32, #tpu.memory_space<vmem>>
      %dma_wait3A_1095 = tpu.memref_squeeze %dma_wait3A_1094 : memref<1x128xi32, #tpu.memory_space<vmem>> -> memref<128xi32, #tpu.memory_space<vmem>>
      %dma_wait3A_1096 = arith.constant 0 : i32
      %dma_wait3A_1097 = arith.constant 0 : i32
      %dma_wait3A_1098 = tpu.memref_slice %arg3[%dma_wait3A_1096, %dma_wait3A_1097] : memref<30528x16xf32, #tpu.memory_space<hbm>> -> memref<30528x16xf32, #tpu.memory_space<hbm>>
      tpu.wait_indirect_dma semaphore(%arg12 : memref<!tpu.dma_semaphore, #tpu.memory_space<semaphore_mem>>) src(%dma_wait3A_1098 : memref<30528x16xf32, #tpu.memory_space<hbm>>) dst(%dma_wait3A_1092 : memref<128x16xf32, #tpu.memory_space<vmem>>)
      %dma_wait3A_1099 = arith.constant 1024 : i32
      %dma_wait3A_1100 = arith.constant 0 : i32
      %dma_wait3A_1101 = tpu.memref_slice %arg8[%dma_wait3A_1099, %dma_wait3A_1100] : memref<3200x16xf32, #tpu.memory_space<vmem>> -> memref<128x16xf32, #tpu.memory_space<vmem>>
      %dma_wait3A_1102 = arith.constant 0 : i32
      %dma_wait3A_1103 = tpu.memref_slice %arg6[%add3A_962, %dma_wait3A_1102] : memref<200x128xi32, #tpu.memory_space<vmem>> -> memref<1x128xi32, #tpu.memory_space<vmem>>
      %dma_wait3A_1104 = tpu.memref_squeeze %dma_wait3A_1103 : memref<1x128xi32, #tpu.memory_space<vmem>> -> memref<128xi32, #tpu.memory_space<vmem>>
      %dma_wait3A_1105 = arith.constant 0 : i32
      %dma_wait3A_1106 = arith.constant 0 : i32
      %dma_wait3A_1107 = tpu.memref_slice %arg3[%dma_wait3A_1105, %dma_wait3A_1106] : memref<30528x16xf32, #tpu.memory_space<hbm>> -> memref<30528x16xf32, #tpu.memory_space<hbm>>
      tpu.wait_indirect_dma semaphore(%arg12 : memref<!tpu.dma_semaphore, #tpu.memory_space<semaphore_mem>>) src(%dma_wait3A_1107 : memref<30528x16xf32, #tpu.memory_space<hbm>>) dst(%dma_wait3A_1101 : memref<128x16xf32, #tpu.memory_space<vmem>>)
      %dma_wait3A_1108 = arith.constant 1152 : i32
      %dma_wait3A_1109 = arith.constant 0 : i32
      %dma_wait3A_1110 = tpu.memref_slice %arg8[%dma_wait3A_1108, %dma_wait3A_1109] : memref<3200x16xf32, #tpu.memory_space<vmem>> -> memref<128x16xf32, #tpu.memory_space<vmem>>
      %dma_wait3A_1111 = arith.constant 0 : i32
      %dma_wait3A_1112 = tpu.memref_slice %arg6[%add3A_966, %dma_wait3A_1111] : memref<200x128xi32, #tpu.memory_space<vmem>> -> memref<1x128xi32, #tpu.memory_space<vmem>>
      %dma_wait3A_1113 = tpu.memref_squeeze %dma_wait3A_1112 : memref<1x128xi32, #tpu.memory_space<vmem>> -> memref<128xi32, #tpu.memory_space<vmem>>
      %dma_wait3A_1114 = arith.constant 0 : i32
      %dma_wait3A_1115 = arith.constant 0 : i32
      %dma_wait3A_1116 = tpu.memref_slice %arg3[%dma_wait3A_1114, %dma_wait3A_1115] : memref<30528x16xf32, #tpu.memory_space<hbm>> -> memref<30528x16xf32, #tpu.memory_space<hbm>>
      tpu.wait_indirect_dma semaphore(%arg12 : memref<!tpu.dma_semaphore, #tpu.memory_space<semaphore_mem>>) src(%dma_wait3A_1116 : memref<30528x16xf32, #tpu.memory_space<hbm>>) dst(%dma_wait3A_1110 : memref<128x16xf32, #tpu.memory_space<vmem>>)
      %dma_wait3A_1117 = arith.constant 1280 : i32
      %dma_wait3A_1118 = arith.constant 0 : i32
      %dma_wait3A_1119 = tpu.memref_slice %arg8[%dma_wait3A_1117, %dma_wait3A_1118] : memref<3200x16xf32, #tpu.memory_space<vmem>> -> memref<128x16xf32, #tpu.memory_space<vmem>>
      %dma_wait3A_1120 = arith.constant 0 : i32
      %dma_wait3A_1121 = tpu.memref_slice %arg6[%add3A_970, %dma_wait3A_1120] : memref<200x128xi32, #tpu.memory_space<vmem>> -> memref<1x128xi32, #tpu.memory_space<vmem>>
      %dma_wait3A_1122 = tpu.memref_squeeze %dma_wait3A_1121 : memref<1x128xi32, #tpu.memory_space<vmem>> -> memref<128xi32, #tpu.memory_space<vmem>>
      %dma_wait3A_1123 = arith.constant 0 : i32
      %dma_wait3A_1124 = arith.constant 0 : i32
      %dma_wait3A_1125 = tpu.memref_slice %arg3[%dma_wait3A_1123, %dma_wait3A_1124] : memref<30528x16xf32, #tpu.memory_space<hbm>> -> memref<30528x16xf32, #tpu.memory_space<hbm>>
      tpu.wait_indirect_dma semaphore(%arg12 : memref<!tpu.dma_semaphore, #tpu.memory_space<semaphore_mem>>) src(%dma_wait3A_1125 : memref<30528x16xf32, #tpu.memory_space<hbm>>) dst(%dma_wait3A_1119 : memref<128x16xf32, #tpu.memory_space<vmem>>)
      %dma_wait3A_1126 = arith.constant 1408 : i32
      %dma_wait3A_1127 = arith.constant 0 : i32
      %dma_wait3A_1128 = tpu.memref_slice %arg8[%dma_wait3A_1126, %dma_wait3A_1127] : memref<3200x16xf32, #tpu.memory_space<vmem>> -> memref<128x16xf32, #tpu.memory_space<vmem>>
      %dma_wait3A_1129 = arith.constant 0 : i32
      %dma_wait3A_1130 = tpu.memref_slice %arg6[%add3A_974, %dma_wait3A_1129] : memref<200x128xi32, #tpu.memory_space<vmem>> -> memref<1x128xi32, #tpu.memory_space<vmem>>
      %dma_wait3A_1131 = tpu.memref_squeeze %dma_wait3A_1130 : memref<1x128xi32, #tpu.memory_space<vmem>> -> memref<128xi32, #tpu.memory_space<vmem>>
      %dma_wait3A_1132 = arith.constant 0 : i32
      %dma_wait3A_1133 = arith.constant 0 : i32
      %dma_wait3A_1134 = tpu.memref_slice %arg3[%dma_wait3A_1132, %dma_wait3A_1133] : memref<30528x16xf32, #tpu.memory_space<hbm>> -> memref<30528x16xf32, #tpu.memory_space<hbm>>
      tpu.wait_indirect_dma semaphore(%arg12 : memref<!tpu.dma_semaphore, #tpu.memory_space<semaphore_mem>>) src(%dma_wait3A_1134 : memref<30528x16xf32, #tpu.memory_space<hbm>>) dst(%dma_wait3A_1128 : memref<128x16xf32, #tpu.memory_space<vmem>>)
      %dma_wait3A_1135 = arith.constant 1536 : i32
      %dma_wait3A_1136 = arith.constant 0 : i32
      %dma_wait3A_1137 = tpu.memref_slice %arg8[%dma_wait3A_1135, %dma_wait3A_1136] : memref<3200x16xf32, #tpu.memory_space<vmem>> -> memref<128x16xf32, #tpu.memory_space<vmem>>
      %dma_wait3A_1138 = arith.constant 0 : i32
      %dma_wait3A_1139 = tpu.memref_slice %arg6[%add3A_978, %dma_wait3A_1138] : memref<200x128xi32, #tpu.memory_space<vmem>> -> memref<1x128xi32, #tpu.memory_space<vmem>>
      %dma_wait3A_1140 = tpu.memref_squeeze %dma_wait3A_1139 : memref<1x128xi32, #tpu.memory_space<vmem>> -> memref<128xi32, #tpu.memory_space<vmem>>
      %dma_wait3A_1141 = arith.constant 0 : i32
      %dma_wait3A_1142 = arith.constant 0 : i32
      %dma_wait3A_1143 = tpu.memref_slice %arg3[%dma_wait3A_1141, %dma_wait3A_1142] : memref<30528x16xf32, #tpu.memory_space<hbm>> -> memref<30528x16xf32, #tpu.memory_space<hbm>>
      tpu.wait_indirect_dma semaphore(%arg12 : memref<!tpu.dma_semaphore, #tpu.memory_space<semaphore_mem>>) src(%dma_wait3A_1143 : memref<30528x16xf32, #tpu.memory_space<hbm>>) dst(%dma_wait3A_1137 : memref<128x16xf32, #tpu.memory_space<vmem>>)
      %dma_wait3A_1144 = arith.constant 1664 : i32
      %dma_wait3A_1145 = arith.constant 0 : i32
      %dma_wait3A_1146 = tpu.memref_slice %arg8[%dma_wait3A_1144, %dma_wait3A_1145] : memref<3200x16xf32, #tpu.memory_space<vmem>> -> memref<128x16xf32, #tpu.memory_space<vmem>>
      %dma_wait3A_1147 = arith.constant 0 : i32
      %dma_wait3A_1148 = tpu.memref_slice %arg6[%add3A_982, %dma_wait3A_1147] : memref<200x128xi32, #tpu.memory_space<vmem>> -> memref<1x128xi32, #tpu.memory_space<vmem>>
      %dma_wait3A_1149 = tpu.memref_squeeze %dma_wait3A_1148 : memref<1x128xi32, #tpu.memory_space<vmem>> -> memref<128xi32, #tpu.memory_space<vmem>>
      %dma_wait3A_1150 = arith.constant 0 : i32
      %dma_wait3A_1151 = arith.constant 0 : i32
      %dma_wait3A_1152 = tpu.memref_slice %arg3[%dma_wait3A_1150, %dma_wait3A_1151] : memref<30528x16xf32, #tpu.memory_space<hbm>> -> memref<30528x16xf32, #tpu.memory_space<hbm>>
      tpu.wait_indirect_dma semaphore(%arg12 : memref<!tpu.dma_semaphore, #tpu.memory_space<semaphore_mem>>) src(%dma_wait3A_1152 : memref<30528x16xf32, #tpu.memory_space<hbm>>) dst(%dma_wait3A_1146 : memref<128x16xf32, #tpu.memory_space<vmem>>)
      %dma_wait3A_1153 = arith.constant 1792 : i32
      %dma_wait3A_1154 = arith.constant 0 : i32
      %dma_wait3A_1155 = tpu.memref_slice %arg8[%dma_wait3A_1153, %dma_wait3A_1154] : memref<3200x16xf32, #tpu.memory_space<vmem>> -> memref<128x16xf32, #tpu.memory_space<vmem>>
      %dma_wait3A_1156 = arith.constant 0 : i32
      %dma_wait3A_1157 = tpu.memref_slice %arg6[%add3A_986, %dma_wait3A_1156] : memref<200x128xi32, #tpu.memory_space<vmem>> -> memref<1x128xi32, #tpu.memory_space<vmem>>
      %dma_wait3A_1158 = tpu.memref_squeeze %dma_wait3A_1157 : memref<1x128xi32, #tpu.memory_space<vmem>> -> memref<128xi32, #tpu.memory_space<vmem>>
      %dma_wait3A_1159 = arith.constant 0 : i32
      %dma_wait3A_1160 = arith.constant 0 : i32
      %dma_wait3A_1161 = tpu.memref_slice %arg3[%dma_wait3A_1159, %dma_wait3A_1160] : memref<30528x16xf32, #tpu.memory_space<hbm>> -> memref<30528x16xf32, #tpu.memory_space<hbm>>
      tpu.wait_indirect_dma semaphore(%arg12 : memref<!tpu.dma_semaphore, #tpu.memory_space<semaphore_mem>>) src(%dma_wait3A_1161 : memref<30528x16xf32, #tpu.memory_space<hbm>>) dst(%dma_wait3A_1155 : memref<128x16xf32, #tpu.memory_space<vmem>>)
      %dma_wait3A_1162 = arith.constant 1920 : i32
      %dma_wait3A_1163 = arith.constant 0 : i32
      %dma_wait3A_1164 = tpu.memref_slice %arg8[%dma_wait3A_1162, %dma_wait3A_1163] : memref<3200x16xf32, #tpu.memory_space<vmem>> -> memref<128x16xf32, #tpu.memory_space<vmem>>
      %dma_wait3A_1165 = arith.constant 0 : i32
      %dma_wait3A_1166 = tpu.memref_slice %arg6[%add3A_990, %dma_wait3A_1165] : memref<200x128xi32, #tpu.memory_space<vmem>> -> memref<1x128xi32, #tpu.memory_space<vmem>>
      %dma_wait3A_1167 = tpu.memref_squeeze %dma_wait3A_1166 : memref<1x128xi32, #tpu.memory_space<vmem>> -> memref<128xi32, #tpu.memory_space<vmem>>
      %dma_wait3A_1168 = arith.constant 0 : i32
      %dma_wait3A_1169 = arith.constant 0 : i32
      %dma_wait3A_1170 = tpu.memref_slice %arg3[%dma_wait3A_1168, %dma_wait3A_1169] : memref<30528x16xf32, #tpu.memory_space<hbm>> -> memref<30528x16xf32, #tpu.memory_space<hbm>>
      tpu.wait_indirect_dma semaphore(%arg12 : memref<!tpu.dma_semaphore, #tpu.memory_space<semaphore_mem>>) src(%dma_wait3A_1170 : memref<30528x16xf32, #tpu.memory_space<hbm>>) dst(%dma_wait3A_1164 : memref<128x16xf32, #tpu.memory_space<vmem>>)
      %dma_wait3A_1171 = arith.constant 2048 : i32
      %dma_wait3A_1172 = arith.constant 0 : i32
      %dma_wait3A_1173 = tpu.memref_slice %arg8[%dma_wait3A_1171, %dma_wait3A_1172] : memref<3200x16xf32, #tpu.memory_space<vmem>> -> memref<128x16xf32, #tpu.memory_space<vmem>>
      %dma_wait3A_1174 = arith.constant 0 : i32
      %dma_wait3A_1175 = tpu.memref_slice %arg6[%add3A_994, %dma_wait3A_1174] : memref<200x128xi32, #tpu.memory_space<vmem>> -> memref<1x128xi32, #tpu.memory_space<vmem>>
      %dma_wait3A_1176 = tpu.memref_squeeze %dma_wait3A_1175 : memref<1x128xi32, #tpu.memory_space<vmem>> -> memref<128xi32, #tpu.memory_space<vmem>>
      %dma_wait3A_1177 = arith.constant 0 : i32
      %dma_wait3A_1178 = arith.constant 0 : i32
      %dma_wait3A_1179 = tpu.memref_slice %arg3[%dma_wait3A_1177, %dma_wait3A_1178] : memref<30528x16xf32, #tpu.memory_space<hbm>> -> memref<30528x16xf32, #tpu.memory_space<hbm>>
      tpu.wait_indirect_dma semaphore(%arg12 : memref<!tpu.dma_semaphore, #tpu.memory_space<semaphore_mem>>) src(%dma_wait3A_1179 : memref<30528x16xf32, #tpu.memory_space<hbm>>) dst(%dma_wait3A_1173 : memref<128x16xf32, #tpu.memory_space<vmem>>)
      %dma_wait3A_1180 = arith.constant 2176 : i32
      %dma_wait3A_1181 = arith.constant 0 : i32
      %dma_wait3A_1182 = tpu.memref_slice %arg8[%dma_wait3A_1180, %dma_wait3A_1181] : memref<3200x16xf32, #tpu.memory_space<vmem>> -> memref<128x16xf32, #tpu.memory_space<vmem>>
      %dma_wait3A_1183 = arith.constant 0 : i32
      %dma_wait3A_1184 = tpu.memref_slice %arg6[%add3A_998, %dma_wait3A_1183] : memref<200x128xi32, #tpu.memory_space<vmem>> -> memref<1x128xi32, #tpu.memory_space<vmem>>
      %dma_wait3A_1185 = tpu.memref_squeeze %dma_wait3A_1184 : memref<1x128xi32, #tpu.memory_space<vmem>> -> memref<128xi32, #tpu.memory_space<vmem>>
      %dma_wait3A_1186 = arith.constant 0 : i32
      %dma_wait3A_1187 = arith.constant 0 : i32
      %dma_wait3A_1188 = tpu.memref_slice %arg3[%dma_wait3A_1186, %dma_wait3A_1187] : memref<30528x16xf32, #tpu.memory_space<hbm>> -> memref<30528x16xf32, #tpu.memory_space<hbm>>
      tpu.wait_indirect_dma semaphore(%arg12 : memref<!tpu.dma_semaphore, #tpu.memory_space<semaphore_mem>>) src(%dma_wait3A_1188 : memref<30528x16xf32, #tpu.memory_space<hbm>>) dst(%dma_wait3A_1182 : memref<128x16xf32, #tpu.memory_space<vmem>>)
      %dma_wait3A_1189 = arith.constant 2304 : i32
      %dma_wait3A_1190 = arith.constant 0 : i32
      %dma_wait3A_1191 = tpu.memref_slice %arg8[%dma_wait3A_1189, %dma_wait3A_1190] : memref<3200x16xf32, #tpu.memory_space<vmem>> -> memref<128x16xf32, #tpu.memory_space<vmem>>
      %dma_wait3A_1192 = arith.constant 0 : i32
      %dma_wait3A_1193 = tpu.memref_slice %arg6[%add3A_1002, %dma_wait3A_1192] : memref<200x128xi32, #tpu.memory_space<vmem>> -> memref<1x128xi32, #tpu.memory_space<vmem>>
      %dma_wait3A_1194 = tpu.memref_squeeze %dma_wait3A_1193 : memref<1x128xi32, #tpu.memory_space<vmem>> -> memref<128xi32, #tpu.memory_space<vmem>>
      %dma_wait3A_1195 = arith.constant 0 : i32
      %dma_wait3A_1196 = arith.constant 0 : i32
      %dma_wait3A_1197 = tpu.memref_slice %arg3[%dma_wait3A_1195, %dma_wait3A_1196] : memref<30528x16xf32, #tpu.memory_space<hbm>> -> memref<30528x16xf32, #tpu.memory_space<hbm>>
      tpu.wait_indirect_dma semaphore(%arg12 : memref<!tpu.dma_semaphore, #tpu.memory_space<semaphore_mem>>) src(%dma_wait3A_1197 : memref<30528x16xf32, #tpu.memory_space<hbm>>) dst(%dma_wait3A_1191 : memref<128x16xf32, #tpu.memory_space<vmem>>)
      %dma_wait3A_1198 = arith.constant 2432 : i32
      %dma_wait3A_1199 = arith.constant 0 : i32
      %dma_wait3A_1200 = tpu.memref_slice %arg8[%dma_wait3A_1198, %dma_wait3A_1199] : memref<3200x16xf32, #tpu.memory_space<vmem>> -> memref<128x16xf32, #tpu.memory_space<vmem>>
      %dma_wait3A_1201 = arith.constant 0 : i32
      %dma_wait3A_1202 = tpu.memref_slice %arg6[%add3A_1006, %dma_wait3A_1201] : memref<200x128xi32, #tpu.memory_space<vmem>> -> memref<1x128xi32, #tpu.memory_space<vmem>>
      %dma_wait3A_1203 = tpu.memref_squeeze %dma_wait3A_1202 : memref<1x128xi32, #tpu.memory_space<vmem>> -> memref<128xi32, #tpu.memory_space<vmem>>
      %dma_wait3A_1204 = arith.constant 0 : i32
      %dma_wait3A_1205 = arith.constant 0 : i32
      %dma_wait3A_1206 = tpu.memref_slice %arg3[%dma_wait3A_1204, %dma_wait3A_1205] : memref<30528x16xf32, #tpu.memory_space<hbm>> -> memref<30528x16xf32, #tpu.memory_space<hbm>>
      tpu.wait_indirect_dma semaphore(%arg12 : memref<!tpu.dma_semaphore, #tpu.memory_space<semaphore_mem>>) src(%dma_wait3A_1206 : memref<30528x16xf32, #tpu.memory_space<hbm>>) dst(%dma_wait3A_1200 : memref<128x16xf32, #tpu.memory_space<vmem>>)
      %dma_wait3A_1207 = arith.constant 2560 : i32
      %dma_wait3A_1208 = arith.constant 0 : i32
      %dma_wait3A_1209 = tpu.memref_slice %arg8[%dma_wait3A_1207, %dma_wait3A_1208] : memref<3200x16xf32, #tpu.memory_space<vmem>> -> memref<128x16xf32, #tpu.memory_space<vmem>>
      %dma_wait3A_1210 = arith.constant 0 : i32
      %dma_wait3A_1211 = tpu.memref_slice %arg6[%add3A_1010, %dma_wait3A_1210] : memref<200x128xi32, #tpu.memory_space<vmem>> -> memref<1x128xi32, #tpu.memory_space<vmem>>
      %dma_wait3A_1212 = tpu.memref_squeeze %dma_wait3A_1211 : memref<1x128xi32, #tpu.memory_space<vmem>> -> memref<128xi32, #tpu.memory_space<vmem>>
      %dma_wait3A_1213 = arith.constant 0 : i32
      %dma_wait3A_1214 = arith.constant 0 : i32
      %dma_wait3A_1215 = tpu.memref_slice %arg3[%dma_wait3A_1213, %dma_wait3A_1214] : memref<30528x16xf32, #tpu.memory_space<hbm>> -> memref<30528x16xf32, #tpu.memory_space<hbm>>
      tpu.wait_indirect_dma semaphore(%arg12 : memref<!tpu.dma_semaphore, #tpu.memory_space<semaphore_mem>>) src(%dma_wait3A_1215 : memref<30528x16xf32, #tpu.memory_space<hbm>>) dst(%dma_wait3A_1209 : memref<128x16xf32, #tpu.memory_space<vmem>>)
      %dma_wait3A_1216 = arith.constant 2688 : i32
      %dma_wait3A_1217 = arith.constant 0 : i32
      %dma_wait3A_1218 = tpu.memref_slice %arg8[%dma_wait3A_1216, %dma_wait3A_1217] : memref<3200x16xf32, #tpu.memory_space<vmem>> -> memref<128x16xf32, #tpu.memory_space<vmem>>
      %dma_wait3A_1219 = arith.constant 0 : i32
      %dma_wait3A_1220 = tpu.memref_slice %arg6[%add3A_1014, %dma_wait3A_1219] : memref<200x128xi32, #tpu.memory_space<vmem>> -> memref<1x128xi32, #tpu.memory_space<vmem>>
      %dma_wait3A_1221 = tpu.memref_squeeze %dma_wait3A_1220 : memref<1x128xi32, #tpu.memory_space<vmem>> -> memref<128xi32, #tpu.memory_space<vmem>>
      %dma_wait3A_1222 = arith.constant 0 : i32
      %dma_wait3A_1223 = arith.constant 0 : i32
      %dma_wait3A_1224 = tpu.memref_slice %arg3[%dma_wait3A_1222, %dma_wait3A_1223] : memref<30528x16xf32, #tpu.memory_space<hbm>> -> memref<30528x16xf32, #tpu.memory_space<hbm>>
      tpu.wait_indirect_dma semaphore(%arg12 : memref<!tpu.dma_semaphore, #tpu.memory_space<semaphore_mem>>) src(%dma_wait3A_1224 : memref<30528x16xf32, #tpu.memory_space<hbm>>) dst(%dma_wait3A_1218 : memref<128x16xf32, #tpu.memory_space<vmem>>)
      %dma_wait3A_1225 = arith.constant 2816 : i32
      %dma_wait3A_1226 = arith.constant 0 : i32
      %dma_wait3A_1227 = tpu.memref_slice %arg8[%dma_wait3A_1225, %dma_wait3A_1226] : memref<3200x16xf32, #tpu.memory_space<vmem>> -> memref<128x16xf32, #tpu.memory_space<vmem>>
      %dma_wait3A_1228 = arith.constant 0 : i32
      %dma_wait3A_1229 = tpu.memref_slice %arg6[%add3A_1018, %dma_wait3A_1228] : memref<200x128xi32, #tpu.memory_space<vmem>> -> memref<1x128xi32, #tpu.memory_space<vmem>>
      %dma_wait3A_1230 = tpu.memref_squeeze %dma_wait3A_1229 : memref<1x128xi32, #tpu.memory_space<vmem>> -> memref<128xi32, #tpu.memory_space<vmem>>
      %dma_wait3A_1231 = arith.constant 0 : i32
      %dma_wait3A_1232 = arith.constant 0 : i32
      %dma_wait3A_1233 = tpu.memref_slice %arg3[%dma_wait3A_1231, %dma_wait3A_1232] : memref<30528x16xf32, #tpu.memory_space<hbm>> -> memref<30528x16xf32, #tpu.memory_space<hbm>>
      tpu.wait_indirect_dma semaphore(%arg12 : memref<!tpu.dma_semaphore, #tpu.memory_space<semaphore_mem>>) src(%dma_wait3A_1233 : memref<30528x16xf32, #tpu.memory_space<hbm>>) dst(%dma_wait3A_1227 : memref<128x16xf32, #tpu.memory_space<vmem>>)
      %dma_wait3A_1234 = arith.constant 2944 : i32
      %dma_wait3A_1235 = arith.constant 0 : i32
      %dma_wait3A_1236 = tpu.memref_slice %arg8[%dma_wait3A_1234, %dma_wait3A_1235] : memref<3200x16xf32, #tpu.memory_space<vmem>> -> memref<128x16xf32, #tpu.memory_space<vmem>>
      %dma_wait3A_1237 = arith.constant 0 : i32
      %dma_wait3A_1238 = tpu.memref_slice %arg6[%add3A_1022, %dma_wait3A_1237] : memref<200x128xi32, #tpu.memory_space<vmem>> -> memref<1x128xi32, #tpu.memory_space<vmem>>
      %dma_wait3A_1239 = tpu.memref_squeeze %dma_wait3A_1238 : memref<1x128xi32, #tpu.memory_space<vmem>> -> memref<128xi32, #tpu.memory_space<vmem>>
      %dma_wait3A_1240 = arith.constant 0 : i32
      %dma_wait3A_1241 = arith.constant 0 : i32
      %dma_wait3A_1242 = tpu.memref_slice %arg3[%dma_wait3A_1240, %dma_wait3A_1241] : memref<30528x16xf32, #tpu.memory_space<hbm>> -> memref<30528x16xf32, #tpu.memory_space<hbm>>
      tpu.wait_indirect_dma semaphore(%arg12 : memref<!tpu.dma_semaphore, #tpu.memory_space<semaphore_mem>>) src(%dma_wait3A_1242 : memref<30528x16xf32, #tpu.memory_space<hbm>>) dst(%dma_wait3A_1236 : memref<128x16xf32, #tpu.memory_space<vmem>>)
      %dma_wait3A_1243 = arith.constant 3072 : i32
      %dma_wait3A_1244 = arith.constant 0 : i32
      %dma_wait3A_1245 = tpu.memref_slice %arg8[%dma_wait3A_1243, %dma_wait3A_1244] : memref<3200x16xf32, #tpu.memory_space<vmem>> -> memref<128x16xf32, #tpu.memory_space<vmem>>
      %dma_wait3A_1246 = arith.constant 0 : i32
      %dma_wait3A_1247 = tpu.memref_slice %arg6[%add3A_1026, %dma_wait3A_1246] : memref<200x128xi32, #tpu.memory_space<vmem>> -> memref<1x128xi32, #tpu.memory_space<vmem>>
      %dma_wait3A_1248 = tpu.memref_squeeze %dma_wait3A_1247 : memref<1x128xi32, #tpu.memory_space<vmem>> -> memref<128xi32, #tpu.memory_space<vmem>>
      %dma_wait3A_1249 = arith.constant 0 : i32
      %dma_wait3A_1250 = arith.constant 0 : i32
      %dma_wait3A_1251 = tpu.memref_slice %arg3[%dma_wait3A_1249, %dma_wait3A_1250] : memref<30528x16xf32, #tpu.memory_space<hbm>> -> memref<30528x16xf32, #tpu.memory_space<hbm>>
      tpu.wait_indirect_dma semaphore(%arg12 : memref<!tpu.dma_semaphore, #tpu.memory_space<semaphore_mem>>) src(%dma_wait3A_1251 : memref<30528x16xf32, #tpu.memory_space<hbm>>) dst(%dma_wait3A_1245 : memref<128x16xf32, #tpu.memory_space<vmem>>)
      %scan3A_1252 = arith.constant 0 : i32
      %scan3A_1253 = arith.constant 0 : i32
      %scan3A_1254 = arith.constant 64 : i32
      %scan3A_1255 = arith.addi %scan3A_1253, %scan3A_1254 : i32
      %scan3A_1256 = arith.constant 1 : i32
      scf.for %scan3A_1258 = %scan3A_1253 to %scan3A_1255 step %scan3A_1256  : i32 {
        %mul3A_1259 = arith.constant 2 : i32
        %mul3A_1260 = arith.muli %mul3A_1259, %scan3A_1258 : i32
        %add3A_1261 = arith.constant 0 : i32
        %add3A_1262 = arith.addi %mul3A_1260, %add3A_1261 : i32
        %add3A_1263 = arith.constant 0 : i32
        %add3A_1264 = arith.addi %add3A_1263, %add3A_1262 : i32
        %get3A = arith.index_cast %add3A_1264 : i32 to index
        %get3A_1265 = arith.constant 0 : index
        %get3A_1266 = tpu.vector_load %arg8[%get3A, %get3A_1265] {strides = array<i32>} : memref<3200x16xf32, #tpu.memory_space<vmem>>, vector<1x16xf32>,
        %get3A_1267 = vector.shape_cast %get3A_1266 : vector<1x16xf32> to vector<16xf32>
        %add3A_1268 = arith.constant 128 : i32
        %add3A_1269 = arith.addi %add3A_1268, %add3A_1262 : i32
        %get3A_1270 = arith.index_cast %add3A_1269 : i32 to index
        %get3A_1271 = arith.constant 0 : index
        %get3A_1272 = tpu.vector_load %arg8[%get3A_1270, %get3A_1271] {strides = array<i32>} : memref<3200x16xf32, #tpu.memory_space<vmem>>, vector<1x16xf32>,
        %get3A_1273 = vector.shape_cast %get3A_1272 : vector<1x16xf32> to vector<16xf32>
        %add3A_1274 = arith.constant 256 : i32
        %add3A_1275 = arith.addi %add3A_1274, %add3A_1262 : i32
        %get3A_1276 = arith.index_cast %add3A_1275 : i32 to index
        %get3A_1277 = arith.constant 0 : index
        %get3A_1278 = tpu.vector_load %arg8[%get3A_1276, %get3A_1277] {strides = array<i32>} : memref<3200x16xf32, #tpu.memory_space<vmem>>, vector<1x16xf32>,
        %get3A_1279 = vector.shape_cast %get3A_1278 : vector<1x16xf32> to vector<16xf32>
        %add3A_1280 = arith.constant 384 : i32
        %add3A_1281 = arith.addi %add3A_1280, %add3A_1262 : i32
        %get3A_1282 = arith.index_cast %add3A_1281 : i32 to index
        %get3A_1283 = arith.constant 0 : index
        %get3A_1284 = tpu.vector_load %arg8[%get3A_1282, %get3A_1283] {strides = array<i32>} : memref<3200x16xf32, #tpu.memory_space<vmem>>, vector<1x16xf32>,
        %get3A_1285 = vector.shape_cast %get3A_1284 : vector<1x16xf32> to vector<16xf32>
        %add3A_1286 = arith.constant 512 : i32
        %add3A_1287 = arith.addi %add3A_1286, %add3A_1262 : i32
        %get3A_1288 = arith.index_cast %add3A_1287 : i32 to index
        %get3A_1289 = arith.constant 0 : index
        %get3A_1290 = tpu.vector_load %arg8[%get3A_1288, %get3A_1289] {strides = array<i32>} : memref<3200x16xf32, #tpu.memory_space<vmem>>, vector<1x16xf32>,
        %get3A_1291 = vector.shape_cast %get3A_1290 : vector<1x16xf32> to vector<16xf32>
        %add3A_1292 = arith.constant 640 : i32
        %add3A_1293 = arith.addi %add3A_1292, %add3A_1262 : i32
        %get3A_1294 = arith.index_cast %add3A_1293 : i32 to index
        %get3A_1295 = arith.constant 0 : index
        %get3A_1296 = tpu.vector_load %arg8[%get3A_1294, %get3A_1295] {strides = array<i32>} : memref<3200x16xf32, #tpu.memory_space<vmem>>, vector<1x16xf32>,
        %get3A_1297 = vector.shape_cast %get3A_1296 : vector<1x16xf32> to vector<16xf32>
        %add3A_1298 = arith.addf %get3A_1267, %get3A_1297 : vector<16xf32>
        %add3A_1299 = arith.constant 768 : i32
        %add3A_1300 = arith.addi %add3A_1299, %add3A_1262 : i32
        %get3A_1301 = arith.index_cast %add3A_1300 : i32 to index
        %get3A_1302 = arith.constant 0 : index
        %get3A_1303 = tpu.vector_load %arg8[%get3A_1301, %get3A_1302] {strides = array<i32>} : memref<3200x16xf32, #tpu.memory_space<vmem>>, vector<1x16xf32>,
        %get3A_1304 = vector.shape_cast %get3A_1303 : vector<1x16xf32> to vector<16xf32>
        %add3A_1305 = arith.addf %get3A_1273, %get3A_1304 : vector<16xf32>
        %add3A_1306 = arith.constant 896 : i32
        %add3A_1307 = arith.addi %add3A_1306, %add3A_1262 : i32
        %get3A_1308 = arith.index_cast %add3A_1307 : i32 to index
        %get3A_1309 = arith.constant 0 : index
        %get3A_1310 = tpu.vector_load %arg8[%get3A_1308, %get3A_1309] {strides = array<i32>} : memref<3200x16xf32, #tpu.memory_space<vmem>>, vector<1x16xf32>,
        %get3A_1311 = vector.shape_cast %get3A_1310 : vector<1x16xf32> to vector<16xf32>
        %add3A_1312 = arith.addf %get3A_1279, %get3A_1311 : vector<16xf32>
        %add3A_1313 = arith.constant 1024 : i32
        %add3A_1314 = arith.addi %add3A_1313, %add3A_1262 : i32
        %get3A_1315 = arith.index_cast %add3A_1314 : i32 to index
        %get3A_1316 = arith.constant 0 : index
        %get3A_1317 = tpu.vector_load %arg8[%get3A_1315, %get3A_1316] {strides = array<i32>} : memref<3200x16xf32, #tpu.memory_space<vmem>>, vector<1x16xf32>,
        %get3A_1318 = vector.shape_cast %get3A_1317 : vector<1x16xf32> to vector<16xf32>
        %add3A_1319 = arith.addf %get3A_1285, %get3A_1318 : vector<16xf32>
        %add3A_1320 = arith.constant 1152 : i32
        %add3A_1321 = arith.addi %add3A_1320, %add3A_1262 : i32
        %get3A_1322 = arith.index_cast %add3A_1321 : i32 to index
        %get3A_1323 = arith.constant 0 : index
        %get3A_1324 = tpu.vector_load %arg8[%get3A_1322, %get3A_1323] {strides = array<i32>} : memref<3200x16xf32, #tpu.memory_space<vmem>>, vector<1x16xf32>,
        %get3A_1325 = vector.shape_cast %get3A_1324 : vector<1x16xf32> to vector<16xf32>
        %add3A_1326 = arith.addf %get3A_1291, %get3A_1325 : vector<16xf32>
        %add3A_1327 = arith.constant 1280 : i32
        %add3A_1328 = arith.addi %add3A_1327, %add3A_1262 : i32
        %get3A_1329 = arith.index_cast %add3A_1328 : i32 to index
        %get3A_1330 = arith.constant 0 : index
        %get3A_1331 = tpu.vector_load %arg8[%get3A_1329, %get3A_1330] {strides = array<i32>} : memref<3200x16xf32, #tpu.memory_space<vmem>>, vector<1x16xf32>,
        %get3A_1332 = vector.shape_cast %get3A_1331 : vector<1x16xf32> to vector<16xf32>
        %add3A_1333 = arith.addf %add3A_1298, %get3A_1332 : vector<16xf32>
        %add3A_1334 = arith.constant 1408 : i32
        %add3A_1335 = arith.addi %add3A_1334, %add3A_1262 : i32
        %get3A_1336 = arith.index_cast %add3A_1335 : i32 to index
        %get3A_1337 = arith.constant 0 : index
        %get3A_1338 = tpu.vector_load %arg8[%get3A_1336, %get3A_1337] {strides = array<i32>} : memref<3200x16xf32, #tpu.memory_space<vmem>>, vector<1x16xf32>,
        %get3A_1339 = vector.shape_cast %get3A_1338 : vector<1x16xf32> to vector<16xf32>
        %add3A_1340 = arith.addf %add3A_1305, %get3A_1339 : vector<16xf32>
        %add3A_1341 = arith.constant 1536 : i32
        %add3A_1342 = arith.addi %add3A_1341, %add3A_1262 : i32
        %get3A_1343 = arith.index_cast %add3A_1342 : i32 to index
        %get3A_1344 = arith.constant 0 : index
        %get3A_1345 = tpu.vector_load %arg8[%get3A_1343, %get3A_1344] {strides = array<i32>} : memref<3200x16xf32, #tpu.memory_space<vmem>>, vector<1x16xf32>,
        %get3A_1346 = vector.shape_cast %get3A_1345 : vector<1x16xf32> to vector<16xf32>
        %add3A_1347 = arith.addf %add3A_1312, %get3A_1346 : vector<16xf32>
        %add3A_1348 = arith.constant 1664 : i32
        %add3A_1349 = arith.addi %add3A_1348, %add3A_1262 : i32
        %get3A_1350 = arith.index_cast %add3A_1349 : i32 to index
        %get3A_1351 = arith.constant 0 : index
        %get3A_1352 = tpu.vector_load %arg8[%get3A_1350, %get3A_1351] {strides = array<i32>} : memref<3200x16xf32, #tpu.memory_space<vmem>>, vector<1x16xf32>,
        %get3A_1353 = vector.shape_cast %get3A_1352 : vector<1x16xf32> to vector<16xf32>
        %add3A_1354 = arith.addf %add3A_1319, %get3A_1353 : vector<16xf32>
        %add3A_1355 = arith.constant 1792 : i32
        %add3A_1356 = arith.addi %add3A_1355, %add3A_1262 : i32
        %get3A_1357 = arith.index_cast %add3A_1356 : i32 to index
        %get3A_1358 = arith.constant 0 : index
        %get3A_1359 = tpu.vector_load %arg8[%get3A_1357, %get3A_1358] {strides = array<i32>} : memref<3200x16xf32, #tpu.memory_space<vmem>>, vector<1x16xf32>,
        %get3A_1360 = vector.shape_cast %get3A_1359 : vector<1x16xf32> to vector<16xf32>
        %add3A_1361 = arith.addf %add3A_1326, %get3A_1360 : vector<16xf32>
        %add3A_1362 = arith.constant 1920 : i32
        %add3A_1363 = arith.addi %add3A_1362, %add3A_1262 : i32
        %get3A_1364 = arith.index_cast %add3A_1363 : i32 to index
        %get3A_1365 = arith.constant 0 : index
        %get3A_1366 = tpu.vector_load %arg8[%get3A_1364, %get3A_1365] {strides = array<i32>} : memref<3200x16xf32, #tpu.memory_space<vmem>>, vector<1x16xf32>,
        %get3A_1367 = vector.shape_cast %get3A_1366 : vector<1x16xf32> to vector<16xf32>
        %add3A_1368 = arith.addf %add3A_1333, %get3A_1367 : vector<16xf32>
        %add3A_1369 = arith.constant 2048 : i32
        %add3A_1370 = arith.addi %add3A_1369, %add3A_1262 : i32
        %get3A_1371 = arith.index_cast %add3A_1370 : i32 to index
        %get3A_1372 = arith.constant 0 : index
        %get3A_1373 = tpu.vector_load %arg8[%get3A_1371, %get3A_1372] {strides = array<i32>} : memref<3200x16xf32, #tpu.memory_space<vmem>>, vector<1x16xf32>,
        %get3A_1374 = vector.shape_cast %get3A_1373 : vector<1x16xf32> to vector<16xf32>
        %add3A_1375 = arith.addf %add3A_1340, %get3A_1374 : vector<16xf32>
        %add3A_1376 = arith.constant 2176 : i32
        %add3A_1377 = arith.addi %add3A_1376, %add3A_1262 : i32
        %get3A_1378 = arith.index_cast %add3A_1377 : i32 to index
        %get3A_1379 = arith.constant 0 : index
        %get3A_1380 = tpu.vector_load %arg8[%get3A_1378, %get3A_1379] {strides = array<i32>} : memref<3200x16xf32, #tpu.memory_space<vmem>>, vector<1x16xf32>,
        %get3A_1381 = vector.shape_cast %get3A_1380 : vector<1x16xf32> to vector<16xf32>
        %add3A_1382 = arith.addf %add3A_1347, %get3A_1381 : vector<16xf32>
        %add3A_1383 = arith.constant 2304 : i32
        %add3A_1384 = arith.addi %add3A_1383, %add3A_1262 : i32
        %get3A_1385 = arith.index_cast %add3A_1384 : i32 to index
        %get3A_1386 = arith.constant 0 : index
        %get3A_1387 = tpu.vector_load %arg8[%get3A_1385, %get3A_1386] {strides = array<i32>} : memref<3200x16xf32, #tpu.memory_space<vmem>>, vector<1x16xf32>,
        %get3A_1388 = vector.shape_cast %get3A_1387 : vector<1x16xf32> to vector<16xf32>
        %add3A_1389 = arith.addf %add3A_1354, %get3A_1388 : vector<16xf32>
        %add3A_1390 = arith.constant 2432 : i32
        %add3A_1391 = arith.addi %add3A_1390, %add3A_1262 : i32
        %get3A_1392 = arith.index_cast %add3A_1391 : i32 to index
        %get3A_1393 = arith.constant 0 : index
        %get3A_1394 = tpu.vector_load %arg8[%get3A_1392, %get3A_1393] {strides = array<i32>} : memref<3200x16xf32, #tpu.memory_space<vmem>>, vector<1x16xf32>,
        %get3A_1395 = vector.shape_cast %get3A_1394 : vector<1x16xf32> to vector<16xf32>
        %add3A_1396 = arith.addf %add3A_1361, %get3A_1395 : vector<16xf32>
        %add3A_1397 = arith.constant 2560 : i32
        %add3A_1398 = arith.addi %add3A_1397, %add3A_1262 : i32
        %get3A_1399 = arith.index_cast %add3A_1398 : i32 to index
        %get3A_1400 = arith.constant 0 : index
        %get3A_1401 = tpu.vector_load %arg8[%get3A_1399, %get3A_1400] {strides = array<i32>} : memref<3200x16xf32, #tpu.memory_space<vmem>>, vector<1x16xf32>,
        %get3A_1402 = vector.shape_cast %get3A_1401 : vector<1x16xf32> to vector<16xf32>
        %add3A_1403 = arith.addf %add3A_1368, %get3A_1402 : vector<16xf32>
        %add3A_1404 = arith.constant 2688 : i32
        %add3A_1405 = arith.addi %add3A_1404, %add3A_1262 : i32
        %get3A_1406 = arith.index_cast %add3A_1405 : i32 to index
        %get3A_1407 = arith.constant 0 : index
        %get3A_1408 = tpu.vector_load %arg8[%get3A_1406, %get3A_1407] {strides = array<i32>} : memref<3200x16xf32, #tpu.memory_space<vmem>>, vector<1x16xf32>,
        %get3A_1409 = vector.shape_cast %get3A_1408 : vector<1x16xf32> to vector<16xf32>
        %add3A_1410 = arith.addf %add3A_1375, %get3A_1409 : vector<16xf32>
        %add3A_1411 = arith.constant 2816 : i32
        %add3A_1412 = arith.addi %add3A_1411, %add3A_1262 : i32
        %get3A_1413 = arith.index_cast %add3A_1412 : i32 to index
        %get3A_1414 = arith.constant 0 : index
        %get3A_1415 = tpu.vector_load %arg8[%get3A_1413, %get3A_1414] {strides = array<i32>} : memref<3200x16xf32, #tpu.memory_space<vmem>>, vector<1x16xf32>,
        %get3A_1416 = vector.shape_cast %get3A_1415 : vector<1x16xf32> to vector<16xf32>
        %add3A_1417 = arith.addf %add3A_1382, %get3A_1416 : vector<16xf32>
        %add3A_1418 = arith.constant 2944 : i32
        %add3A_1419 = arith.addi %add3A_1418, %add3A_1262 : i32
        %get3A_1420 = arith.index_cast %add3A_1419 : i32 to index
        %get3A_1421 = arith.constant 0 : index
        %get3A_1422 = tpu.vector_load %arg8[%get3A_1420, %get3A_1421] {strides = array<i32>} : memref<3200x16xf32, #tpu.memory_space<vmem>>, vector<1x16xf32>,
        %get3A_1423 = vector.shape_cast %get3A_1422 : vector<1x16xf32> to vector<16xf32>
        %add3A_1424 = arith.addf %add3A_1389, %get3A_1423 : vector<16xf32>
        %add3A_1425 = arith.constant 3072 : i32
        %add3A_1426 = arith.addi %add3A_1425, %add3A_1262 : i32
        %get3A_1427 = arith.index_cast %add3A_1426 : i32 to index
        %get3A_1428 = arith.constant 0 : index
        %get3A_1429 = tpu.vector_load %arg8[%get3A_1427, %get3A_1428] {strides = array<i32>} : memref<3200x16xf32, #tpu.memory_space<vmem>>, vector<1x16xf32>,
        %get3A_1430 = vector.shape_cast %get3A_1429 : vector<1x16xf32> to vector<16xf32>
        %add3A_1431 = arith.addf %add3A_1396, %get3A_1430 : vector<16xf32>
        %add3A_1432 = arith.addf %add3A_1403, %add3A_1410 : vector<16xf32>
        %add3A_1433 = arith.addf %add3A_1417, %add3A_1424 : vector<16xf32>
        %add3A_1434 = arith.addf %add3A_1432, %add3A_1433 : vector<16xf32>
        %add3A_1435 = arith.addf %add3A_1434, %add3A_1431 : vector<16xf32>
        %get3A_1436 = arith.index_cast %add3A_1262 : i32 to index
        %get3A_1437 = arith.constant 0 : index
        %get3A_1438 = tpu.vector_load %arg9[%get3A_1436, %get3A_1437] {strides = array<i32>} : memref<128x16xf32, #tpu.memory_space<vmem>>, vector<1x16xf32>,
        %get3A_1439 = vector.shape_cast %get3A_1438 : vector<1x16xf32> to vector<16xf32>
        %add3A_1440 = arith.addf %get3A_1439, %add3A_1435 : vector<16xf32>
        %swap3A = arith.index_cast %add3A_1262 : i32 to index
        %swap3A_1441 = arith.constant 0 : index
        %swap3A_1442 = tpu.vector_load %arg9[%swap3A, %swap3A_1441] {strides = array<i32>} : memref<128x16xf32, #tpu.memory_space<vmem>>, vector<1x16xf32>,
        %swap3A_1443 = vector.shape_cast %swap3A_1442 : vector<1x16xf32> to vector<16xf32>
        %swap3A_1444 = vector.shape_cast %add3A_1440 : vector<16xf32> to vector<1x16xf32>
        tpu.vector_store %arg9[%swap3A, %swap3A_1441], %swap3A_1444 {strides = array<i32>} : memref<128x16xf32, #tpu.memory_space<vmem>>, vector<1x16xf32>,
        %mul3A_1445 = arith.constant 2 : i32
        %mul3A_1446 = arith.muli %mul3A_1445, %scan3A_1258 : i32
        %add3A_1447 = arith.constant 1 : i32
        %add3A_1448 = arith.addi %mul3A_1446, %add3A_1447 : i32
        %add3A_1449 = arith.constant 0 : i32
        %add3A_1450 = arith.addi %add3A_1449, %add3A_1448 : i32
        %get3A_1451 = arith.index_cast %add3A_1450 : i32 to index
        %get3A_1452 = arith.constant 0 : index
        %get3A_1453 = tpu.vector_load %arg8[%get3A_1451, %get3A_1452] {strides = array<i32>} : memref<3200x16xf32, #tpu.memory_space<vmem>>, vector<1x16xf32>,
        %get3A_1454 = vector.shape_cast %get3A_1453 : vector<1x16xf32> to vector<16xf32>
        %add3A_1455 = arith.constant 128 : i32
        %add3A_1456 = arith.addi %add3A_1455, %add3A_1448 : i32
        %get3A_1457 = arith.index_cast %add3A_1456 : i32 to index
        %get3A_1458 = arith.constant 0 : index
        %get3A_1459 = tpu.vector_load %arg8[%get3A_1457, %get3A_1458] {strides = array<i32>} : memref<3200x16xf32, #tpu.memory_space<vmem>>, vector<1x16xf32>,
        %get3A_1460 = vector.shape_cast %get3A_1459 : vector<1x16xf32> to vector<16xf32>
        %add3A_1461 = arith.constant 256 : i32
        %add3A_1462 = arith.addi %add3A_1461, %add3A_1448 : i32
        %get3A_1463 = arith.index_cast %add3A_1462 : i32 to index
        %get3A_1464 = arith.constant 0 : index
        %get3A_1465 = tpu.vector_load %arg8[%get3A_1463, %get3A_1464] {strides = array<i32>} : memref<3200x16xf32, #tpu.memory_space<vmem>>, vector<1x16xf32>,
        %get3A_1466 = vector.shape_cast %get3A_1465 : vector<1x16xf32> to vector<16xf32>
        %add3A_1467 = arith.constant 384 : i32
        %add3A_1468 = arith.addi %add3A_1467, %add3A_1448 : i32
        %get3A_1469 = arith.index_cast %add3A_1468 : i32 to index
        %get3A_1470 = arith.constant 0 : index
        %get3A_1471 = tpu.vector_load %arg8[%get3A_1469, %get3A_1470] {strides = array<i32>} : memref<3200x16xf32, #tpu.memory_space<vmem>>, vector<1x16xf32>,
        %get3A_1472 = vector.shape_cast %get3A_1471 : vector<1x16xf32> to vector<16xf32>
        %add3A_1473 = arith.constant 512 : i32
        %add3A_1474 = arith.addi %add3A_1473, %add3A_1448 : i32
        %get3A_1475 = arith.index_cast %add3A_1474 : i32 to index
        %get3A_1476 = arith.constant 0 : index
        %get3A_1477 = tpu.vector_load %arg8[%get3A_1475, %get3A_1476] {strides = array<i32>} : memref<3200x16xf32, #tpu.memory_space<vmem>>, vector<1x16xf32>,
        %get3A_1478 = vector.shape_cast %get3A_1477 : vector<1x16xf32> to vector<16xf32>
        %add3A_1479 = arith.constant 640 : i32
        %add3A_1480 = arith.addi %add3A_1479, %add3A_1448 : i32
        %get3A_1481 = arith.index_cast %add3A_1480 : i32 to index
        %get3A_1482 = arith.constant 0 : index
        %get3A_1483 = tpu.vector_load %arg8[%get3A_1481, %get3A_1482] {strides = array<i32>} : memref<3200x16xf32, #tpu.memory_space<vmem>>, vector<1x16xf32>,
        %get3A_1484 = vector.shape_cast %get3A_1483 : vector<1x16xf32> to vector<16xf32>
        %add3A_1485 = arith.addf %get3A_1454, %get3A_1484 : vector<16xf32>
        %add3A_1486 = arith.constant 768 : i32
        %add3A_1487 = arith.addi %add3A_1486, %add3A_1448 : i32
        %get3A_1488 = arith.index_cast %add3A_1487 : i32 to index
        %get3A_1489 = arith.constant 0 : index
        %get3A_1490 = tpu.vector_load %arg8[%get3A_1488, %get3A_1489] {strides = array<i32>} : memref<3200x16xf32, #tpu.memory_space<vmem>>, vector<1x16xf32>,
        %get3A_1491 = vector.shape_cast %get3A_1490 : vector<1x16xf32> to vector<16xf32>
        %add3A_1492 = arith.addf %get3A_1460, %get3A_1491 : vector<16xf32>
        %add3A_1493 = arith.constant 896 : i32
        %add3A_1494 = arith.addi %add3A_1493, %add3A_1448 : i32
        %get3A_1495 = arith.index_cast %add3A_1494 : i32 to index
        %get3A_1496 = arith.constant 0 : index
        %get3A_1497 = tpu.vector_load %arg8[%get3A_1495, %get3A_1496] {strides = array<i32>} : memref<3200x16xf32, #tpu.memory_space<vmem>>, vector<1x16xf32>,
        %get3A_1498 = vector.shape_cast %get3A_1497 : vector<1x16xf32> to vector<16xf32>
        %add3A_1499 = arith.addf %get3A_1466, %get3A_1498 : vector<16xf32>
        %add3A_1500 = arith.constant 1024 : i32
        %add3A_1501 = arith.addi %add3A_1500, %add3A_1448 : i32
        %get3A_1502 = arith.index_cast %add3A_1501 : i32 to index
        %get3A_1503 = arith.constant 0 : index
        %get3A_1504 = tpu.vector_load %arg8[%get3A_1502, %get3A_1503] {strides = array<i32>} : memref<3200x16xf32, #tpu.memory_space<vmem>>, vector<1x16xf32>,
        %get3A_1505 = vector.shape_cast %get3A_1504 : vector<1x16xf32> to vector<16xf32>
        %add3A_1506 = arith.addf %get3A_1472, %get3A_1505 : vector<16xf32>
        %add3A_1507 = arith.constant 1152 : i32
        %add3A_1508 = arith.addi %add3A_1507, %add3A_1448 : i32
        %get3A_1509 = arith.index_cast %add3A_1508 : i32 to index
        %get3A_1510 = arith.constant 0 : index
        %get3A_1511 = tpu.vector_load %arg8[%get3A_1509, %get3A_1510] {strides = array<i32>} : memref<3200x16xf32, #tpu.memory_space<vmem>>, vector<1x16xf32>,
        %get3A_1512 = vector.shape_cast %get3A_1511 : vector<1x16xf32> to vector<16xf32>
        %add3A_1513 = arith.addf %get3A_1478, %get3A_1512 : vector<16xf32>
        %add3A_1514 = arith.constant 1280 : i32
        %add3A_1515 = arith.addi %add3A_1514, %add3A_1448 : i32
        %get3A_1516 = arith.index_cast %add3A_1515 : i32 to index
        %get3A_1517 = arith.constant 0 : index
        %get3A_1518 = tpu.vector_load %arg8[%get3A_1516, %get3A_1517] {strides = array<i32>} : memref<3200x16xf32, #tpu.memory_space<vmem>>, vector<1x16xf32>,
        %get3A_1519 = vector.shape_cast %get3A_1518 : vector<1x16xf32> to vector<16xf32>
        %add3A_1520 = arith.addf %add3A_1485, %get3A_1519 : vector<16xf32>
        %add3A_1521 = arith.constant 1408 : i32
        %add3A_1522 = arith.addi %add3A_1521, %add3A_1448 : i32
        %get3A_1523 = arith.index_cast %add3A_1522 : i32 to index
        %get3A_1524 = arith.constant 0 : index
        %get3A_1525 = tpu.vector_load %arg8[%get3A_1523, %get3A_1524] {strides = array<i32>} : memref<3200x16xf32, #tpu.memory_space<vmem>>, vector<1x16xf32>,
        %get3A_1526 = vector.shape_cast %get3A_1525 : vector<1x16xf32> to vector<16xf32>
        %add3A_1527 = arith.addf %add3A_1492, %get3A_1526 : vector<16xf32>
        %add3A_1528 = arith.constant 1536 : i32
        %add3A_1529 = arith.addi %add3A_1528, %add3A_1448 : i32
        %get3A_1530 = arith.index_cast %add3A_1529 : i32 to index
        %get3A_1531 = arith.constant 0 : index
        %get3A_1532 = tpu.vector_load %arg8[%get3A_1530, %get3A_1531] {strides = array<i32>} : memref<3200x16xf32, #tpu.memory_space<vmem>>, vector<1x16xf32>,
        %get3A_1533 = vector.shape_cast %get3A_1532 : vector<1x16xf32> to vector<16xf32>
        %add3A_1534 = arith.addf %add3A_1499, %get3A_1533 : vector<16xf32>
        %add3A_1535 = arith.constant 1664 : i32
        %add3A_1536 = arith.addi %add3A_1535, %add3A_1448 : i32
        %get3A_1537 = arith.index_cast %add3A_1536 : i32 to index
        %get3A_1538 = arith.constant 0 : index
        %get3A_1539 = tpu.vector_load %arg8[%get3A_1537, %get3A_1538] {strides = array<i32>} : memref<3200x16xf32, #tpu.memory_space<vmem>>, vector<1x16xf32>,
        %get3A_1540 = vector.shape_cast %get3A_1539 : vector<1x16xf32> to vector<16xf32>
        %add3A_1541 = arith.addf %add3A_1506, %get3A_1540 : vector<16xf32>
        %add3A_1542 = arith.constant 1792 : i32
        %add3A_1543 = arith.addi %add3A_1542, %add3A_1448 : i32
        %get3A_1544 = arith.index_cast %add3A_1543 : i32 to index
        %get3A_1545 = arith.constant 0 : index
        %get3A_1546 = tpu.vector_load %arg8[%get3A_1544, %get3A_1545] {strides = array<i32>} : memref<3200x16xf32, #tpu.memory_space<vmem>>, vector<1x16xf32>,
        %get3A_1547 = vector.shape_cast %get3A_1546 : vector<1x16xf32> to vector<16xf32>
        %add3A_1548 = arith.addf %add3A_1513, %get3A_1547 : vector<16xf32>
        %add3A_1549 = arith.constant 1920 : i32
        %add3A_1550 = arith.addi %add3A_1549, %add3A_1448 : i32
        %get3A_1551 = arith.index_cast %add3A_1550 : i32 to index
        %get3A_1552 = arith.constant 0 : index
        %get3A_1553 = tpu.vector_load %arg8[%get3A_1551, %get3A_1552] {strides = array<i32>} : memref<3200x16xf32, #tpu.memory_space<vmem>>, vector<1x16xf32>,
        %get3A_1554 = vector.shape_cast %get3A_1553 : vector<1x16xf32> to vector<16xf32>
        %add3A_1555 = arith.addf %add3A_1520, %get3A_1554 : vector<16xf32>
        %add3A_1556 = arith.constant 2048 : i32
        %add3A_1557 = arith.addi %add3A_1556, %add3A_1448 : i32
        %get3A_1558 = arith.index_cast %add3A_1557 : i32 to index
        %get3A_1559 = arith.constant 0 : index
        %get3A_1560 = tpu.vector_load %arg8[%get3A_1558, %get3A_1559] {strides = array<i32>} : memref<3200x16xf32, #tpu.memory_space<vmem>>, vector<1x16xf32>,
        %get3A_1561 = vector.shape_cast %get3A_1560 : vector<1x16xf32> to vector<16xf32>
        %add3A_1562 = arith.addf %add3A_1527, %get3A_1561 : vector<16xf32>
        %add3A_1563 = arith.constant 2176 : i32
        %add3A_1564 = arith.addi %add3A_1563, %add3A_1448 : i32
        %get3A_1565 = arith.index_cast %add3A_1564 : i32 to index
        %get3A_1566 = arith.constant 0 : index
        %get3A_1567 = tpu.vector_load %arg8[%get3A_1565, %get3A_1566] {strides = array<i32>} : memref<3200x16xf32, #tpu.memory_space<vmem>>, vector<1x16xf32>,
        %get3A_1568 = vector.shape_cast %get3A_1567 : vector<1x16xf32> to vector<16xf32>
        %add3A_1569 = arith.addf %add3A_1534, %get3A_1568 : vector<16xf32>
        %add3A_1570 = arith.constant 2304 : i32
        %add3A_1571 = arith.addi %add3A_1570, %add3A_1448 : i32
        %get3A_1572 = arith.index_cast %add3A_1571 : i32 to index
        %get3A_1573 = arith.constant 0 : index
        %get3A_1574 = tpu.vector_load %arg8[%get3A_1572, %get3A_1573] {strides = array<i32>} : memref<3200x16xf32, #tpu.memory_space<vmem>>, vector<1x16xf32>,
        %get3A_1575 = vector.shape_cast %get3A_1574 : vector<1x16xf32> to vector<16xf32>
        %add3A_1576 = arith.addf %add3A_1541, %get3A_1575 : vector<16xf32>
        %add3A_1577 = arith.constant 2432 : i32
        %add3A_1578 = arith.addi %add3A_1577, %add3A_1448 : i32
        %get3A_1579 = arith.index_cast %add3A_1578 : i32 to index
        %get3A_1580 = arith.constant 0 : index
        %get3A_1581 = tpu.vector_load %arg8[%get3A_1579, %get3A_1580] {strides = array<i32>} : memref<3200x16xf32, #tpu.memory_space<vmem>>, vector<1x16xf32>,
        %get3A_1582 = vector.shape_cast %get3A_1581 : vector<1x16xf32> to vector<16xf32>
        %add3A_1583 = arith.addf %add3A_1548, %get3A_1582 : vector<16xf32>
        %add3A_1584 = arith.constant 2560 : i32
        %add3A_1585 = arith.addi %add3A_1584, %add3A_1448 : i32
        %get3A_1586 = arith.index_cast %add3A_1585 : i32 to index
        %get3A_1587 = arith.constant 0 : index
        %get3A_1588 = tpu.vector_load %arg8[%get3A_1586, %get3A_1587] {strides = array<i32>} : memref<3200x16xf32, #tpu.memory_space<vmem>>, vector<1x16xf32>,
        %get3A_1589 = vector.shape_cast %get3A_1588 : vector<1x16xf32> to vector<16xf32>
        %add3A_1590 = arith.addf %add3A_1555, %get3A_1589 : vector<16xf32>
        %add3A_1591 = arith.constant 2688 : i32
        %add3A_1592 = arith.addi %add3A_1591, %add3A_1448 : i32
        %get3A_1593 = arith.index_cast %add3A_1592 : i32 to index
        %get3A_1594 = arith.constant 0 : index
        %get3A_1595 = tpu.vector_load %arg8[%get3A_1593, %get3A_1594] {strides = array<i32>} : memref<3200x16xf32, #tpu.memory_space<vmem>>, vector<1x16xf32>,
        %get3A_1596 = vector.shape_cast %get3A_1595 : vector<1x16xf32> to vector<16xf32>
        %add3A_1597 = arith.addf %add3A_1562, %get3A_1596 : vector<16xf32>
        %add3A_1598 = arith.constant 2816 : i32
        %add3A_1599 = arith.addi %add3A_1598, %add3A_1448 : i32
        %get3A_1600 = arith.index_cast %add3A_1599 : i32 to index
        %get3A_1601 = arith.constant 0 : index
        %get3A_1602 = tpu.vector_load %arg8[%get3A_1600, %get3A_1601] {strides = array<i32>} : memref<3200x16xf32, #tpu.memory_space<vmem>>, vector<1x16xf32>,
        %get3A_1603 = vector.shape_cast %get3A_1602 : vector<1x16xf32> to vector<16xf32>
        %add3A_1604 = arith.addf %add3A_1569, %get3A_1603 : vector<16xf32>
        %add3A_1605 = arith.constant 2944 : i32
        %add3A_1606 = arith.addi %add3A_1605, %add3A_1448 : i32
        %get3A_1607 = arith.index_cast %add3A_1606 : i32 to index
        %get3A_1608 = arith.constant 0 : index
        %get3A_1609 = tpu.vector_load %arg8[%get3A_1607, %get3A_1608] {strides = array<i32>} : memref<3200x16xf32, #tpu.memory_space<vmem>>, vector<1x16xf32>,
        %get3A_1610 = vector.shape_cast %get3A_1609 : vector<1x16xf32> to vector<16xf32>
        %add3A_1611 = arith.addf %add3A_1576, %get3A_1610 : vector<16xf32>
        %add3A_1612 = arith.constant 3072 : i32
        %add3A_1613 = arith.addi %add3A_1612, %add3A_1448 : i32
        %get3A_1614 = arith.index_cast %add3A_1613 : i32 to index
        %get3A_1615 = arith.constant 0 : index
        %get3A_1616 = tpu.vector_load %arg8[%get3A_1614, %get3A_1615] {strides = array<i32>} : memref<3200x16xf32, #tpu.memory_space<vmem>>, vector<1x16xf32>,
        %get3A_1617 = vector.shape_cast %get3A_1616 : vector<1x16xf32> to vector<16xf32>
        %add3A_1618 = arith.addf %add3A_1583, %get3A_1617 : vector<16xf32>
        %add3A_1619 = arith.addf %add3A_1590, %add3A_1597 : vector<16xf32>
        %add3A_1620 = arith.addf %add3A_1604, %add3A_1611 : vector<16xf32>
        %add3A_1621 = arith.addf %add3A_1619, %add3A_1620 : vector<16xf32>
        %add3A_1622 = arith.addf %add3A_1621, %add3A_1618 : vector<16xf32>
        %get3A_1623 = arith.index_cast %add3A_1448 : i32 to index
        %get3A_1624 = arith.constant 0 : index
        %get3A_1625 = tpu.vector_load %arg9[%get3A_1623, %get3A_1624] {strides = array<i32>} : memref<128x16xf32, #tpu.memory_space<vmem>>, vector<1x16xf32>,
        %get3A_1626 = vector.shape_cast %get3A_1625 : vector<1x16xf32> to vector<16xf32>
        %add3A_1627 = arith.addf %get3A_1626, %add3A_1622 : vector<16xf32>
        %swap3A_1628 = arith.index_cast %add3A_1448 : i32 to index
        %swap3A_1629 = arith.constant 0 : index
        %swap3A_1630 = tpu.vector_load %arg9[%swap3A_1628, %swap3A_1629] {strides = array<i32>} : memref<128x16xf32, #tpu.memory_space<vmem>>, vector<1x16xf32>,
        %swap3A_1631 = vector.shape_cast %swap3A_1630 : vector<1x16xf32> to vector<16xf32>
        %swap3A_1632 = vector.shape_cast %add3A_1627 : vector<16xf32> to vector<1x16xf32>
        tpu.vector_store %arg9[%swap3A_1628, %swap3A_1629], %swap3A_1632 {strides = array<i32>} : memref<128x16xf32, #tpu.memory_space<vmem>>, vector<1x16xf32>,
      }
      %scan3A_1257 = arith.constant 64 : i32
    }
    %scan3A_262 = arith.constant 4 : i32
    "tpu.region"() ({
      %run_scoped3A = tpu.sem_alloc : memref<!tpu.dma_semaphore, #tpu.memory_space<semaphore_mem>>
      %dma_start3A_263 = arith.constant 0 : i32
      %dma_start3A_264 = tpu.memref_slice %arg5[%mul3A_2, %dma_start3A_263] : memref<4096x16xf32, #tpu.memory_space<hbm>> -> memref<128x16xf32, #tpu.memory_space<hbm>>
      %dma_start3A_265 = arith.constant 0 : i32
      %dma_start3A_266 = tpu.memref_slice %arg5[%mul3A_2, %dma_start3A_265] : memref<4096x16xf32, #tpu.memory_space<hbm>> -> memref<128x16xf32, #tpu.memory_space<hbm>>
      tpu.enqueue_dma source(%arg9 : memref<128x16xf32, #tpu.memory_space<vmem>>) target(%dma_start3A_266 : memref<128x16xf32, #tpu.memory_space<hbm>>) target_semaphore(%run_scoped3A : memref<!tpu.dma_semaphore, #tpu.memory_space<semaphore_mem>>)
      %dma_wait3A = arith.constant 0 : i32
      %dma_wait3A_267 = tpu.memref_slice %arg5[%mul3A_2, %dma_wait3A] : memref<4096x16xf32, #tpu.memory_space<hbm>> -> memref<128x16xf32, #tpu.memory_space<hbm>>
      %dma_wait3A_268 = arith.constant 0 : i32
      %dma_wait3A_269 = tpu.memref_slice %arg5[%mul3A_2, %dma_wait3A_268] : memref<4096x16xf32, #tpu.memory_space<hbm>> -> memref<128x16xf32, #tpu.memory_space<hbm>>
      tpu.wait_dma2 semaphore(%run_scoped3A : memref<!tpu.dma_semaphore, #tpu.memory_space<semaphore_mem>>) src(%arg9 : memref<128x16xf32, #tpu.memory_space<vmem>>) dst(%dma_wait3A_269 : memref<128x16xf32, #tpu.memory_space<hbm>>)
      tpu.yield
    }) : () -> ()
    return
  }
}

module attributes {stable_mosaic.version = 14 : i64} {
  func.func @_tw_body(%arg0: i32, %arg1: memref<4096x768xf32, #tpu.memory_space<vmem>>, %arg2: memref<10x768xf32, #tpu.memory_space<vmem>>, %arg3: memref<512x128xf32, #tpu.memory_space<vmem>>) attributes {dimension_semantics = [#tpu.dimension_semantics<arbitrary>], iteration_bounds = array<i64: 8>, scalar_prefetch = 0 : i64, scratch_operands = 0 : i64, tpu.core_type = #tpu.core_type<tc>, window_params = [{transform_indices = @transform_0, window_bounds = array<i64: 4096, 768>}, {pipeline_mode = #tpu.pipeline_mode<synchronous>, transform_indices = @transform_1, window_bounds = array<i64: 10, 768>}, {transform_indices = @transform_2, window_bounds = array<i64: 512, 128>}]} {
    %get3A = arith.constant 0 : index
    %get3A_0 = arith.constant 0 : index
    %get3A_1 = vector.load %arg1[%get3A, %get3A_0] : memref<4096x768xf32, #tpu.memory_space<vmem>>, vector<4096x768xf32>
    %get3A_2 = arith.constant 0 : index
    %get3A_3 = arith.constant 0 : index
    %get3A_4 = vector.load %arg2[%get3A_2, %get3A_3] : memref<10x768xf32, #tpu.memory_space<vmem>>, vector<10x768xf32>
    %mul3A = arith.constant 5.000000e-03 : f32
    %mul3A_5 = vector.broadcast %mul3A : f32 to vector<10x768xf32>
    %mul3A_6 = arith.mulf %get3A_4, %mul3A_5 : vector<10x768xf32>
    %dot_general3A = arith.constant dense<0.000000e+00> : vector<4096x10xf32>
    %dot_general3A_7 = tpu.matmul %get3A_1, %mul3A_6, %dot_general3A {dimension_numbers = #tpu.dot_dimension_numbers<[1], [1], [0], [0], [0, 0, 1, 0], [], []>, transpose_lhs_hint = false} : vector<4096x768xf32>, vector<10x768xf32>, vector<4096x10xf32> -> vector<4096x10xf32>
    %broadcast_in_dim3A = arith.constant 0.000000e+00 : f32
    %broadcast_in_dim3A_8 = vector.broadcast %broadcast_in_dim3A : f32 to vector<4096x6xf32>
    %concatenate3A = tpu.concatenate %dot_general3A_7, %broadcast_in_dim3A_8 in 1 : vector<4096x10xf32>, vector<4096x6xf32> -> vector<4096x16xf32>
    %reshape3A = vector.shape_cast %concatenate3A : vector<4096x16xf32> to vector<512x8x16xf32>
    %slice3A = vector.extract_strided_slice %reshape3A {offsets = [0, 0, 0], sizes = [512, 1, 16], strides = [1, 1, 1]} : vector<512x8x16xf32> to vector<512x1x16xf32>
    %squeeze3A = vector.shape_cast %slice3A : vector<512x1x16xf32> to vector<512x16xf32>
    %slice3A_9 = vector.extract_strided_slice %reshape3A {offsets = [0, 1, 0], sizes = [512, 1, 16], strides = [1, 1, 1]} : vector<512x8x16xf32> to vector<512x1x16xf32>
    %squeeze3A_10 = vector.shape_cast %slice3A_9 : vector<512x1x16xf32> to vector<512x16xf32>
    %slice3A_11 = vector.extract_strided_slice %reshape3A {offsets = [0, 2, 0], sizes = [512, 1, 16], strides = [1, 1, 1]} : vector<512x8x16xf32> to vector<512x1x16xf32>
    %squeeze3A_12 = vector.shape_cast %slice3A_11 : vector<512x1x16xf32> to vector<512x16xf32>
    %slice3A_13 = vector.extract_strided_slice %reshape3A {offsets = [0, 3, 0], sizes = [512, 1, 16], strides = [1, 1, 1]} : vector<512x8x16xf32> to vector<512x1x16xf32>
    %squeeze3A_14 = vector.shape_cast %slice3A_13 : vector<512x1x16xf32> to vector<512x16xf32>
    %slice3A_15 = vector.extract_strided_slice %reshape3A {offsets = [0, 4, 0], sizes = [512, 1, 16], strides = [1, 1, 1]} : vector<512x8x16xf32> to vector<512x1x16xf32>
    %squeeze3A_16 = vector.shape_cast %slice3A_15 : vector<512x1x16xf32> to vector<512x16xf32>
    %slice3A_17 = vector.extract_strided_slice %reshape3A {offsets = [0, 5, 0], sizes = [512, 1, 16], strides = [1, 1, 1]} : vector<512x8x16xf32> to vector<512x1x16xf32>
    %squeeze3A_18 = vector.shape_cast %slice3A_17 : vector<512x1x16xf32> to vector<512x16xf32>
    %slice3A_19 = vector.extract_strided_slice %reshape3A {offsets = [0, 6, 0], sizes = [512, 1, 16], strides = [1, 1, 1]} : vector<512x8x16xf32> to vector<512x1x16xf32>
    %squeeze3A_20 = vector.shape_cast %slice3A_19 : vector<512x1x16xf32> to vector<512x16xf32>
    %slice3A_21 = vector.extract_strided_slice %reshape3A {offsets = [0, 7, 0], sizes = [512, 1, 16], strides = [1, 1, 1]} : vector<512x8x16xf32> to vector<512x1x16xf32>
    %squeeze3A_22 = vector.shape_cast %slice3A_21 : vector<512x1x16xf32> to vector<512x16xf32>
    %concatenate3A_23 = tpu.concatenate %squeeze3A, %squeeze3A_10, %squeeze3A_12, %squeeze3A_14, %squeeze3A_16, %squeeze3A_18, %squeeze3A_20, %squeeze3A_22 in 1 : vector<512x16xf32>, vector<512x16xf32>, vector<512x16xf32>, vector<512x16xf32>, vector<512x16xf32>, vector<512x16xf32>, vector<512x16xf32>, vector<512x16xf32> -> vector<512x128xf32>
    %swap3A = arith.constant 0 : index
    %swap3A_24 = arith.constant 0 : index
    %swap3A_25 = vector.load %arg3[%swap3A, %swap3A_24] : memref<512x128xf32, #tpu.memory_space<vmem>>, vector<512x128xf32>
    tpu.vector_store %arg3[%swap3A, %swap3A_24], %concatenate3A_23 {strides = array<i32>} : memref<512x128xf32, #tpu.memory_space<vmem>>, vector<512x128xf32>,
    return
  }
  func.func @transform_0(%arg0: i32) -> (i32, i32) {
    %c0_i32 = arith.constant 0 : i32
    %c0_i32_0 = arith.constant 0 : i32
    return %arg0, %c0_i32 : i32, i32
  }
  func.func @transform_1(%arg0: i32) -> (i32, i32) {
    %c0_i32 = arith.constant 0 : i32
    %c0_i32_0 = arith.constant 0 : i32
    %c0_i32_1 = arith.constant 0 : i32
    return %c0_i32, %c0_i32_0 : i32, i32
  }
  func.func @transform_2(%arg0: i32) -> (i32, i32) {
    %c0_i32 = arith.constant 0 : i32
    %c0_i32_0 = arith.constant 0 : i32
    return %arg0, %c0_i32 : i32, i32
  }
}

</mosaic_0001>

<sc_bundles>
// kernel: kernel.4.cloned.1.call-start
scs
__scs_entry_jumppad:
0x0: {  	(pc) =	sbr.rel $0x88, $3  }
0x1: {  	(tag) =	ssettag $0x0;
	lr =	simm.s32 $0x1  }
0x2: {  	[smem:$0x3F9D] =	sst lr;
	_ =	strace $0xD0000000  }
0x3: {  	_ = 	snop  }
0x4: {  	_ = 	snop  }
0x5: {  	_ = 	snop  }
0x6: {  	_ = 	snop  }
0x7: {  	_ = 	snop  }
__scs_overlays_trampoline_lowered:
0x8: {  	[smem:$0x3FAC] =	sst s0  }
0x9: {  	[smem:$0x3FAD] =	sst s1  }
0xa: {  	[smem:$0x3FAE] =	sst s2  }
0xb: {  	[smem:$0x3FAF] =	sst s3  }
0xc: {  	[smem:$0x3FB0] =	sst s4  }
0xd: {  	[smem:$0x3FB1] =	sst s5  }
0xe: {  	[smem:$0x3FB2] =	sst s6  }
0xf: {  	[smem:$0x3FB3] =	sst s7  }
0x10: {  	[smem:$0x3FB4] =	sst s8  }
0x11: {  	[smem:$0x3FB5] =	sst s9;
	s0 =	simm.s32 @!p0 $0x0  }
0x12: {  	s1 =	sld [smem:$0x3F9B];
	s0 =	simm.s32 @p0 $0x1  }
0x13: {  	[smem:$0x3FB6] =	sst s0;
	s0 =	simm.s32 @!p1 $0x0  }
0x14: {  	s2 =	sld [smem:$0x3F9A];
	s0 =	simm.s32 @p1 $0x1  }
0x15: {  	[smem:$0x3FB7] =	sst s0;
	s0 =	simm.s32 @!p2 $0x0  }
0x16: {  	s3 =	sld [smem:$0x3FDB];
	s0 =	simm.s32 @p2 $0x1  }
0x17: {  	s4 =	simm.s32 $0x1BF5;
	[smem:$0x3FB9] =	sst s0  }
0x18: {  	s0 =	sld [smem:$0x3F9C];
	_ =	swait.ge [sflag:s4], $0x0  }
0x19: {  	s7 =	sld [smem:$0x3F9D]  }
0x1a: {  	s8 =	sadd.s32 $0xFFFFE003, lr  }
0x1b: {  	s9 =	sadd.s32 $0xFFFFFEF7, lr;
	s5 =	simm.s32 $0xFFFFFFFF;
	p2 =	slt.u32 s8, $0xFFFFF086  }
0x1c: {  	p1 =	slt.u32 s9, $0xF7A;
	s5 =	simm.s32 @!p2 $0x0  }
0x1d: {  	s5 =	simm.s32 @p1 $0x1;
	p0 =	seq.s32 s7, s2  }
0x1e: {  	s7 =	smul.u32 @!p0 $0xF7A, s2;
	p2 =	seq.s32 @!p0 s5, $0x0  }
0x1f: {  	s9 =	smul.u32 $0xF7A, s1;
	s8 =	simm.s32 @!p0 $0x1BF5;
	p2 =	por !p2, p0  }
0x20: {  	[sflag:s8] =	ssyncset.s32 @!p0 $0xFFFFF086;
	s6 =	sadd.s32 @!p0 s3, s7;
	s7 =	simm.s32 @!p0 $0x108  }
0x21: {  	s3 =	sadd.s32 s3, s9;
	s6 =	sadd.s32 @!p0 $0x88, s6;
	s7 =	simm.s32 @p2 $0x1082  }
0x22: {  	[simem:s7], [sflag:s8] =	dma.local @!p0 [hbm:s6], $0xF7A  }
0x23: {  	s9 =	sor.u32 $0xD0000000, s2;
	s6 =	simm.s32 $0x108;
	_ =	swait.ge @!p0 [sflag:s8], $0x0  }
0x24: {  	s3 =	sadd.s32 $0x88, s3;
	s6 =	simm.s32 @!p1 $0x1082;
	[sflag:s4] =	ssyncset.s32 $0xFFFFF086  }
0x25: {  	[simem:s6], [sflag:s4] =	dma.local [hbm:s3], $0xF7A  }
0x26: {  	[smem:$0x3F9D] =	sst s1;
	(tag) =	ssettag s2;
	_ =	strace s9  }
0x27: {  	s1 =	sld [smem:$0x3FAD]  }
0x28: {  	s2 =	sld [smem:$0x3FAE]  }
0x29: {  	s4 =	sld [smem:$0x3FB0]  }
0x2a: {  	p0 =	seq.s32 s5, $0x0;
	s5 =	sld [smem:$0x3FB1]  }
0x2b: {  	s6 =	sld [smem:$0x3FB2]  }
0x2c: {  	s7 =	sld [smem:$0x3FB3]  }
0x2d: {  	s3 =	simm.s32 $0x108;
	s8 =	sld [smem:$0x3FB4]  }
0x2e: {  	s3 =	simm.s32 @!p0 $0x1082;
	s9 =	sld [smem:$0x3FB5]  }
0x2f: {  	lr =	sadd.s32 s0, s3;
	s0 =	sld [smem:$0x3FAC]  }
0x30: {  	s3 =	sld [smem:$0x3FAF]  }
0x31: {  	[smem:$0x3FB8] =	sst s10  }
0x32: {  	s10 =	sld [smem:$0x3FB6];
	_ =	sdelay $0x3  }
0x33: {  	p0 =	seq.s32 s10, $0x1;
	s10 =	sld [smem:$0x3FB8];
	_ =	sdelay $0x3  }
0x34: {  	[smem:$0x3FB8] =	sst s10  }
0x35: {  	s10 =	sld [smem:$0x3FB7];
	_ =	sdelay $0x3  }
0x36: {  	p1 =	seq.s32 s10, $0x1;
	s10 =	sld [smem:$0x3FB8];
	_ =	sdelay $0x3  }
0x37: {  	[smem:$0x3FB8] =	sst s10  }
0x38: {  	s10 =	sld [smem:$0x3FB9]  }
0x39: {  	_ = 	snop;
	(pc) =	sbr.ind lr, $3  }
0x3a: {  	_ = 	snop  }
0x3b: {  	_ = 	snop  }
0x3c: {  	p2 =	seq.s32 s10, $0x1;
	s10 =	sld [smem:$0x3FB8]  }
0x3d: {  	_ =	shalt  }
0x3e: {  	_ =	shalt  }
0x3f: {  	_ =	shalt  }
0x40: {  	_ =	shalt  }
0x41: {  	_ =	shalt  }
0x42: {  	_ =	shalt  }
0x43: {  	_ =	shalt  }
0x44: {  	_ =	shalt  }
0x45: {  	_ =	shalt  }
0x46: {  	_ =	shalt  }
0x47: {  	_ =	shalt  }
0x48: {  	_ =	shalt  }
0x49: {  	_ =	shalt  }
0x4a: {  	_ =	shalt  }
0x4b: {  	_ =	shalt  }
0x4c: {  	_ =	shalt  }
0x4d: {  	_ =	shalt  }
0x4e: {  	_ =	shalt  }
0x4f: {  	_ =	shalt  }
0x50: {  	_ =	shalt  }
0x51: {  	_ =	shalt  }
0x52: {  	_ =	shalt  }
0x53: {  	_ =	shalt  }
0x54: {  	_ =	shalt  }
0x55: {  	_ =	shalt  }
0x56: {  	_ =	shalt  }
0x57: {  	_ =	shalt  }
0x58: {  	_ =	shalt  }
0x59: {  	_ =	shalt  }
0x5a: {  	_ =	shalt  }
0x5b: {  	_ =	shalt  }
0x5c: {  	_ =	shalt  }
0x5d: {  	_ =	shalt  }
0x5e: {  	_ =	shalt  }
0x5f: {  	_ =	shalt  }
0x60: {  	_ =	shalt  }
0x61: {  	_ =	shalt  }
0x62: {  	_ =	shalt  }
0x63: {  	_ =	shalt  }
0x64: {  	_ =	shalt  }
0x65: {  	_ =	shalt  }
0x66: {  	_ =	shalt  }
0x67: {  	_ =	shalt  }
0x68: {  	_ =	shalt  }
0x69: {  	_ =	shalt  }
0x6a: {  	_ =	shalt  }
0x6b: {  	_ =	shalt  }
0x6c: {  	_ =	shalt  }
0x6d: {  	_ =	shalt  }
0x6e: {  	_ =	shalt  }
0x6f: {  	_ =	shalt  }
0x70: {  	_ =	shalt  }
0x71: {  	_ =	shalt  }
0x72: {  	_ =	shalt  }
0x73: {  	_ =	shalt  }
0x74: {  	_ =	shalt  }
0x75: {  	_ =	shalt  }
0x76: {  	_ =	shalt  }
0x77: {  	_ =	shalt  }
0x78: {  	_ =	shalt  }
0x79: {  	_ =	shalt  }
0x7a: {  	_ =	shalt  }
0x7b: {  	_ =	shalt  }
0x7c: {  	_ =	shalt  }
0x7d: {  	_ =	shalt  }
0x7e: {  	_ =	shalt  }
0x7f: {  	_ =	shalt  }
0x80: {  	_ =	shalt  }
0x81: {  	_ =	shalt  }
0x82: {  	_ =	shalt  }
0x83: {  	_ =	shalt  }
0x84: {  	_ =	shalt  }
0x85: {  	_ =	shalt  }
0x86: {  	_ =	shalt  }
0x87: {  	_ =	shalt  }
.Lfunc_end0:
.L_simem_size_0:
called_computation_lowered:
.L_overlay_start_0:
0x88: {  	s2 =	sld [smem:$0x3FD9]  }
0x89: {  	s3 =	sld [smem:$0x3FFE];
	_ =	sdelay $0x1  }
0x8a: {  	s1 =	srdreg.scid  }
0x8b: {  	s0 =	sand.u32 $0x1, s1  }
0x8c: {  	s17 =	sshll.u32 s0, $0xA;
	s2 =	sadd.s32 s3, s2  }
0x8d: {  	s2 =	sadd.s32 s2, s17  }
0x8e: {  	[smem:$0x3FC4] =	sst s2  }
0x8f: {  	_ = 	snop  }
0x90: {  	s2 =	sld [smem:$0x3FC6]  }
0x91: {  	s18 =	sld [smem:$0x3FD0];
	(tm) =	ssettm $0x1  }
0x92: {  	s4 =	sld [smem:$0x3FFB];
	_ =	sdelay $0x3  }
0x93: {  	_ =	strace s4  }
0x94: {  	s4 =	sld [smem:$0x3FFC];
	_ =	sdelay $0x3  }
0x95: {  	_ =	strace s4  }
0x96: {  	s4 =	sld [smem:$0x3FFD];
	_ =	sdelay $0x3  }
0x97: {  	_ =	strace s4  }
0x98: {  	_ =	strace $0x8FFFFFFF  }
0x99: {  	s19 =	sld [smem:$0x3FDB];
	_ =	sdelay $0x1  }
0x9a: {  	s5 =	simm.s32 $_scs_section_size  }
0x9b: {  	s6 =	simm.s32 $_size__tile_overlayer_lowered;
	s7 =	simm.s32 $_tile_overlayer_lowered  }
0x9c: {  	s22 =	simm.s32 $0x1BFF;
	s21 =	sshll.u32 s7, $0x1;
	s4 =	sadd.s32 s5, s19  }
0x9d: {  	s8 =	simm.s32 $0x0;
	s20 =	sshll.u32 s6, $0x1;
	s6 =	sadd.s32 s21, s4  }
0x9e: {  	[timem:s8], [sflag:s22] =	dma.local [hbm:s6], s20  }
0x9f: {  	_ =	swait.ge [sflag:s22], s20  }
0xa0: {  	s5 =	ssub.s32 $0x0, s20;
	[sflag:s22] =	ssyncset.done $0x0  }
0xa1: {  	[sflag:s22] =	ssyncadd.s32 s5;
	_ =	sdelay $0x1  }
0xa2: {  	s23 =	simm.s32 $0x1B8B  }
0xa3: {  	_ =	swait.ge [sflag:s23], $0x1  }
0xa4: {  	[sflag:s23] =	ssyncset.done $0x0  }
0xa5: {  	s25 =	simm.s32 $0x1B8E;
	s24 =	sld [smem:$0x3FFE];
	[sflag:s23] =	ssyncadd.s32 $0xFFFFFFFF  }
0xa6: {  	s26 =	simm.s32 $execute0_lowered;
	[smem:$0x3FD2] =	sst s25  }
0xa7: {  	s6 =	sshll.u32 s26, $0x1;
	_ =	strace $0x80000046;
	[dreg:$0x1] =	wrdreg $0xFFFFFFFF  }
0xa8: {  	s28 =	simm.s32 $_size_execute0_lowered;
	s4 =	sadd.s32 s4, s6;
	[dreg:$0x0] =	wrdreg $0x0  }
0xa9: {  	s6 =	sshll.u32 s28, $0x1;
	[dreg:$0x2] =	wrdreg s4  }
0xaa: {  	[dreg:$0x3] =	wrdreg s6  }
0xab: {  	[dreg:$0x4] =	wrdreg $0xC0  }
0xac: {  	_ =	task [dreg:s8], $0x5FFFF  }
0xad: {  	[dreg:$0x1] =	wrdreg $0xFFFFFFFF  }
0xae: {  	[dreg:$0x0] =	wrdreg $0x60  }
0xaf: {  	[dreg:$0x2] =	wrdreg s24  }
0xb0: {  	[dreg:$0x3] =	wrdreg s2  }
0xb1: {  	[dreg:$0x4] =	wrdreg s18  }
0xb2: {  	[dreg:$0x5] =	wrdreg $0x9  }
0xb3: {  	_ =	task.clear_ibuf [dreg:s8], $0x6FFFF;
	_ =	strace $0x90000046  }
0xb4: {  	s29 =	simm.s32 $0x9;
	_ =	strace $0x80000048  }
0xb5: {  	_ =	swait.ge [sflag:s29], $0x1  }
0xb6: {  	[sflag:s29] =	ssyncadd.s32 $0xFFFFFFFF  }
0xb7: {  	_ =	strace $0x90000048  }
0xb8: {  	_ =	sfence  }
0xb9: {  	s30 =	sld [smem:$0x0];
	_ =	sdelay $0x2  }
0xba: {  	s31 =	sshll.u32 s1, $0xD;
	s1 =	sshrl.u32 s1, $0x2  }
0xbb: {  	s3 =	sand.u32 $0x4000, s31;
	s1 =	sadd.s32 s1, s30  }
0xbc: {  	s0 =	sor.u32 s3, s0;
	s1 =	sshll.u32 s1, $0x11  }
0xbd: {  	s0 =	sor.u32 s1, s0  }
0xbe: {  	s0 =	sadd.s32 $0x8F2B, s0  }
0xbf: {  	[sflag:s0] =	ssyncadd.remote.s32 $0x1  }
0xc0: {  	_ =	sfence.sel $0xFFFF  }
0xc1: {  	[dreg:$0x0] =	wrdreg $0xFFFFFFFF;
	(pc) =	sbr.abs _section_cstart, $3  }
0xc2: {  	[dreg:$0x1] =	wrdreg $0xFFFFFFFF  }
0xc3: {  	_ =	task.clear_ibuf [dreg:s8], $0x2FFFF;
	_ =	strace $0x9FFFFFFF  }
0xc4: {  	(tm) =	ssettm $0x7FFFFFFF  }
0xc5: {  	_ =	shalt  }
tec
execute0_lowered:
.L_overlay_start_1:
0x0: {  	(tag) =	ssettag $0x1  }
0x1: {  	s0 =	rddreg [dreg:$0x0]  }
0x2: {  	s1 =	srdreg.scid;
	s3 =	stileid.u32  }
0x3: {  	s2 =	rddreg [dreg:$0x2];
	s7 =	simm.s32 $0x0;
	s8 =	simm.s32 $0x80  }
0x4: {  	s10 =	simm.s32 $0x14400;
	s12 =	simm.s32 $0x14C00;
	s13 =	simm.s32 $0x15400  }
0x5: {  	s15 =	simm.s32 $0x15C00;
	s17 =	simm.s32 $0x16400;
	s19 =	simm.s32 $0x16C00  }
0x6: {  	s21 =	simm.s32 $0x17400;
	s23 =	simm.s32 $0x17C00;
	s28 =	simm.s32 $0x18C00  }
0x7: {  	s30 =	simm.s32 $0x19400;
	s11 =	simm.s32 $0x1AC00;
	s16 =	simm.s32 $0x1B400  }
0x8: {  	s20 =	simm.s32 $0x1BC00;
	s29 =	simm.s32 $0x1CC00;
	s14 =	simm.s32 $0x1DC00  }
0x9: {  	s22 =	simm.s32 $0x1E400;
	s31 =	simm.s32 $0x1EC00;
	s18 =	simm.s32 $0x1  }
0xa: {  	s9 =	simm.s32 $0x2;
	s1 =	sand.u32 $0x1, s1;
	s3 =	sshll.u32 s3, $0x8  }
0xb: {  	[smem:$0x7FF] =	sst s7;
	s4 =	sshll.u32 s1, $0x7;
	s1 =	ssub.s32 $0x2, s1  }
0xc: {  	_ =	strace $0x80000047;
	s3 =	sor.u32 s4, s3;
	s6 =	sshrl.u32 s1, $0x1  }
0xd: {  	s4 =	sshrl.u32 s3, $0x3;
	s24 =	ssub.s32 s1, s6;
	s25 =	sshll.u32 s3, $0x1  }
0xe: {  	s6 =	simm.s32 $0x3;
	s5 =	sadd.s32 s4, s0;
	s4 =	sadd.s32 $0x19800, s0  }
0xf: {  	s1 =	sadd.s32 s2, s25;
	s0 =	smax.u32 s24, $0x1;
	s25 =	simm.s32 $0x18400  }
0x10: {  	s2 =	simm.s32 $0x1A400;
	s24 =	simm.s32 $0x1C400;
	[dreg:$0x5] =	wrdreg s1  }
0x11: {  	s26 =	sadd.s32 $0x800, s5;
	[dreg:$0x6] =	wrdreg s0;
	s1 =	simm.s32 $0x19C00  }
0x12: {  	s0 =	simm.s32 $0x1D400;
	s5 =	simm.s32 $0x0;
	[dreg:$0x4] =	wrdreg s26  }
.LBB2_1:
0x13: {  	[dreg:$0x7] =	wrdreg s5  }
0x14: {  	s3 =	rddreg [dreg:$0x4];
	s26 =	simm.s32 $0x1000  }
0x15: {  	[tilespmem:s7], [sflag:$0x3] =	stream.strided.gather [hbm4b:s3+s8], $0x6400, s26, s8, $0x38;
	[tilespmem:$0x1FC10] =	vst v63  }
0x16: {  	_ =	swait.ge [sflag:s6], $0x6400  }
0x17: {  	[sflag:s6] =	ssyncset.done $0x0  }
0x18: {  	[sflag:s6] =	ssyncadd.s32 $0xFFFF9C00  }
0x19: {  	s26 =	simm.s32 $0x1FC00;
	s5 =	rddreg [dreg:$0x1]  }
0x1a: {  	[tilespmem:s26], [sflag:$0x3] =	stream.linear.gather [hbm4b:s5+s7], $0xA, $0x38;
	[tilespmem:$0x1FC10] =	vst v63  }
0x1b: {  	_ =	swait.ge [sflag:s6], $0xA  }
0x1c: {  	[sflag:s6] =	ssyncset.done $0x0  }
0x1d: {  	[sflag:s6] =	ssyncadd.s32 $0xFFFFFFF6  }
0x1e: {  	v0 =	vld [tilespmem:$0x1FC00];
	_ =	sdelay $0x3  }
0x1f: {  	s5 =	simm.s32 $0x40;
	s6 =	simm.s32 $0x0  }
.LBB2_2:
0x20: {  	p0 =	sne.s32 s5, $0x1FC0;
	[tilespmem:s6+$0x1F400] =	vst v0;
	s6 =	smov.u32 s5;
	s5 =	sadd.s32 $0x40, s5  }
.Ltmp0:
0x21: {  	v0 =	vld [tilespmem:$0x1FC00];
	(pc) =	sbr.rel @p0 .LBB2_2-.Ltmp0, $2  }
0x22: {  	_ =	sdelay $0x2  }
0x23: {  	s6 =	sshra.s32 s6, $0x2  }
0x24: {  	[tilespmem:s6+$0x1F400] =	vst v0;
	s26 =	simm.s32 $0x0;
	s3 =	simm.s32 $0x6400  }
0x25: {  	[tilespmem:s3], [sflag:$0x1] =	stream.indirect.gather [hbm4b:s4+s8], $0x10, s26, s8, $0xb8;
	[tilespmem:$0x1FC10] =	vst v63  }
0x26: {  	s6 =	simm.s32 $0x6C00  }
0x27: {  	[tilespmem:s6], [sflag:$0x1] =	stream.indirect.gather [hbm4b:s4+s8], $0x10, s8, s8, $0xb8;
	[tilespmem:$0x1FC10] =	vst v63  }
0x28: {  	s7 =	simm.s32 $0x100;
	s5 =	simm.s32 $0x7400  }
0x29: {  	[tilespmem:s5], [sflag:$0x1] =	stream.indirect.gather [hbm4b:s4+s8], $0x10, s7, s8, $0xb8;
	[tilespmem:$0x1FC10] =	vst v63  }
0x2a: {  	s6 =	simm.s32 $0x180;
	s7 =	simm.s32 $0x7C00  }
0x2b: {  	[tilespmem:s7], [sflag:$0x1] =	stream.indirect.gather [hbm4b:s4+s8], $0x10, s6, s8, $0xb8;
	[tilespmem:$0x1FC10] =	vst v63  }
0x2c: {  	s6 =	simm.s32 $0x200;
	s7 =	simm.s32 $0x8400  }
0x2d: {  	[tilespmem:s7], [sflag:$0x1] =	stream.indirect.gather [hbm4b:s4+s8], $0x10, s6, s8, $0xb8;
	[tilespmem:$0x1FC10] =	vst v63  }
0x2e: {  	s6 =	simm.s32 $0x280;
	s7 =	simm.s32 $0x8C00  }
0x2f: {  	[tilespmem:s7], [sflag:$0x1] =	stream.indirect.gather [hbm4b:s4+s8], $0x10, s6, s8, $0xb8;
	[tilespmem:$0x1FC10] =	vst v63  }
0x30: {  	s6 =	simm.s32 $0x300;
	s7 =	simm.s32 $0x9400  }
0x31: {  	[tilespmem:s7], [sflag:$0x1] =	stream.indirect.gather [hbm4b:s4+s8], $0x10, s6, s8, $0xb8;
	[tilespmem:$0x1FC10] =	vst v63  }
0x32: {  	s6 =	simm.s32 $0x380;
	s7 =	simm.s32 $0x9C00  }
0x33: {  	[tilespmem:s7], [sflag:$0x1] =	stream.indirect.gather [hbm4b:s4+s8], $0x10, s6, s8, $0xb8;
	[tilespmem:$0x1FC10] =	vst v63  }
0x34: {  	s6 =	simm.s32 $0x400;
	s7 =	simm.s32 $0xA400  }
0x35: {  	[tilespmem:s7], [sflag:$0x1] =	stream.indirect.gather [hbm4b:s4+s8], $0x10, s6, s8, $0xb8;
	[tilespmem:$0x1FC10] =	vst v63  }
0x36: {  	s6 =	simm.s32 $0x480;
	s7 =	simm.s32 $0xAC00  }
0x37: {  	[tilespmem:s7], [sflag:$0x1] =	stream.indirect.gather [hbm4b:s4+s8], $0x10, s6, s8, $0xb8;
	[tilespmem:$0x1FC10] =	vst v63  }
0x38: {  	s6 =	simm.s32 $0x500;
	s7 =	simm.s32 $0xB400  }
0x39: {  	[tilespmem:s7], [sflag:$0x1] =	stream.indirect.gather [hbm4b:s4+s8], $0x10, s6, s8, $0xb8;
	[tilespmem:$0x1FC10] =	vst v63  }
0x3a: {  	s6 =	simm.s32 $0x580;
	s7 =	simm.s32 $0xBC00  }
0x3b: {  	[tilespmem:s7], [sflag:$0x1] =	stream.indirect.gather [hbm4b:s4+s8], $0x10, s6, s8, $0xb8;
	[tilespmem:$0x1FC10] =	vst v63  }
0x3c: {  	s6 =	simm.s32 $0x600;
	s7 =	simm.s32 $0xC400  }
0x3d: {  	[tilespmem:s7], [sflag:$0x1] =	stream.indirect.gather [hbm4b:s4+s8], $0x10, s6, s8, $0xb8;
	[tilespmem:$0x1FC10] =	vst v63  }
0x3e: {  	s6 =	simm.s32 $0x680;
	s7 =	simm.s32 $0xCC00  }
0x3f: {  	[tilespmem:s7], [sflag:$0x1] =	stream.indirect.gather [hbm4b:s4+s8], $0x10, s6, s8, $0xb8;
	[tilespmem:$0x1FC10] =	vst v63  }
0x40: {  	s6 =	simm.s32 $0x700;
	s7 =	simm.s32 $0xD400  }
0x41: {  	[tilespmem:s7], [sflag:$0x1] =	stream.indirect.gather [hbm4b:s4+s8], $0x10, s6, s8, $0xb8;
	[tilespmem:$0x1FC10] =	vst v63  }
0x42: {  	s6 =	simm.s32 $0x780;
	s7 =	simm.s32 $0xDC00  }
0x43: {  	[tilespmem:s7], [sflag:$0x1] =	stream.indirect.gather [hbm4b:s4+s8], $0x10, s6, s8, $0xb8;
	[tilespmem:$0x1FC10] =	vst v63  }
0x44: {  	s6 =	simm.s32 $0x800;
	s7 =	simm.s32 $0xE400  }
0x45: {  	[tilespmem:s7], [sflag:$0x1] =	stream.indirect.gather [hbm4b:s4+s8], $0x10, s6, s8, $0xb8;
	[tilespmem:$0x1FC10] =	vst v63  }
0x46: {  	s6 =	simm.s32 $0x880;
	s7 =	simm.s32 $0xEC00  }
0x47: {  	[tilespmem:s7], [sflag:$0x1] =	stream.indirect.gather [hbm4b:s4+s8], $0x10, s6, s8, $0xb8;
	[tilespmem:$0x1FC10] =	vst v63  }
0x48: {  	s6 =	simm.s32 $0x900;
	s7 =	simm.s32 $0xF400  }
0x49: {  	[tilespmem:s7], [sflag:$0x1] =	stream.indirect.gather [hbm4b:s4+s8], $0x10, s6, s8, $0xb8;
	[tilespmem:$0x1FC10] =	vst v63  }
0x4a: {  	s6 =	simm.s32 $0x980;
	s7 =	simm.s32 $0xFC00  }
0x4b: {  	[tilespmem:s7], [sflag:$0x1] =	stream.indirect.gather [hbm4b:s4+s8], $0x10, s6, s8, $0xb8;
	[tilespmem:$0x1FC10] =	vst v63  }
0x4c: {  	s6 =	simm.s32 $0xA00;
	s7 =	simm.s32 $0x10400  }
0x4d: {  	[tilespmem:s7], [sflag:$0x1] =	stream.indirect.gather [hbm4b:s4+s8], $0x10, s6, s8, $0xb8;
	[tilespmem:$0x1FC10] =	vst v63  }
0x4e: {  	s6 =	simm.s32 $0xA80;
	s7 =	simm.s32 $0x10C00  }
0x4f: {  	[tilespmem:s7], [sflag:$0x1] =	stream.indirect.gather [hbm4b:s4+s8], $0x10, s6, s8, $0xb8;
	[tilespmem:$0x1FC10] =	vst v63  }
0x50: {  	s6 =	simm.s32 $0xB00;
	s7 =	simm.s32 $0x11400  }
0x51: {  	[tilespmem:s7], [sflag:$0x1] =	stream.indirect.gather [hbm4b:s4+s8], $0x10, s6, s8, $0xb8;
	[tilespmem:$0x1FC10] =	vst v63  }
0x52: {  	s6 =	simm.s32 $0xB80;
	s7 =	simm.s32 $0x11C00  }
0x53: {  	[tilespmem:s7], [sflag:$0x1] =	stream.indirect.gather [hbm4b:s4+s8], $0x10, s6, s8, $0xb8;
	[tilespmem:$0x1FC10] =	vst v63  }
0x54: {  	s6 =	simm.s32 $0xC00;
	s7 =	simm.s32 $0x12400  }
0x55: {  	[tilespmem:s7], [sflag:$0x1] =	stream.indirect.gather [hbm4b:s4+s8], $0x10, s6, s8, $0xb8;
	[tilespmem:$0x1FC10] =	vst v63  }
.LBB2_4:
0x56: {  	s5 =	smul.u32 $0x6400, s26;
	_ =	sdelay $0x1  }
0x57: {  	s5 =	sshra.s32 s5, $0x2  }
0x58: {  	s3 =	simm.s32 $0x12C00;
	s6 =	sadd.s32 $0xC80, s5  }
0x59: {  	[tilespmem:s3], [sflag:$0x2] =	stream.indirect.gather [hbm4b:s4+s8], $0x10, s6, s8, $0xb8;
	[tilespmem:$0x1FC10] =	vst v63  }
0x5a: {  	s7 =	simm.s32 $0x13400;
	s3 =	sadd.s32 $0xD00, s5  }
0x5b: {  	[tilespmem:s7], [sflag:$0x2] =	stream.indirect.gather [hbm4b:s4+s8], $0x10, s3, s8, $0xb8;
	[tilespmem:$0x1FC10] =	vst v63  }
0x5c: {  	s3 =	sadd.s32 $0xD80, s5;
	s7 =	simm.s32 $0x13C00  }
0x5d: {  	[tilespmem:s7], [sflag:$0x2] =	stream.indirect.gather [hbm4b:s4+s8], $0x10, s3, s8, $0xb8;
	[tilespmem:$0x1FC10] =	vst v63  }
0x5e: {  	s3 =	sadd.s32 $0xE00, s5  }
0x5f: {  	[tilespmem:s10], [sflag:$0x2] =	stream.indirect.gather [hbm4b:s4+s8], $0x10, s3, s8, $0xb8;
	[tilespmem:$0x1FC10] =	vst v63  }
0x60: {  	s7 =	sadd.s32 $0xE80, s5  }
0x61: {  	[tilespmem:s12], [sflag:$0x2] =	stream.indirect.gather [hbm4b:s4+s8], $0x10, s7, s8, $0xb8;
	[tilespmem:$0x1FC10] =	vst v63  }
0x62: {  	s3 =	sadd.s32 $0xF00, s5  }
0x63: {  	[tilespmem:s13], [sflag:$0x2] =	stream.indirect.gather [hbm4b:s4+s8], $0x10, s3, s8, $0xb8;
	[tilespmem:$0x1FC10] =	vst v63  }
0x64: {  	s7 =	sadd.s32 $0xF80, s5  }
0x65: {  	[tilespmem:s15], [sflag:$0x2] =	stream.indirect.gather [hbm4b:s4+s8], $0x10, s7, s8, $0xb8;
	[tilespmem:$0x1FC10] =	vst v63  }
0x66: {  	s3 =	sadd.s32 $0x1000, s5  }
0x67: {  	[tilespmem:s17], [sflag:$0x2] =	stream.indirect.gather [hbm4b:s4+s8], $0x10, s3, s8, $0xb8;
	[tilespmem:$0x1FC10] =	vst v63  }
0x68: {  	s7 =	sadd.s32 $0x1080, s5  }
0x69: {  	[tilespmem:s19], [sflag:$0x2] =	stream.indirect.gather [hbm4b:s4+s8], $0x10, s7, s8, $0xb8;
	[tilespmem:$0x1FC10] =	vst v63  }
0x6a: {  	s3 =	sadd.s32 $0x1100, s5  }
0x6b: {  	[tilespmem:s21], [sflag:$0x2] =	stream.indirect.gather [hbm4b:s4+s8], $0x10, s3, s8, $0xb8;
	[tilespmem:$0x1FC10] =	vst v63  }
0x6c: {  	s7 =	sadd.s32 $0x1180, s5  }
0x6d: {  	[tilespmem:s23], [sflag:$0x2] =	stream.indirect.gather [hbm4b:s4+s8], $0x10, s7, s8, $0xb8;
	[tilespmem:$0x1FC10] =	vst v63  }
0x6e: {  	s3 =	sadd.s32 $0x1200, s5  }
0x6f: {  	[tilespmem:s25], [sflag:$0x2] =	stream.indirect.gather [hbm4b:s4+s8], $0x10, s3, s8, $0xb8;
	[tilespmem:$0x1FC10] =	vst v63  }
0x70: {  	s7 =	sadd.s32 $0x1280, s5  }
0x71: {  	[tilespmem:s28], [sflag:$0x2] =	stream.indirect.gather [hbm4b:s4+s8], $0x10, s7, s8, $0xb8;
	[tilespmem:$0x1FC10] =	vst v63  }
0x72: {  	s3 =	sadd.s32 $0x1300, s5  }
0x73: {  	[tilespmem:s30], [sflag:$0x2] =	stream.indirect.gather [hbm4b:s4+s8], $0x10, s3, s8, $0xb8;
	[tilespmem:$0x1FC10] =	vst v63  }
0x74: {  	s7 =	sadd.s32 $0x1380, s5  }
0x75: {  	[tilespmem:s1], [sflag:$0x2] =	stream.indirect.gather [hbm4b:s4+s8], $0x10, s7, s8, $0xb8;
	[tilespmem:$0x1FC10] =	vst v63  }
0x76: {  	s3 =	sadd.s32 $0x1400, s5  }
0x77: {  	[tilespmem:s2], [sflag:$0x2] =	stream.indirect.gather [hbm4b:s4+s8], $0x10, s3, s8, $0xb8;
	[tilespmem:$0x1FC10] =	vst v63  }
0x78: {  	s7 =	sadd.s32 $0x1480, s5  }
0x79: {  	[tilespmem:s11], [sflag:$0x2] =	stream.indirect.gather [hbm4b:s4+s8], $0x10, s7, s8, $0xb8;
	[tilespmem:$0x1FC10] =	vst v63  }
0x7a: {  	s3 =	sadd.s32 $0x1500, s5  }
0x7b: {  	[tilespmem:s16], [sflag:$0x2] =	stream.indirect.gather [hbm4b:s4+s8], $0x10, s3, s8, $0xb8;
	[tilespmem:$0x1FC10] =	vst v63  }
0x7c: {  	s7 =	sadd.s32 $0x1580, s5  }
0x7d: {  	[tilespmem:s20], [sflag:$0x2] =	stream.indirect.gather [hbm4b:s4+s8], $0x10, s7, s8, $0xb8;
	[tilespmem:$0x1FC10] =	vst v63  }
0x7e: {  	s3 =	sadd.s32 $0x1600, s5  }
0x7f: {  	[tilespmem:s24], [sflag:$0x2] =	stream.indirect.gather [hbm4b:s4+s8], $0x10, s3, s8, $0xb8;
	[tilespmem:$0x1FC10] =	vst v63  }
0x80: {  	s7 =	sadd.s32 $0x1680, s5  }
0x81: {  	[tilespmem:s29], [sflag:$0x2] =	stream.indirect.gather [hbm4b:s4+s8], $0x10, s7, s8, $0xb8;
	[tilespmem:$0x1FC10] =	vst v63  }
0x82: {  	s3 =	sadd.s32 $0x1700, s5  }
0x83: {  	[tilespmem:s0], [sflag:$0x2] =	stream.indirect.gather [hbm4b:s4+s8], $0x10, s3, s8, $0xb8;
	[tilespmem:$0x1FC10] =	vst v63  }
0x84: {  	s7 =	sadd.s32 $0x1780, s5  }
0x85: {  	[tilespmem:s14], [sflag:$0x2] =	stream.indirect.gather [hbm4b:s4+s8], $0x10, s7, s8, $0xb8;
	[tilespmem:$0x1FC10] =	vst v63  }
0x86: {  	s3 =	sadd.s32 $0x1800, s5  }
0x87: {  	[tilespmem:s22], [sflag:$0x2] =	stream.indirect.gather [hbm4b:s4+s8], $0x10, s3, s8, $0xb8;
	[tilespmem:$0x1FC10] =	vst v63  }
0x88: {  	s7 =	sadd.s32 $0x1880, s5  }
0x89: {  	[tilespmem:s31], [sflag:$0x2] =	stream.indirect.gather [hbm4b:s4+s8], $0x10, s7, s8, $0xb8;
	[tilespmem:$0x1FC10] =	vst v63  }
0x8a: {  	_ =	swait.ge [sflag:s18], $0x800  }
0x8b: {  	[sflag:s18] =	ssyncset.done $0x0  }
0x8c: {  	[sflag:s18] =	ssyncadd.s32 $0xFFFFF800  }
0x8d: {  	_ =	swait.ge [sflag:s18], $0x800  }
0x8e: {  	[sflag:s18] =	ssyncset.done $0x0  }
0x8f: {  	[sflag:s18] =	ssyncadd.s32 $0xFFFFF800  }
0x90: {  	_ =	swait.ge [sflag:s18], $0x800  }
0x91: {  	[sflag:s18] =	ssyncset.done $0x0  }
0x92: {  	[sflag:s18] =	ssyncadd.s32 $0xFFFFF800  }
0x93: {  	_ =	swait.ge [sflag:s18], $0x800  }
0x94: {  	[sflag:s18] =	ssyncset.done $0x0  }
0x95: {  	[sflag:s18] =	ssyncadd.s32 $0xFFFFF800  }
0x96: {  	_ =	swait.ge [sflag:s18], $0x800  }
0x97: {  	[sflag:s18] =	ssyncset.done $0x0  }
0x98: {  	[sflag:s18] =	ssyncadd.s32 $0xFFFFF800  }
0x99: {  	_ =	swait.ge [sflag:s18], $0x800  }
0x9a: {  	[sflag:s18] =	ssyncset.done $0x0  }
0x9b: {  	[sflag:s18] =	ssyncadd.s32 $0xFFFFF800  }
0x9c: {  	_ =	swait.ge [sflag:s18], $0x800  }
0x9d: {  	[sflag:s18] =	ssyncset.done $0x0  }
0x9e: {  	[sflag:s18] =	ssyncadd.s32 $0xFFFFF800  }
0x9f: {  	_ =	swait.ge [sflag:s18], $0x800  }
0xa0: {  	[sflag:s18] =	ssyncset.done $0x0  }
0xa1: {  	[sflag:s18] =	ssyncadd.s32 $0xFFFFF800  }
0xa2: {  	_ =	swait.ge [sflag:s18], $0x800  }
0xa3: {  	[sflag:s18] =	ssyncset.done $0x0  }
0xa4: {  	[sflag:s18] =	ssyncadd.s32 $0xFFFFF800  }
0xa5: {  	_ =	swait.ge [sflag:s18], $0x800  }
0xa6: {  	[sflag:s18] =	ssyncset.done $0x0  }
0xa7: {  	[sflag:s18] =	ssyncadd.s32 $0xFFFFF800  }
0xa8: {  	_ =	swait.ge [sflag:s18], $0x800  }
0xa9: {  	[sflag:s18] =	ssyncset.done $0x0  }
0xaa: {  	[sflag:s18] =	ssyncadd.s32 $0xFFFFF800  }
0xab: {  	_ =	swait.ge [sflag:s18], $0x800  }
0xac: {  	[sflag:s18] =	ssyncset.done $0x0  }
0xad: {  	[sflag:s18] =	ssyncadd.s32 $0xFFFFF800  }
0xae: {  	_ =	swait.ge [sflag:s18], $0x800  }
0xaf: {  	[sflag:s18] =	ssyncset.done $0x0  }
0xb0: {  	[sflag:s18] =	ssyncadd.s32 $0xFFFFF800  }
0xb1: {  	_ =	swait.ge [sflag:s18], $0x800  }
0xb2: {  	[sflag:s18] =	ssyncset.done $0x0  }
0xb3: {  	[sflag:s18] =	ssyncadd.s32 $0xFFFFF800  }
0xb4: {  	_ =	swait.ge [sflag:s18], $0x800  }
0xb5: {  	[sflag:s18] =	ssyncset.done $0x0  }
0xb6: {  	[sflag:s18] =	ssyncadd.s32 $0xFFFFF800  }
0xb7: {  	_ =	swait.ge [sflag:s18], $0x800  }
0xb8: {  	[sflag:s18] =	ssyncset.done $0x0  }
0xb9: {  	[sflag:s18] =	ssyncadd.s32 $0xFFFFF800  }
0xba: {  	_ =	swait.ge [sflag:s18], $0x800  }
0xbb: {  	[sflag:s18] =	ssyncset.done $0x0  }
0xbc: {  	[sflag:s18] =	ssyncadd.s32 $0xFFFFF800  }
0xbd: {  	_ =	swait.ge [sflag:s18], $0x800  }
0xbe: {  	[sflag:s18] =	ssyncset.done $0x0  }
0xbf: {  	[sflag:s18] =	ssyncadd.s32 $0xFFFFF800  }
0xc0: {  	_ =	swait.ge [sflag:s18], $0x800  }
0xc1: {  	[sflag:s18] =	ssyncset.done $0x0  }
0xc2: {  	[sflag:s18] =	ssyncadd.s32 $0xFFFFF800  }
0xc3: {  	_ =	swait.ge [sflag:s18], $0x800  }
0xc4: {  	[sflag:s18] =	ssyncset.done $0x0  }
0xc5: {  	[sflag:s18] =	ssyncadd.s32 $0xFFFFF800  }
0xc6: {  	_ =	swait.ge [sflag:s18], $0x800  }
0xc7: {  	[sflag:s18] =	ssyncset.done $0x0  }
0xc8: {  	[sflag:s18] =	ssyncadd.s32 $0xFFFFF800  }
0xc9: {  	_ =	swait.ge [sflag:s18], $0x800  }
0xca: {  	[sflag:s18] =	ssyncset.done $0x0  }
0xcb: {  	[sflag:s18] =	ssyncadd.s32 $0xFFFFF800  }
0xcc: {  	_ =	swait.ge [sflag:s18], $0x800  }
0xcd: {  	[sflag:s18] =	ssyncset.done $0x0  }
0xce: {  	[sflag:s18] =	ssyncadd.s32 $0xFFFFF800  }
0xcf: {  	_ =	swait.ge [sflag:s18], $0x800  }
0xd0: {  	[sflag:s18] =	ssyncset.done $0x0  }
0xd1: {  	[sflag:s18] =	ssyncadd.s32 $0xFFFFF800  }
0xd2: {  	_ =	swait.ge [sflag:s18], $0x800  }
0xd3: {  	[sflag:s18] =	ssyncset.done $0x0  }
0xd4: {  	s6 =	simm.s32 $0x0;
	[sflag:s18] =	ssyncadd.s32 $0xFFFFF800  }
0xd5: {  	v4 =	vld [tilespmem:s6+$0xFC00]  }
0xd6: {  	v5 =	vld [tilespmem:s6+$0xFC10]  }
0xd7: {  	v11 =	vld [tilespmem:s6+$0xD400]  }
0xd8: {  	v0 =	vld [tilespmem:s6+$0x10400]  }
0xd9: {  	v2 =	vld [tilespmem:s6+$0x10C00]  }
0xda: {  	v1 =	vld [tilespmem:s6+$0x11400]  }
0xdb: {  	v3 =	vld [tilespmem:s6+$0x11C00]  }
0xdc: {  	v13 =	vld [tilespmem:s6+$0xD410]  }
0xdd: {  	v10 =	vld [tilespmem:s6+$0x8400]  }
0xde: {  	v12 =	vld [tilespmem:s6+$0xAC00]  }
0xdf: {  	v6 =	vld [tilespmem:s6+$0xDC00]  }
0xe0: {  	v8 =	vld [tilespmem:s6+$0xE400]  }
0xe1: {  	v7 =	vld [tilespmem:s6+$0xEC00]  }
0xe2: {  	v14 =	vld [tilespmem:s6+$0x8410]  }
0xe3: {  	v15 =	vld [tilespmem:s6+$0xAC10]  }
0xe4: {  	v23 =	vld [tilespmem:s6+$0xB400]  }
0xe5: {  	v24 =	vld [tilespmem:s6+$0xBC00]  }
0xe6: {  	v9 =	vld [tilespmem:s6+$0xC400]  }
0xe7: {  	v16 =	vld [tilespmem:s6+$0x6400]  }
0xe8: {  	v17 =	vld [tilespmem:s6+$0x6C00]  }
0xe9: {  	v18 =	vld [tilespmem:s6+$0x7400]  }
0xea: {  	v19 =	vld [tilespmem:s6+$0x7C00]  }
0xeb: {  	v20 =	vld [tilespmem:s6+$0x8C00]  }
0xec: {  	v21 =	vld [tilespmem:s6+$0x9400]  }
0xed: {  	v22 =	vld [tilespmem:s6+$0x9C00]  }
0xee: {  	v25 =	vld [tilespmem:s6+$0xA400]  }
0xef: {  	v26 =	vld [tilespmem:s6+$0x6410]  }
0xf0: {  	v27 =	vld [tilespmem:s6+$0x6C10]  }
0xf1: {  	v28 =	vld [tilespmem:s6+$0x7410]  }
0xf2: {  	v29 =	vld [tilespmem:s6+$0x7C10]  }
0xf3: {  	v30 =	vld [tilespmem:s6+$0x8C10]  }
0xf4: {  	v31 =	vld [tilespmem:s6+$0x9410]  }
0xf5: {  	v32 =	vld [tilespmem:s6+$0x9C10]  }
0xf6: {  	v33 =	vld [tilespmem:s6+$0xA410]  }
0xf7: {  	v34 =	vadd.f32 v12, v10;
	v10 =	vld [tilespmem:s6+$0xCC00];
	v35 =	vadd.f32 v15, v14  }
0xf8: {  	v36 =	vadd.f32 v20, v16;
	v37 =	vadd.f32 v21, v17;
	v12 =	vld [tilespmem:s6+$0xB410]  }
0xf9: {  	v16 =	vadd.f32 v22, v18;
	v17 =	vadd.f32 v25, v19;
	v14 =	vld [tilespmem:s6+$0xBC10]  }
0xfa: {  	v18 =	vadd.f32 v30, v26;
	v19 =	vadd.f32 v31, v27;
	v15 =	vld [tilespmem:s6+$0xC410]  }
0xfb: {  	v20 =	vadd.f32 v32, v28;
	v21 =	vadd.f32 v33, v29;
	v25 =	vld [tilespmem:s6+$0xCC10]  }
0xfc: {  	v22 =	vadd.f32 v11, v34;
	v11 =	vld [tilespmem:s6+$0xF400];
	v26 =	vadd.f32 v13, v35  }
0xfd: {  	s7 =	simm.s32 $0x80;
	v23 =	vadd.f32 v23, v36;
	v24 =	vadd.f32 v24, v37;
	v13 =	vld [tilespmem:s6+$0xDC10]  }
.LBB2_5:
0xfe: {  	p0 =	sne.s32 s7, $0x1F80;
	v9 =	vadd.f32 v9, v16;
	v10 =	vadd.f32 v10, v17;
	v16 =	vld [tilespmem:s6+$0xE410]  }
0xff: {  	v12 =	vadd.f32 v12, v18;
	v14 =	vadd.f32 v14, v19;
	v17 =	vld [tilespmem:s6+$0xEC10]  }
0x100: {  	v15 =	vadd.f32 v15, v20;
	v18 =	vadd.f32 v25, v21;
	v19 =	vld [tilespmem:s6+$0xF410]  }
0x101: {  	v20 =	vadd.f32 v4, v22;
	v21 =	vadd.f32 v5, v26;
	v22 =	vld [tilespmem:s6+$0x10410]  }
0x102: {  	v4 =	vadd.f32 v6, v23;
	v5 =	vadd.f32 v8, v24;
	v6 =	vld [tilespmem:s6+$0x10C10]  }
0x103: {  	v7 =	vadd.f32 v7, v9;
	v8 =	vadd.f32 v11, v10;
	v9 =	vld [tilespmem:s6+$0x11410]  }
0x104: {  	v10 =	vadd.f32 v13, v12;
	v11 =	vadd.f32 v16, v14;
	v12 =	vld [tilespmem:s6+$0x11C10]  }
0x105: {  	v14 =	vadd.f32 v17, v15;
	v13 =	vld [tilespmem:s6+$0x12400];
	v15 =	vadd.f32 v19, v18  }
0x106: {  	s3 =	sshra.s32 s7, $0x2;
	v2 =	vadd.f32 v2, v5;
	v16 =	vadd.f32 v0, v4;
	v17 =	vld [tilespmem:s6+$0x12410]  }
0x107: {  	v1 =	vadd.f32 v1, v7;
	v3 =	vadd.f32 v3, v8;
	v4 =	vld [tilespmem:s3+$0xFC00]  }
0x108: {  	v7 =	vadd.f32 v22, v10;
	v6 =	vadd.f32 v6, v11;
	v5 =	vld [tilespmem:s3+$0xFC10]  }
0x109: {  	v8 =	vadd.f32 v9, v14;
	v11 =	vld [tilespmem:s3+$0xD400];
	v9 =	vadd.f32 v12, v15  }
0x10a: {  	v2 =	vadd.f32 v2, v16;
	v1 =	vadd.f32 v3, v1;
	v0 =	vld [tilespmem:s3+$0x10400]  }
0x10b: {  	v3 =	vadd.f32 v6, v7;
	v10 =	vld [tilespmem:s6+$0x1F400];
	v6 =	vadd.f32 v9, v8  }
0x10c: {  	v7 =	vadd.f32 v13, v20;
	v8 =	vadd.f32 v1, v2;
	v9 =	vld [tilespmem:s6+$0x1F410]  }
0x10d: {  	v12 =	vadd.f32 v17, v21;
	v2 =	vld [tilespmem:s3+$0x10C00];
	v6 =	vadd.f32 v6, v3  }
0x10e: {  	v7 =	vadd.f32 v8, v7;
	v1 =	vld [tilespmem:s3+$0x11400]  }
0x10f: {  	v3 =	vld [tilespmem:s3+$0x11C00];
	v6 =	vadd.f32 v6, v12  }
0x110: {  	v13 =	vld [tilespmem:s3+$0xD410];
	v7 =	vadd.f32 v7, v10  }
0x111: {  	v10 =	vld [tilespmem:s3+$0x8400];
	v8 =	vadd.f32 v6, v9  }
0x112: {  	v12 =	vld [tilespmem:s3+$0xAC00];
	[tilespmem:s6+$0x1F400] =	vst v7  }
0x113: {  	v6 =	vld [tilespmem:s3+$0xDC00];
	[tilespmem:s6+$0x1F410] =	vst v8;
	s6 =	smov.u32 s3  }
0x114: {  	v8 =	vld [tilespmem:s6+$0xE400]  }
0x115: {  	v7 =	vld [tilespmem:s6+$0xEC00]  }
0x116: {  	v14 =	vld [tilespmem:s6+$0x8410]  }
0x117: {  	v15 =	vld [tilespmem:s6+$0xAC10]  }
0x118: {  	v23 =	vld [tilespmem:s6+$0xB400]  }
0x119: {  	v24 =	vld [tilespmem:s6+$0xBC00]  }
0x11a: {  	v9 =	vld [tilespmem:s6+$0xC400]  }
0x11b: {  	v16 =	vld [tilespmem:s6+$0x6400]  }
0x11c: {  	v17 =	vld [tilespmem:s6+$0x6C00]  }
0x11d: {  	v18 =	vld [tilespmem:s6+$0x7400]  }
0x11e: {  	v19 =	vld [tilespmem:s6+$0x7C00]  }
0x11f: {  	v20 =	vld [tilespmem:s6+$0x8C00]  }
0x120: {  	v21 =	vld [tilespmem:s6+$0x9400]  }
0x121: {  	v22 =	vld [tilespmem:s6+$0x9C00]  }
0x122: {  	v25 =	vld [tilespmem:s6+$0xA400]  }
0x123: {  	v26 =	vld [tilespmem:s6+$0x6410]  }
0x124: {  	v27 =	vld [tilespmem:s6+$0x6C10]  }
0x125: {  	v28 =	vld [tilespmem:s6+$0x7410]  }
0x126: {  	v29 =	vld [tilespmem:s6+$0x7C10]  }
0x127: {  	v30 =	vld [tilespmem:s6+$0x8C10]  }
0x128: {  	v31 =	vld [tilespmem:s6+$0x9410]  }
0x129: {  	v32 =	vld [tilespmem:s6+$0x9C10]  }
0x12a: {  	v33 =	vld [tilespmem:s6+$0xA410]  }
0x12b: {  	v34 =	vadd.f32 v12, v10;
	v35 =	vadd.f32 v15, v14;
	v10 =	vld [tilespmem:s6+$0xCC00]  }
0x12c: {  	v36 =	vadd.f32 v20, v16;
	v37 =	vadd.f32 v21, v17;
	v12 =	vld [tilespmem:s6+$0xB410]  }
.Ltmp1:
0x12d: {  	v16 =	vadd.f32 v22, v18;
	v17 =	vadd.f32 v25, v19;
	v14 =	vld [tilespmem:s6+$0xBC10];
	(pc) =	sbr.rel @p0 .LBB2_5-.Ltmp1, $4  }
0x12e: {  	v18 =	vadd.f32 v30, v26;
	v19 =	vadd.f32 v31, v27;
	v15 =	vld [tilespmem:s6+$0xC410]  }
0x12f: {  	v20 =	vadd.f32 v32, v28;
	v21 =	vadd.f32 v33, v29;
	v25 =	vld [tilespmem:s6+$0xCC10]  }
0x130: {  	v22 =	vadd.f32 v11, v34;
	v26 =	vadd.f32 v13, v35;
	v11 =	vld [tilespmem:s6+$0xF400]  }
0x131: {  	s7 =	sadd.s32 $0x80, s7;
	v23 =	vadd.f32 v23, v36;
	v24 =	vadd.f32 v24, v37;
	v13 =	vld [tilespmem:s6+$0xDC10]  }
0x132: {  	v9 =	vadd.f32 v9, v16;
	v10 =	vadd.f32 v10, v17;
	v42 =	vld [tilespmem:s6+$0xE410]  }
0x133: {  	v12 =	vadd.f32 v12, v18;
	v14 =	vadd.f32 v14, v19;
	v43 =	vld [tilespmem:s6+$0xEC10]  }
0x134: {  	v45 =	vld [tilespmem:s6+$0xF410];
	v4 =	vadd.f32 v4, v22;
	v5 =	vadd.f32 v5, v26  }
0x135: {  	v46 =	vld [tilespmem:s6+$0x10410];
	v15 =	vadd.f32 v15, v20;
	v6 =	vadd.f32 v6, v23  }
0x136: {  	v47 =	vld [tilespmem:s6+$0x10C10];
	v8 =	vadd.f32 v8, v24;
	v44 =	vadd.f32 v25, v21  }
0x137: {  	v49 =	vld [tilespmem:s6+$0x11410];
	v7 =	vadd.f32 v7, v9;
	v48 =	vadd.f32 v11, v10  }
0x138: {  	v52 =	vld [tilespmem:s6+$0x11C10];
	v0 =	vadd.f32 v0, v6;
	v2 =	vadd.f32 v2, v8  }
0x139: {  	v50 =	vadd.f32 v13, v12;
	v1 =	vadd.f32 v1, v7  }
0x13a: {  	v51 =	vadd.f32 v42, v14;
	v53 =	vadd.f32 v43, v15  }
0x13b: {  	v55 =	vld [tilespmem:s6+$0x12400];
	v54 =	vadd.f32 v45, v44;
	v3 =	vadd.f32 v3, v48  }
0x13c: {  	v56 =	vld [tilespmem:s6+$0x12410];
	v57 =	vadd.f32 v46, v50;
	v58 =	vadd.f32 v47, v51  }
0x13d: {  	v10 =	vadd.f32 v49, v53;
	v59 =	vadd.f32 v52, v54  }
0x13e: {  	v0 =	vadd.f32 v2, v0;
	v1 =	vadd.f32 v3, v1  }
0x13f: {  	v60 =	vld [tilespmem:s6+$0x1F400];
	v61 =	vadd.f32 v58, v57;
	v62 =	vadd.f32 v59, v10  }
0x140: {  	v63 =	vld [tilespmem:s6+$0x1F410];
	v4 =	vadd.f32 v55, v4;
	v0 =	vadd.f32 v1, v0  }
0x141: {  	v5 =	vadd.f32 v56, v5;
	v3 =	vadd.f32 v62, v61  }
0x142: {  	p0 =	seq.s32 s26, $0x3;
	v0 =	vadd.f32 v0, v4  }
.Ltmp2:
0x143: {  	v3 =	vadd.f32 v3, v5;
	(pc) =	sbr.rel @p0 .LBB2_8-.Ltmp2, $4  }
0x144: {  	v0 =	vadd.f32 v0, v60  }
0x145: {  	v1 =	vadd.f32 v3, v63  }
0x146: {  	[tilespmem:s6+$0x1F400] =	vst v0  }
0x147: {  	[tilespmem:s6+$0x1F410] =	vst v1  }
0x148: {  	s3 =	sadd.s32 $0x1900, s5;
	s6 =	simm.s32 $0x6400  }
0x149: {  	[tilespmem:s6], [sflag:$0x1] =	stream.indirect.gather [hbm4b:s4+s8], $0x10, s3, s8, $0xb8;
	[tilespmem:$0x1FC10] =	vst v63  }
0x14a: {  	s7 =	simm.s32 $0x6C00;
	s6 =	sadd.s32 $0x1980, s5  }
0x14b: {  	[tilespmem:s7], [sflag:$0x1] =	stream.indirect.gather [hbm4b:s4+s8], $0x10, s6, s8, $0xb8;
	[tilespmem:$0x1FC10] =	vst v63  }
0x14c: {  	s6 =	sadd.s32 $0x1A00, s5;
	s7 =	simm.s32 $0x7400  }
0x14d: {  	[tilespmem:s7], [sflag:$0x1] =	stream.indirect.gather [hbm4b:s4+s8], $0x10, s6, s8, $0xb8;
	[tilespmem:$0x1FC10] =	vst v63  }
0x14e: {  	s6 =	sadd.s32 $0x1A80, s5;
	s7 =	simm.s32 $0x7C00  }
0x14f: {  	[tilespmem:s7], [sflag:$0x1] =	stream.indirect.gather [hbm4b:s4+s8], $0x10, s6, s8, $0xb8;
	[tilespmem:$0x1FC10] =	vst v63  }
0x150: {  	s6 =	sadd.s32 $0x1B00, s5;
	s7 =	simm.s32 $0x8400  }
0x151: {  	[tilespmem:s7], [sflag:$0x1] =	stream.indirect.gather [hbm4b:s4+s8], $0x10, s6, s8, $0xb8;
	[tilespmem:$0x1FC10] =	vst v63  }
0x152: {  	s6 =	sadd.s32 $0x1B80, s5;
	s7 =	simm.s32 $0x8C00  }
0x153: {  	[tilespmem:s7], [sflag:$0x1] =	stream.indirect.gather [hbm4b:s4+s8], $0x10, s6, s8, $0xb8;
	[tilespmem:$0x1FC10] =	vst v63  }
0x154: {  	s6 =	sadd.s32 $0x1C00, s5;
	s7 =	simm.s32 $0x9400  }
0x155: {  	[tilespmem:s7], [sflag:$0x1] =	stream.indirect.gather [hbm4b:s4+s8], $0x10, s6, s8, $0xb8;
	[tilespmem:$0x1FC10] =	vst v63  }
0x156: {  	s6 =	sadd.s32 $0x1C80, s5;
	s7 =	simm.s32 $0x9C00  }
0x157: {  	[tilespmem:s7], [sflag:$0x1] =	stream.indirect.gather [hbm4b:s4+s8], $0x10, s6, s8, $0xb8;
	[tilespmem:$0x1FC10] =	vst v63  }
0x158: {  	s6 =	sadd.s32 $0x1D00, s5;
	s7 =	simm.s32 $0xA400  }
0x159: {  	[tilespmem:s7], [sflag:$0x1] =	stream.indirect.gather [hbm4b:s4+s8], $0x10, s6, s8, $0xb8;
	[tilespmem:$0x1FC10] =	vst v63  }
0x15a: {  	s6 =	sadd.s32 $0x1D80, s5;
	s7 =	simm.s32 $0xAC00  }
0x15b: {  	[tilespmem:s7], [sflag:$0x1] =	stream.indirect.gather [hbm4b:s4+s8], $0x10, s6, s8, $0xb8;
	[tilespmem:$0x1FC10] =	vst v63  }
0x15c: {  	s6 =	sadd.s32 $0x1E00, s5;
	s7 =	simm.s32 $0xB400  }
0x15d: {  	[tilespmem:s7], [sflag:$0x1] =	stream.indirect.gather [hbm4b:s4+s8], $0x10, s6, s8, $0xb8;
	[tilespmem:$0x1FC10] =	vst v63  }
0x15e: {  	s6 =	sadd.s32 $0x1E80, s5;
	s7 =	simm.s32 $0xBC00  }
0x15f: {  	[tilespmem:s7], [sflag:$0x1] =	stream.indirect.gather [hbm4b:s4+s8], $0x10, s6, s8, $0xb8;
	[tilespmem:$0x1FC10] =	vst v63  }
0x160: {  	s6 =	sadd.s32 $0x1F00, s5;
	s7 =	simm.s32 $0xC400  }
0x161: {  	[tilespmem:s7], [sflag:$0x1] =	stream.indirect.gather [hbm4b:s4+s8], $0x10, s6, s8, $0xb8;
	[tilespmem:$0x1FC10] =	vst v63  }
0x162: {  	s6 =	sadd.s32 $0x1F80, s5;
	s7 =	simm.s32 $0xCC00  }
0x163: {  	[tilespmem:s7], [sflag:$0x1] =	stream.indirect.gather [hbm4b:s4+s8], $0x10, s6, s8, $0xb8;
	[tilespmem:$0x1FC10] =	vst v63  }
0x164: {  	s6 =	sadd.s32 $0x2000, s5;
	s7 =	simm.s32 $0xD400  }
0x165: {  	[tilespmem:s7], [sflag:$0x1] =	stream.indirect.gather [hbm4b:s4+s8], $0x10, s6, s8, $0xb8;
	[tilespmem:$0x1FC10] =	vst v63  }
0x166: {  	s6 =	sadd.s32 $0x2080, s5;
	s7 =	simm.s32 $0xDC00  }
0x167: {  	[tilespmem:s7], [sflag:$0x1] =	stream.indirect.gather [hbm4b:s4+s8], $0x10, s6, s8, $0xb8;
	[tilespmem:$0x1FC10] =	vst v63  }
0x168: {  	s6 =	sadd.s32 $0x2100, s5;
	s7 =	simm.s32 $0xE400  }
0x169: {  	[tilespmem:s7], [sflag:$0x1] =	stream.indirect.gather [hbm4b:s4+s8], $0x10, s6, s8, $0xb8;
	[tilespmem:$0x1FC10] =	vst v63  }
0x16a: {  	s6 =	sadd.s32 $0x2180, s5;
	s7 =	simm.s32 $0xEC00  }
0x16b: {  	[tilespmem:s7], [sflag:$0x1] =	stream.indirect.gather [hbm4b:s4+s8], $0x10, s6, s8, $0xb8;
	[tilespmem:$0x1FC10] =	vst v63  }
0x16c: {  	s6 =	sadd.s32 $0x2200, s5;
	s7 =	simm.s32 $0xF400  }
0x16d: {  	[tilespmem:s7], [sflag:$0x1] =	stream.indirect.gather [hbm4b:s4+s8], $0x10, s6, s8, $0xb8;
	[tilespmem:$0x1FC10] =	vst v63  }
0x16e: {  	s6 =	sadd.s32 $0x2280, s5;
	s7 =	simm.s32 $0xFC00  }
0x16f: {  	[tilespmem:s7], [sflag:$0x1] =	stream.indirect.gather [hbm4b:s4+s8], $0x10, s6, s8, $0xb8;
	[tilespmem:$0x1FC10] =	vst v63  }
0x170: {  	s6 =	sadd.s32 $0x2300, s5;
	s7 =	simm.s32 $0x10400  }
0x171: {  	[tilespmem:s7], [sflag:$0x1] =	stream.indirect.gather [hbm4b:s4+s8], $0x10, s6, s8, $0xb8;
	[tilespmem:$0x1FC10] =	vst v63  }
0x172: {  	s6 =	sadd.s32 $0x2380, s5;
	s7 =	simm.s32 $0x10C00  }
0x173: {  	[tilespmem:s7], [sflag:$0x1] =	stream.indirect.gather [hbm4b:s4+s8], $0x10, s6, s8, $0xb8;
	[tilespmem:$0x1FC10] =	vst v63  }
0x174: {  	s6 =	sadd.s32 $0x2400, s5;
	s7 =	simm.s32 $0x11400  }
0x175: {  	[tilespmem:s7], [sflag:$0x1] =	stream.indirect.gather [hbm4b:s4+s8], $0x10, s6, s8, $0xb8;
	[tilespmem:$0x1FC10] =	vst v63  }
0x176: {  	s6 =	sadd.s32 $0x2480, s5;
	s7 =	simm.s32 $0x11C00  }
0x177: {  	[tilespmem:s7], [sflag:$0x1] =	stream.indirect.gather [hbm4b:s4+s8], $0x10, s6, s8, $0xb8;
	[tilespmem:$0x1FC10] =	vst v63  }
0x178: {  	s6 =	sadd.s32 $0x2500, s5;
	s7 =	simm.s32 $0x12400  }
0x179: {  	[tilespmem:s7], [sflag:$0x1] =	stream.indirect.gather [hbm4b:s4+s8], $0x10, s6, s8, $0xb8;
	[tilespmem:$0x1FC10] =	vst v63  }
.LBB2_8:
0x17a: {  	_ =	swait.ge [sflag:s9], $0x800  }
0x17b: {  	[sflag:s9] =	ssyncset.done $0x0  }
0x17c: {  	[sflag:s9] =	ssyncadd.s32 $0xFFFFF800  }
0x17d: {  	_ =	swait.ge [sflag:s9], $0x800  }
0x17e: {  	[sflag:s9] =	ssyncset.done $0x0  }
0x17f: {  	[sflag:s9] =	ssyncadd.s32 $0xFFFFF800  }
0x180: {  	_ =	swait.ge [sflag:s9], $0x800  }
0x181: {  	[sflag:s9] =	ssyncset.done $0x0  }
0x182: {  	[sflag:s9] =	ssyncadd.s32 $0xFFFFF800  }
0x183: {  	_ =	swait.ge [sflag:s9], $0x800  }
0x184: {  	[sflag:s9] =	ssyncset.done $0x0  }
0x185: {  	[sflag:s9] =	ssyncadd.s32 $0xFFFFF800  }
0x186: {  	_ =	swait.ge [sflag:s9], $0x800  }
0x187: {  	[sflag:s9] =	ssyncset.done $0x0  }
0x188: {  	[sflag:s9] =	ssyncadd.s32 $0xFFFFF800  }
0x189: {  	_ =	swait.ge [sflag:s9], $0x800  }
0x18a: {  	[sflag:s9] =	ssyncset.done $0x0  }
0x18b: {  	[sflag:s9] =	ssyncadd.s32 $0xFFFFF800  }
0x18c: {  	_ =	swait.ge [sflag:s9], $0x800  }
0x18d: {  	[sflag:s9] =	ssyncset.done $0x0  }
0x18e: {  	[sflag:s9] =	ssyncadd.s32 $0xFFFFF800  }
0x18f: {  	_ =	swait.ge [sflag:s9], $0x800  }
0x190: {  	[sflag:s9] =	ssyncset.done $0x0  }
0x191: {  	[sflag:s9] =	ssyncadd.s32 $0xFFFFF800  }
0x192: {  	_ =	swait.ge [sflag:s9], $0x800  }
0x193: {  	[sflag:s9] =	ssyncset.done $0x0  }
0x194: {  	[sflag:s9] =	ssyncadd.s32 $0xFFFFF800  }
0x195: {  	_ =	swait.ge [sflag:s9], $0x800  }
0x196: {  	[sflag:s9] =	ssyncset.done $0x0  }
0x197: {  	[sflag:s9] =	ssyncadd.s32 $0xFFFFF800  }
0x198: {  	_ =	swait.ge [sflag:s9], $0x800  }
0x199: {  	[sflag:s9] =	ssyncset.done $0x0  }
0x19a: {  	[sflag:s9] =	ssyncadd.s32 $0xFFFFF800  }
0x19b: {  	_ =	swait.ge [sflag:s9], $0x800  }
0x19c: {  	[sflag:s9] =	ssyncset.done $0x0  }
0x19d: {  	[sflag:s9] =	ssyncadd.s32 $0xFFFFF800  }
0x19e: {  	_ =	swait.ge [sflag:s9], $0x800  }
0x19f: {  	[sflag:s9] =	ssyncset.done $0x0  }
0x1a0: {  	[sflag:s9] =	ssyncadd.s32 $0xFFFFF800  }
0x1a1: {  	_ =	swait.ge [sflag:s9], $0x800  }
0x1a2: {  	[sflag:s9] =	ssyncset.done $0x0  }
0x1a3: {  	[sflag:s9] =	ssyncadd.s32 $0xFFFFF800  }
0x1a4: {  	_ =	swait.ge [sflag:s9], $0x800  }
0x1a5: {  	[sflag:s9] =	ssyncset.done $0x0  }
0x1a6: {  	[sflag:s9] =	ssyncadd.s32 $0xFFFFF800  }
0x1a7: {  	_ =	swait.ge [sflag:s9], $0x800  }
0x1a8: {  	[sflag:s9] =	ssyncset.done $0x0  }
0x1a9: {  	[sflag:s9] =	ssyncadd.s32 $0xFFFFF800  }
0x1aa: {  	_ =	swait.ge [sflag:s9], $0x800  }
0x1ab: {  	[sflag:s9] =	ssyncset.done $0x0  }
0x1ac: {  	[sflag:s9] =	ssyncadd.s32 $0xFFFFF800  }
0x1ad: {  	_ =	swait.ge [sflag:s9], $0x800  }
0x1ae: {  	[sflag:s9] =	ssyncset.done $0x0  }
0x1af: {  	[sflag:s9] =	ssyncadd.s32 $0xFFFFF800  }
0x1b0: {  	_ =	swait.ge [sflag:s9], $0x800  }
0x1b1: {  	[sflag:s9] =	ssyncset.done $0x0  }
0x1b2: {  	[sflag:s9] =	ssyncadd.s32 $0xFFFFF800  }
0x1b3: {  	_ =	swait.ge [sflag:s9], $0x800  }
0x1b4: {  	[sflag:s9] =	ssyncset.done $0x0  }
0x1b5: {  	[sflag:s9] =	ssyncadd.s32 $0xFFFFF800  }
0x1b6: {  	_ =	swait.ge [sflag:s9], $0x800  }
0x1b7: {  	[sflag:s9] =	ssyncset.done $0x0  }
0x1b8: {  	[sflag:s9] =	ssyncadd.s32 $0xFFFFF800  }
0x1b9: {  	_ =	swait.ge [sflag:s9], $0x800  }
0x1ba: {  	[sflag:s9] =	ssyncset.done $0x0  }
0x1bb: {  	[sflag:s9] =	ssyncadd.s32 $0xFFFFF800  }
0x1bc: {  	_ =	swait.ge [sflag:s9], $0x800  }
0x1bd: {  	[sflag:s9] =	ssyncset.done $0x0  }
0x1be: {  	[sflag:s9] =	ssyncadd.s32 $0xFFFFF800  }
0x1bf: {  	_ =	swait.ge [sflag:s9], $0x800  }
0x1c0: {  	[sflag:s9] =	ssyncset.done $0x0  }
0x1c1: {  	[sflag:s9] =	ssyncadd.s32 $0xFFFFF800  }
0x1c2: {  	_ =	swait.ge [sflag:s9], $0x800  }
0x1c3: {  	[sflag:s9] =	ssyncset.done $0x0  }
0x1c4: {  	s5 =	simm.s32 $0x0;
	[sflag:s9] =	ssyncadd.s32 $0xFFFFF800  }
0x1c5: {  	v4 =	vld [tilespmem:s5+$0x1C400]  }
0x1c6: {  	v5 =	vld [tilespmem:s5+$0x1C410]  }
0x1c7: {  	v11 =	vld [tilespmem:s5+$0x19C00]  }
0x1c8: {  	v0 =	vld [tilespmem:s5+$0x1CC00]  }
0x1c9: {  	v2 =	vld [tilespmem:s5+$0x1D400]  }
0x1ca: {  	v1 =	vld [tilespmem:s5+$0x1DC00]  }
0x1cb: {  	v3 =	vld [tilespmem:s5+$0x1E400]  }
0x1cc: {  	v13 =	vld [tilespmem:s5+$0x19C10]  }
0x1cd: {  	v10 =	vld [tilespmem:s5+$0x14C00]  }
0x1ce: {  	v12 =	vld [tilespmem:s5+$0x17400]  }
0x1cf: {  	v6 =	vld [tilespmem:s5+$0x1A400]  }
0x1d0: {  	v8 =	vld [tilespmem:s5+$0x1AC00]  }
0x1d1: {  	v7 =	vld [tilespmem:s5+$0x1B400]  }
0x1d2: {  	v14 =	vld [tilespmem:s5+$0x14C10]  }
0x1d3: {  	v15 =	vld [tilespmem:s5+$0x17410]  }
0x1d4: {  	v23 =	vld [tilespmem:s5+$0x17C00]  }
0x1d5: {  	v24 =	vld [tilespmem:s5+$0x18400]  }
0x1d6: {  	v9 =	vld [tilespmem:s5+$0x18C00]  }
0x1d7: {  	v16 =	vld [tilespmem:s5+$0x12C00]  }
0x1d8: {  	v17 =	vld [tilespmem:s5+$0x13400]  }
0x1d9: {  	v18 =	vld [tilespmem:s5+$0x13C00]  }
0x1da: {  	v19 =	vld [tilespmem:s5+$0x14400]  }
0x1db: {  	v20 =	vld [tilespmem:s5+$0x15400]  }
0x1dc: {  	v21 =	vld [tilespmem:s5+$0x15C00]  }
0x1dd: {  	v22 =	vld [tilespmem:s5+$0x16400]  }
0x1de: {  	v25 =	vld [tilespmem:s5+$0x16C00]  }
0x1df: {  	v26 =	vld [tilespmem:s5+$0x12C10]  }
0x1e0: {  	v27 =	vld [tilespmem:s5+$0x13410]  }
0x1e1: {  	v28 =	vld [tilespmem:s5+$0x13C10]  }
0x1e2: {  	v29 =	vld [tilespmem:s5+$0x14410]  }
0x1e3: {  	v30 =	vld [tilespmem:s5+$0x15410]  }
0x1e4: {  	v31 =	vld [tilespmem:s5+$0x15C10]  }
0x1e5: {  	v32 =	vld [tilespmem:s5+$0x16410]  }
0x1e6: {  	v33 =	vld [tilespmem:s5+$0x16C10]  }
0x1e7: {  	v34 =	vadd.f32 v12, v10;
	v10 =	vld [tilespmem:s5+$0x19400];
	v35 =	vadd.f32 v15, v14  }
0x1e8: {  	v36 =	vadd.f32 v20, v16;
	v37 =	vadd.f32 v21, v17;
	v12 =	vld [tilespmem:s5+$0x17C10]  }
0x1e9: {  	v16 =	vadd.f32 v22, v18;
	v17 =	vadd.f32 v25, v19;
	v14 =	vld [tilespmem:s5+$0x18410]  }
0x1ea: {  	v18 =	vadd.f32 v30, v26;
	v19 =	vadd.f32 v31, v27;
	v15 =	vld [tilespmem:s5+$0x18C10]  }
0x1eb: {  	v20 =	vadd.f32 v32, v28;
	v21 =	vadd.f32 v33, v29;
	v25 =	vld [tilespmem:s5+$0x19410]  }
0x1ec: {  	v22 =	vadd.f32 v11, v34;
	v11 =	vld [tilespmem:s5+$0x1BC00];
	v26 =	vadd.f32 v13, v35  }
0x1ed: {  	s6 =	simm.s32 $0x80;
	v23 =	vadd.f32 v23, v36;
	v24 =	vadd.f32 v24, v37;
	v13 =	vld [tilespmem:s5+$0x1A410]  }
.LBB2_9:
0x1ee: {  	p0 =	sne.s32 s6, $0x1F80;
	v9 =	vadd.f32 v9, v16;
	v10 =	vadd.f32 v10, v17;
	v16 =	vld [tilespmem:s5+$0x1AC10]  }
0x1ef: {  	v12 =	vadd.f32 v12, v18;
	v14 =	vadd.f32 v14, v19;
	v17 =	vld [tilespmem:s5+$0x1B410]  }
0x1f0: {  	v15 =	vadd.f32 v15, v20;
	v18 =	vadd.f32 v25, v21;
	v19 =	vld [tilespmem:s5+$0x1BC10]  }
0x1f1: {  	v20 =	vadd.f32 v4, v22;
	v21 =	vadd.f32 v5, v26;
	v22 =	vld [tilespmem:s5+$0x1CC10]  }
0x1f2: {  	v4 =	vadd.f32 v6, v23;
	v5 =	vadd.f32 v8, v24;
	v6 =	vld [tilespmem:s5+$0x1D410]  }
0x1f3: {  	v7 =	vadd.f32 v7, v9;
	v8 =	vadd.f32 v11, v10;
	v9 =	vld [tilespmem:s5+$0x1DC10]  }
0x1f4: {  	v10 =	vadd.f32 v13, v12;
	v11 =	vadd.f32 v16, v14;
	v12 =	vld [tilespmem:s5+$0x1E410]  }
0x1f5: {  	v14 =	vadd.f32 v17, v15;
	v13 =	vld [tilespmem:s5+$0x1EC00];
	v15 =	vadd.f32 v19, v18  }
0x1f6: {  	s3 =	sshra.s32 s6, $0x2;
	v2 =	vadd.f32 v2, v5;
	v16 =	vadd.f32 v0, v4;
	v17 =	vld [tilespmem:s5+$0x1EC10]  }
0x1f7: {  	v1 =	vadd.f32 v1, v7;
	v3 =	vadd.f32 v3, v8;
	v4 =	vld [tilespmem:s3+$0x1C400]  }
0x1f8: {  	v7 =	vadd.f32 v22, v10;
	v6 =	vadd.f32 v6, v11;
	v5 =	vld [tilespmem:s3+$0x1C410]  }
0x1f9: {  	v8 =	vadd.f32 v9, v14;
	v11 =	vld [tilespmem:s3+$0x19C00];
	v9 =	vadd.f32 v12, v15  }
0x1fa: {  	v2 =	vadd.f32 v2, v16;
	v1 =	vadd.f32 v3, v1;
	v0 =	vld [tilespmem:s3+$0x1CC00]  }
0x1fb: {  	v3 =	vadd.f32 v6, v7;
	v10 =	vld [tilespmem:s5+$0x1F400];
	v6 =	vadd.f32 v9, v8  }
0x1fc: {  	v7 =	vadd.f32 v13, v20;
	v8 =	vadd.f32 v1, v2;
	v9 =	vld [tilespmem:s5+$0x1F410]  }
0x1fd: {  	v12 =	vadd.f32 v17, v21;
	v2 =	vld [tilespmem:s3+$0x1D400];
	v6 =	vadd.f32 v6, v3  }
0x1fe: {  	v7 =	vadd.f32 v8, v7;
	v1 =	vld [tilespmem:s3+$0x1DC00]  }
0x1ff: {  	v3 =	vld [tilespmem:s3+$0x1E400];
	v6 =	vadd.f32 v6, v12  }
0x200: {  	v13 =	vld [tilespmem:s3+$0x19C10];
	v7 =	vadd.f32 v7, v10  }
0x201: {  	v10 =	vld [tilespmem:s3+$0x14C00];
	v8 =	vadd.f32 v6, v9  }
0x202: {  	v12 =	vld [tilespmem:s3+$0x17400];
	[tilespmem:s5+$0x1F400] =	vst v7  }
0x203: {  	v6 =	vld [tilespmem:s3+$0x1A400];
	[tilespmem:s5+$0x1F410] =	vst v8;
	s5 =	smov.u32 s3  }
0x204: {  	v8 =	vld [tilespmem:s5+$0x1AC00]  }
0x205: {  	v7 =	vld [tilespmem:s5+$0x1B400]  }
0x206: {  	v14 =	vld [tilespmem:s5+$0x14C10]  }
0x207: {  	v15 =	vld [tilespmem:s5+$0x17410]  }
0x208: {  	v23 =	vld [tilespmem:s5+$0x17C00]  }
0x209: {  	v24 =	vld [tilespmem:s5+$0x18400]  }
0x20a: {  	v9 =	vld [tilespmem:s5+$0x18C00]  }
0x20b: {  	v16 =	vld [tilespmem:s5+$0x12C00]  }
0x20c: {  	v17 =	vld [tilespmem:s5+$0x13400]  }
0x20d: {  	v18 =	vld [tilespmem:s5+$0x13C00]  }
0x20e: {  	v19 =	vld [tilespmem:s5+$0x14400]  }
0x20f: {  	v20 =	vld [tilespmem:s5+$0x15400]  }
0x210: {  	v21 =	vld [tilespmem:s5+$0x15C00]  }
0x211: {  	v22 =	vld [tilespmem:s5+$0x16400]  }
0x212: {  	v25 =	vld [tilespmem:s5+$0x16C00]  }
0x213: {  	v26 =	vld [tilespmem:s5+$0x12C10]  }
0x214: {  	v27 =	vld [tilespmem:s5+$0x13410]  }
0x215: {  	v28 =	vld [tilespmem:s5+$0x13C10]  }
0x216: {  	v29 =	vld [tilespmem:s5+$0x14410]  }
0x217: {  	v30 =	vld [tilespmem:s5+$0x15410]  }
0x218: {  	v31 =	vld [tilespmem:s5+$0x15C10]  }
0x219: {  	v32 =	vld [tilespmem:s5+$0x16410]  }
0x21a: {  	v33 =	vld [tilespmem:s5+$0x16C10]  }
0x21b: {  	v34 =	vadd.f32 v12, v10;
	v35 =	vadd.f32 v15, v14;
	v10 =	vld [tilespmem:s5+$0x19400]  }
0x21c: {  	v36 =	vadd.f32 v20, v16;
	v37 =	vadd.f32 v21, v17;
	v12 =	vld [tilespmem:s5+$0x17C10]  }
.Ltmp3:
0x21d: {  	v16 =	vadd.f32 v22, v18;
	v17 =	vadd.f32 v25, v19;
	v14 =	vld [tilespmem:s5+$0x18410];
	(pc) =	sbr.rel @p0 .LBB2_9-.Ltmp3, $4  }
0x21e: {  	v18 =	vadd.f32 v30, v26;
	v19 =	vadd.f32 v31, v27;
	v15 =	vld [tilespmem:s5+$0x18C10]  }
0x21f: {  	v20 =	vadd.f32 v32, v28;
	v21 =	vadd.f32 v33, v29;
	v25 =	vld [tilespmem:s5+$0x19410]  }
0x220: {  	v22 =	vadd.f32 v11, v34;
	v26 =	vadd.f32 v13, v35;
	v11 =	vld [tilespmem:s5+$0x1BC00]  }
0x221: {  	s6 =	sadd.s32 $0x80, s6;
	v23 =	vadd.f32 v23, v36;
	v24 =	vadd.f32 v24, v37;
	v13 =	vld [tilespmem:s5+$0x1A410]  }
0x222: {  	v9 =	vadd.f32 v9, v16;
	v10 =	vadd.f32 v10, v17;
	v42 =	vld [tilespmem:s5+$0x1AC10]  }
0x223: {  	v12 =	vadd.f32 v12, v18;
	v14 =	vadd.f32 v14, v19;
	v43 =	vld [tilespmem:s5+$0x1B410]  }
0x224: {  	v45 =	vld [tilespmem:s5+$0x1BC10];
	v4 =	vadd.f32 v4, v22;
	v5 =	vadd.f32 v5, v26  }
0x225: {  	v46 =	vld [tilespmem:s5+$0x1CC10];
	v15 =	vadd.f32 v15, v20;
	v6 =	vadd.f32 v6, v23  }
0x226: {  	v47 =	vld [tilespmem:s5+$0x1D410];
	v8 =	vadd.f32 v8, v24;
	v44 =	vadd.f32 v25, v21  }
0x227: {  	v49 =	vld [tilespmem:s5+$0x1DC10];
	v7 =	vadd.f32 v7, v9;
	v48 =	vadd.f32 v11, v10  }
0x228: {  	v52 =	vld [tilespmem:s5+$0x1E410];
	v0 =	vadd.f32 v0, v6;
	v2 =	vadd.f32 v2, v8  }
0x229: {  	v50 =	vadd.f32 v13, v12;
	v1 =	vadd.f32 v1, v7  }
0x22a: {  	v51 =	vadd.f32 v42, v14;
	v53 =	vadd.f32 v43, v15  }
0x22b: {  	v55 =	vld [tilespmem:s5+$0x1EC00];
	v54 =	vadd.f32 v45, v44;
	v3 =	vadd.f32 v3, v48  }
0x22c: {  	v56 =	vld [tilespmem:s5+$0x1EC10];
	v57 =	vadd.f32 v46, v50;
	v58 =	vadd.f32 v47, v51  }
0x22d: {  	v10 =	vadd.f32 v49, v53;
	v59 =	vadd.f32 v52, v54  }
0x22e: {  	v0 =	vadd.f32 v2, v0;
	v1 =	vadd.f32 v3, v1  }
0x22f: {  	v60 =	vld [tilespmem:s5+$0x1F400];
	v61 =	vadd.f32 v58, v57;
	v62 =	vadd.f32 v59, v10  }
0x230: {  	v63 =	vld [tilespmem:s5+$0x1F410];
	v4 =	vadd.f32 v55, v4;
	v0 =	vadd.f32 v1, v0  }
0x231: {  	s26 =	sadd.s32 $0x1, s26;
	v5 =	vadd.f32 v56, v5;
	v3 =	vadd.f32 v62, v61  }
0x232: {  	p0 =	sne.s32 s26, $0x4;
	v0 =	vadd.f32 v0, v4  }
.Ltmp4:
0x233: {  	v3 =	vadd.f32 v3, v5;
	(pc) =	sbr.rel @p0 .LBB2_4-.Ltmp4, $4  }
0x234: {  	v0 =	vadd.f32 v0, v60  }
0x235: {  	v1 =	vadd.f32 v3, v63  }
0x236: {  	[tilespmem:s5+$0x1F400] =	vst v0  }
0x237: {  	[tilespmem:s5+$0x1F410] =	vst v1  }
0x238: {  	s7 =	simm.s32 $0x0  }
0x239: {  	s3 =	rddreg [dreg:$0x5];
	s5 =	simm.s32 $0x1F400;
	s6 =	simm.s32 $0x3  }
0x23a: {  	[hbm4b:s3+s7] =	stream.linear.scatter [tilespmem:s5], [sflag:$0x3], $0x800, $0x38;
	[tilespmem:$0x1FC10] =	vst v63  }
0x23b: {  	_ =	swait.ge [sflag:s6], $0x800  }
0x23c: {  	s3 =	rddreg [dreg:$0x7]  }
0x23d: {  	s26 =	rddreg [dreg:$0x6];
	s5 =	sadd.s32 $0x1, s3  }
0x23e: {  	p0 =	sne.s32 s5, s26  }
.Ltmp5:
0x23f: {  	_ = 	snop;
	(pc) =	sbr.rel @p0 .LBB2_1-.Ltmp5, $3  }
0x240: {  	_ =	sdelay $0x1  }
0x241: {  	[sflag:s6] =	ssyncset.done $0x0  }
0x242: {  	[sflag:s6] =	ssyncadd.s32 $0xFFFFF800  }
0x243: {  	_ =	sfence.sel $0x180000  }
0x244: {  	[bflag:$0x0] =	sbarrier.arrive $0xFFFF  }
0x245: {  	_ =	strace $0x90000047  }
0x246: {  	s0 =	stileid.u32;
	[bflag:$0x2] =	sbarrier.arrive $0xFFFF  }
0x247: {  	p0 =	sne.s32 s0, $0x0;
	s0 =	rddreg [dreg:$0x3]  }
0x248: {  	s0 =	sadd.s32 @!p0 $0x100000, s0  }
0x249: {  	[sflag:s0] =	ssyncadd.tile.s32 @!p0 $0x1;
	_ =	shalt  }
.Lfunc_end2:
_tile_overlayer_lowered:
.L_overlay_start_2:
0x24a: {  	(tag) =	ssettag $0x2  }
0x24b: {  	s0 =	rddreg [dreg:$0x0];
	s2 =	stileid.u32  }
0x24c: {  	s1 =	rddreg [dreg:$0x1];
	p0 =	sne.s32 s2, $0x0  }
0x24d: {  	s3 =	rddreg [dreg:$0x2];
	[bflag:$0x3] =	sbarrier.arrive $0xFFFF;
	s2 =	simm.s32 @!p0 $0x1C03  }
0x24e: {  	[timem:s3], [sflag:s2] =	dma.local @!p0 [hbm:s0], s1  }
0x24f: {  	s0 =	simm.s32 @!p0 $0x3  }
0x250: {  	_ =	swait.ge @!p0 [sflag:s0], s1  }
0x251: {  	s1 =	ssub.s32 @!p0 $0x0, s1;
	[sflag:s0] =	ssyncset.done @!p0 $0x0  }
0x252: {  	[sflag:s0] =	ssyncadd.s32 @!p0 s1  }
0x253: {  	[bflag:$0x3] =	sbarrier.arrive $0xFFFF  }
0x254: {  	_ =	shalt  }

</sc_bundles>
